<compile_context>
chip_gen: v7x
topology: tpu7x:2x2x1
jax: 0.10.2.dev20260603
libtpu: 0.0.44.dev20260713+nightly
codegen_flags: <defaults>
</compile_context>

<pallas_src>
import functools

import jax
import jax.numpy as jnp
from jax import lax
from jax.experimental import pallas as pl
from jax.experimental.pallas import tpu as pltpu
from jax.experimental.pallas import tpu_sc as plsc

_U = 50001
_I = 50001
_N = _U + _I
_E2 = 1600000
_D = 64

_BLK = 128
_NSUB = 16
_NCORE = 2

_EPT_SEG = 100096
_NBLK_SEG = _EPT_SEG // _BLK
_EPAD = _EPT_SEG * _NSUB
_EPT_DEG = _EPAD // 32
_NBLK_DEG = _EPT_DEG // _BLK

_CHUNK = 28672
_NCHUNK = 4
_NPAD = _CHUNK * _NCHUNK
_STRIPE = _CHUNK // _NSUB
_DEG_W = 8
_DEG_STRIPE = _NPAD // _NSUB


def _mesh():
    return plsc.VectorSubcoreMesh(core_axis_name="c", subcore_axis_name="s")


@functools.partial(
    pl.kernel,
    mesh=_mesh(),
    compiler_params=pltpu.CompilerParams(use_tc_tiling_on_sc=False),
    out_type=jax.ShapeDtypeStruct((_NCORE * _NPAD, _DEG_W), jnp.float32),
    scratch_types=[
        pltpu.VMEM((_BLK,), jnp.int32),
        pltpu.VMEM((_BLK, _DEG_W), jnp.float32),
        pltpu.VMEM_SHARED((_NPAD, _DEG_W), jnp.float32),
    ],
)
def _deg_kernel(rows_hbm, ones_hbm, zeros_hbm, out_hbm, ridx_v, ones_v, acc):
    c = lax.axis_index("c")
    s = lax.axis_index("s")
    pltpu.sync_copy(ones_hbm, ones_v)
    pltpu.sync_copy(zeros_hbm, acc.at[pl.ds(s * _DEG_STRIPE, _DEG_STRIPE)])
    plsc.subcore_barrier()
    base = (s * _NCORE + c) * _EPT_DEG

    def body(b, carry):
        pltpu.sync_copy(rows_hbm.at[pl.ds(base + b * _BLK, _BLK)], ridx_v)
        pltpu.sync_copy(ones_v, acc.at[ridx_v], add=True)
        return carry

    lax.fori_loop(0, _NBLK_DEG, body, 0)
    plsc.subcore_barrier()
    pltpu.sync_copy(
        acc.at[pl.ds(s * _DEG_STRIPE, _DEG_STRIPE)],
        out_hbm.at[pl.ds(c * _NPAD + s * _DEG_STRIPE, _DEG_STRIPE)],
    )


@functools.partial(
    pl.kernel,
    mesh=_mesh(),
    compiler_params=pltpu.CompilerParams(use_tc_tiling_on_sc=False),
    out_type=jax.ShapeDtypeStruct((_NPAD, _D), jnp.float32),
    scratch_types=[
        pltpu.VMEM((_BLK,), jnp.int32),
        pltpu.VMEM((_BLK,), jnp.int32),
        pltpu.VMEM((_BLK,), jnp.int32),
        pltpu.VMEM((_BLK, _D), jnp.float32),
        pltpu.SemaphoreType.DMA,
        pltpu.VMEM_SHARED((_CHUNK + 8, _D), jnp.float32),
    ],
)
def _seg_kernel(x_hbm, rows_hbm, cols_hbm, zeros_hbm, out_hbm,
                ridx_v, cidx_v, lidx_v, g_v, sem, acc):
    c = lax.axis_index("c")
    s = lax.axis_index("s")
    base = s * _EPT_SEG
    for i in range(_NCHUNK // _NCORE):
        ko = c + _NCORE * i
        lo = ko * _CHUNK
        pltpu.sync_copy(zeros_hbm, acc.at[pl.ds(s * _STRIPE, _STRIPE)])
        plsc.subcore_barrier()
        lo_v = jnp.full((16,), lo, jnp.int32)
        hi_v = lo_v + _CHUNK

        def body(b, carry):
            off = base + b * _BLK
            pltpu.sync_copy(rows_hbm.at[pl.ds(off, _BLK)], ridx_v)
            pltpu.sync_copy(cols_hbm.at[pl.ds(off, _BLK)], cidx_v)
            for j in range(_BLK // 16):
                r = ridx_v[pl.ds(j * 16, 16)]
                ok = (r >= lo_v) & (r < hi_v)
                lidx_v[pl.ds(j * 16, 16)] = jnp.where(ok, r - lo_v, _CHUNK)
            pltpu.async_copy(x_hbm.at[cidx_v], g_v, sem).wait()
            pltpu.sync_copy(g_v, acc.at[lidx_v], add=True)
            return carry

        lax.fori_loop(0, _NBLK_SEG, body, 0)
        plsc.subcore_barrier()
        pltpu.sync_copy(
            acc.at[pl.ds(s * _STRIPE, _STRIPE)],
            out_hbm.at[pl.ds(lo + s * _STRIPE, _STRIPE)],
        )
        plsc.subcore_barrier()


def kernel(user_emb, item_emb, user_idx, item_idx):
    rows = jnp.concatenate([user_idx, item_idx + _U])
    cols = jnp.concatenate([item_idx + _U, user_idx])
    pad = _EPAD - _E2
    rows_p = jnp.concatenate([rows, jnp.full((pad,), _N, jnp.int32)])
    cols_p = jnp.concatenate([cols, jnp.zeros((pad,), jnp.int32)])

    ones_blk = jnp.ones((_BLK, _DEG_W), jnp.float32)
    zeros_deg = jnp.zeros((_DEG_STRIPE, _DEG_W), jnp.float32)
    deg_parts = _deg_kernel(rows_p, ones_blk, zeros_deg)
    deg = deg_parts[: _NPAD, 0] + deg_parts[_NPAD:, 0]
    dis = jax.lax.rsqrt(deg[:_N] + 1e-07)

    e0 = jnp.concatenate([user_emb, item_emb], axis=0)
    zeros_seg = jnp.zeros((_STRIPE, _D), jnp.float32)
    out_acc = e0
    x = e0
    for _ in range(3):
        xs = dis[:, None] * x
        y = _seg_kernel(xs, rows_p, cols_p, zeros_seg)
        x = dis[:, None] * y[:_N]
        out_acc = out_acc + x
    total = out_acc * 0.25
    return (total[:_U], total[_U:])

# --- scband reference (transcript-rebuilt; emitter-appended) ---
"""Pipeline reference for scband-light-gcn-24927990186516 (READ-ONLY COPY).

The authoritative reference and input builder live on the scoring server;
editing this copy changes nothing except your own understanding.
"""

import jax, jax.numpy as jnp
import numpy as np

U = 50001  # user_count = user_num + 1
I = 50001  # item_count = item_num + 1
E = 800000  # number of user-item interactions
D = 64     # embedding_size
N_LAYERS = 3


def setup_inputs(seed: int = 0) -> dict:
    key = jax.random.key(seed)
    k1, k2, k3, k4 = jax.random.split(key, 4)
    user_emb = jax.random.normal(k1, (U, D), dtype=jnp.float32) * 0.1
    item_emb = jax.random.normal(k2, (I, D), dtype=jnp.float32) * 0.1
    user_idx = jax.random.randint(k3, (E,), 0, U, dtype=jnp.int32)
    item_idx = jax.random.randint(k4, (E,), 0, I, dtype=jnp.int32)
    return {
        "user_emb": user_emb,
        "item_emb": item_emb,
        "user_idx": user_idx,
        "item_idx": item_idx,
    }


def reference(user_emb, item_emb, user_idx, item_idx):
    N = U + I
    # Build symmetric bipartite adjacency edge list:
    #   A[user, item + U] = 1 and A[item + U, user] = 1
    rows = jnp.concatenate([user_idx, item_idx + U])
    cols = jnp.concatenate([item_idx + U, user_idx])
    # Degree-based symmetric normalization D^{-1/2} A D^{-1/2}
    deg = jnp.bincount(rows, length=N).astype(jnp.float32) + 1e-07
    d_inv_sqrt = jnp.power(deg, -0.5)
    vals = d_inv_sqrt[rows] * d_inv_sqrt[cols]
    # LightGCN propagation: out[row] += val * emb[col]
    all_emb = jnp.concatenate([user_emb, item_emb], axis=0)
    embedding_list = [all_emb]
    emb = all_emb
    for _ in range(N_LAYERS):
        msgs = vals[:, None] * jnp.take(emb, cols, axis=0)
        emb = jax.ops.segment_sum(msgs, rows, num_segments=N)
        embedding_list.append(emb)
    total_E = jnp.mean(jnp.stack(embedding_list, axis=1), axis=1)
    user_all_embedding = total_E[:U]
    item_all_embedding = total_E[U:]
    return (user_all_embedding, item_all_embedding)

if __name__ == "__main__":
    import jax
    _d = setup_inputs()
    print(jax.jit(kernel)(*tuple(_d.values())))

</pallas_src>

<mosaic_0001>
#map = affine_map<(d0, d1) -> (0, 0)>
#map1 = affine_map<(d0, d1) -> (0)>
module attributes {stable_mosaic.version = 14 : i64} {
  func.func @_seg_kernel(%arg0: i32, %arg1: i32, %arg2: memref<100002x64xf32, #tpu.memory_space<hbm>>, %arg3: memref<1601536xi32, #tpu.memory_space<hbm>>, %arg4: memref<1601536xi32, #tpu.memory_space<hbm>>, %arg5: memref<1792x64xf32, #tpu.memory_space<hbm>>, %arg6: memref<114688x64xf32, #tpu.memory_space<hbm>>, %arg7: memref<128xi32, #tpu.memory_space<vmem>>, %arg8: memref<128xi32, #tpu.memory_space<vmem>>, %arg9: memref<128xi32, #tpu.memory_space<vmem>>, %arg10: memref<128x64xf32, #tpu.memory_space<vmem>>, %arg11: memref<!tpu.dma_semaphore, #tpu.memory_space<semaphore_mem>>, %arg12: memref<28680x64xf32, #tpu.memory_space<vmem_shared>>) attributes {dimension_semantics = [#tpu.dimension_semantics<core_parallel>, #tpu.dimension_semantics<subcore_parallel>], iteration_bounds = array<i64: 2, 16>, scalar_prefetch = 0 : i64, scratch_operands = 6 : i64, tpu.core_type = #tpu.core_type<sc_vector_subcore>, window_params = [{transform_indices = #map}, {transform_indices = #map1}, {transform_indices = #map1}, {transform_indices = #map}, {transform_indices = #map}]} {
    %mul3A = arith.constant 100096 : i32
    %mul3A_0 = arith.muli %arg1, %mul3A : i32
    %add3A = arith.constant 0 : i32
    %add3A_1 = arith.addi %arg0, %add3A : i32
    %mul3A_2 = arith.constant 28672 : i32
    %mul3A_3 = arith.muli %add3A_1, %mul3A_2 : i32
    %mul3A_4 = arith.constant 1792 : i32
    %mul3A_5 = arith.muli %arg1, %mul3A_4 : i32
    "tpu.region"() ({
      %run_scoped3A = tpu.sem_alloc : memref<!tpu.dma_semaphore, #tpu.memory_space<semaphore_mem>>
      %dma_start3A = arith.constant 0 : i32
      %dma_start3A_45 = tpu.memref_slice %arg12[%mul3A_5, %dma_start3A] : memref<28680x64xf32, #tpu.memory_space<vmem_shared>> -> memref<1792x64xf32, #tpu.memory_space<vmem_shared>>
      tpu.enqueue_dma source(%arg5 : memref<1792x64xf32, #tpu.memory_space<hbm>>) target(%dma_start3A_45 : memref<1792x64xf32, #tpu.memory_space<vmem_shared>>) target_semaphore(%run_scoped3A : memref<!tpu.dma_semaphore, #tpu.memory_space<semaphore_mem>>)
      %dma_wait3A = arith.constant 0 : i32
      %dma_wait3A_46 = tpu.memref_slice %arg12[%mul3A_5, %dma_wait3A] : memref<28680x64xf32, #tpu.memory_space<vmem_shared>> -> memref<1792x64xf32, #tpu.memory_space<vmem_shared>>
      tpu.wait_dma2 semaphore(%run_scoped3A : memref<!tpu.dma_semaphore, #tpu.memory_space<semaphore_mem>>) src(%arg5 : memref<1792x64xf32, #tpu.memory_space<hbm>>) dst(%dma_wait3A_46 : memref<1792x64xf32, #tpu.memory_space<vmem_shared>>)
      tpu.yield
    }) : () -> ()
    %barrier3A = arith.constant 0 : index
    tpu.barrier barrier_id(%barrier3A)
    %broadcast_in_dim3A = vector.broadcast %mul3A_3 : i32 to vector<16xi32>
    %add3A_6 = arith.constant 28672 : i32
    %add3A_7 = vector.broadcast %add3A_6 : i32 to vector<16xi32>
    %add3A_8 = arith.addi %broadcast_in_dim3A, %add3A_7 : vector<16xi32>
    %scan3A = arith.constant 0 : i32
    %scan3A_9 = arith.constant 0 : i32
    %scan3A_10 = arith.constant 782 : i32
    %scan3A_11 = arith.addi %scan3A_9, %scan3A_10 : i32
    %scan3A_12 = arith.constant 1 : i32
    scf.for %scan3A_45 = %scan3A_9 to %scan3A_11 step %scan3A_12  : i32 {
      %mul3A_46 = arith.constant 128 : i32
      %mul3A_47 = arith.muli %scan3A_45, %mul3A_46 : i32
      %add3A_48 = arith.addi %mul3A_0, %mul3A_47 : i32
      "tpu.region"() ({
        %run_scoped3A = tpu.sem_alloc : memref<!tpu.dma_semaphore, #tpu.memory_space<semaphore_mem>>
        %dma_start3A_157 = tpu.memref_slice %arg3[%add3A_48] : memref<1601536xi32, #tpu.memory_space<hbm>> -> memref<128xi32, #tpu.memory_space<hbm>>
        %dma_start3A_158 = tpu.memref_slice %arg3[%add3A_48] : memref<1601536xi32, #tpu.memory_space<hbm>> -> memref<128xi32, #tpu.memory_space<hbm>>
        tpu.enqueue_dma source(%dma_start3A_158 : memref<128xi32, #tpu.memory_space<hbm>>) target(%arg7 : memref<128xi32, #tpu.memory_space<vmem>>) target_semaphore(%run_scoped3A : memref<!tpu.dma_semaphore, #tpu.memory_space<semaphore_mem>>)
        %dma_wait3A_159 = tpu.memref_slice %arg3[%add3A_48] : memref<1601536xi32, #tpu.memory_space<hbm>> -> memref<128xi32, #tpu.memory_space<hbm>>
        %dma_wait3A_160 = tpu.memref_slice %arg3[%add3A_48] : memref<1601536xi32, #tpu.memory_space<hbm>> -> memref<128xi32, #tpu.memory_space<hbm>>
        tpu.wait_dma2 semaphore(%run_scoped3A : memref<!tpu.dma_semaphore, #tpu.memory_space<semaphore_mem>>) src(%dma_wait3A_160 : memref<128xi32, #tpu.memory_space<hbm>>) dst(%arg7 : memref<128xi32, #tpu.memory_space<vmem>>)
        tpu.yield
      }) : () -> ()
      "tpu.region"() ({
        %run_scoped3A = tpu.sem_alloc : memref<!tpu.dma_semaphore, #tpu.memory_space<semaphore_mem>>
        %dma_start3A_157 = tpu.memref_slice %arg4[%add3A_48] : memref<1601536xi32, #tpu.memory_space<hbm>> -> memref<128xi32, #tpu.memory_space<hbm>>
        %dma_start3A_158 = tpu.memref_slice %arg4[%add3A_48] : memref<1601536xi32, #tpu.memory_space<hbm>> -> memref<128xi32, #tpu.memory_space<hbm>>
        tpu.enqueue_dma source(%dma_start3A_158 : memref<128xi32, #tpu.memory_space<hbm>>) target(%arg8 : memref<128xi32, #tpu.memory_space<vmem>>) target_semaphore(%run_scoped3A : memref<!tpu.dma_semaphore, #tpu.memory_space<semaphore_mem>>)
        %dma_wait3A_159 = tpu.memref_slice %arg4[%add3A_48] : memref<1601536xi32, #tpu.memory_space<hbm>> -> memref<128xi32, #tpu.memory_space<hbm>>
        %dma_wait3A_160 = tpu.memref_slice %arg4[%add3A_48] : memref<1601536xi32, #tpu.memory_space<hbm>> -> memref<128xi32, #tpu.memory_space<hbm>>
        tpu.wait_dma2 semaphore(%run_scoped3A : memref<!tpu.dma_semaphore, #tpu.memory_space<semaphore_mem>>) src(%dma_wait3A_160 : memref<128xi32, #tpu.memory_space<hbm>>) dst(%arg8 : memref<128xi32, #tpu.memory_space<vmem>>)
        tpu.yield
      }) : () -> ()
      %get3A = arith.constant 0 : index
      %get3A_49 = tpu.vector_load %arg7[%get3A] {strides = array<i32>} : memref<128xi32, #tpu.memory_space<vmem>>, vector<16xi32>,
      %get3A_50 = vector.shape_cast %get3A_49 : vector<16xi32> to vector<16xi32>
      %ge3A = arith.cmpi sge, %get3A_50, %broadcast_in_dim3A : vector<16xi32>
      %lt3A = arith.cmpi slt, %get3A_50, %add3A_8 : vector<16xi32>
      %and3A = arith.andi %ge3A, %lt3A : vector<16xi1>
      %sub3A = arith.subi %get3A_50, %broadcast_in_dim3A : vector<16xi32>
      %jit3A = arith.constant 28672 : i32
      %broadcast_in_dim3A_51 = vector.broadcast %jit3A : i32 to vector<16xi32>
      %select_n3A = arith.select %and3A, %sub3A, %broadcast_in_dim3A_51 : vector<16xi1>, vector<16xi32>
      %swap3A = arith.constant 0 : index
      %swap3A_52 = tpu.vector_load %arg9[%swap3A] {strides = array<i32>} : memref<128xi32, #tpu.memory_space<vmem>>, vector<16xi32>,
      %swap3A_53 = vector.shape_cast %swap3A_52 : vector<16xi32> to vector<16xi32>
      %swap3A_54 = vector.shape_cast %select_n3A : vector<16xi32> to vector<16xi32>
      tpu.vector_store %arg9[%swap3A], %swap3A_54 {strides = array<i32>} : memref<128xi32, #tpu.memory_space<vmem>>, vector<16xi32>,
      %get3A_55 = arith.constant 16 : index
      %get3A_56 = tpu.vector_load %arg7[%get3A_55] {strides = array<i32>} : memref<128xi32, #tpu.memory_space<vmem>>, vector<16xi32>,
      %get3A_57 = vector.shape_cast %get3A_56 : vector<16xi32> to vector<16xi32>
      %ge3A_58 = arith.cmpi sge, %get3A_57, %broadcast_in_dim3A : vector<16xi32>
      %lt3A_59 = arith.cmpi slt, %get3A_57, %add3A_8 : vector<16xi32>
      %and3A_60 = arith.andi %ge3A_58, %lt3A_59 : vector<16xi1>
      %sub3A_61 = arith.subi %get3A_57, %broadcast_in_dim3A : vector<16xi32>
      %jit3A_62 = arith.constant 28672 : i32
      %broadcast_in_dim3A_63 = vector.broadcast %jit3A_62 : i32 to vector<16xi32>
      %select_n3A_64 = arith.select %and3A_60, %sub3A_61, %broadcast_in_dim3A_63 : vector<16xi1>, vector<16xi32>
      %swap3A_65 = arith.constant 16 : index
      %swap3A_66 = tpu.vector_load %arg9[%swap3A_65] {strides = array<i32>} : memref<128xi32, #tpu.memory_space<vmem>>, vector<16xi32>,
      %swap3A_67 = vector.shape_cast %swap3A_66 : vector<16xi32> to vector<16xi32>
      %swap3A_68 = vector.shape_cast %select_n3A_64 : vector<16xi32> to vector<16xi32>
      tpu.vector_store %arg9[%swap3A_65], %swap3A_68 {strides = array<i32>} : memref<128xi32, #tpu.memory_space<vmem>>, vector<16xi32>,
      %get3A_69 = arith.constant 32 : index
      %get3A_70 = tpu.vector_load %arg7[%get3A_69] {strides = array<i32>} : memref<128xi32, #tpu.memory_space<vmem>>, vector<16xi32>,
      %get3A_71 = vector.shape_cast %get3A_70 : vector<16xi32> to vector<16xi32>
      %ge3A_72 = arith.cmpi sge, %get3A_71, %broadcast_in_dim3A : vector<16xi32>
      %lt3A_73 = arith.cmpi slt, %get3A_71, %add3A_8 : vector<16xi32>
      %and3A_74 = arith.andi %ge3A_72, %lt3A_73 : vector<16xi1>
      %sub3A_75 = arith.subi %get3A_71, %broadcast_in_dim3A : vector<16xi32>
      %jit3A_76 = arith.constant 28672 : i32
      %broadcast_in_dim3A_77 = vector.broadcast %jit3A_76 : i32 to vector<16xi32>
      %select_n3A_78 = arith.select %and3A_74, %sub3A_75, %broadcast_in_dim3A_77 : vector<16xi1>, vector<16xi32>
      %swap3A_79 = arith.constant 32 : index
      %swap3A_80 = tpu.vector_load %arg9[%swap3A_79] {strides = array<i32>} : memref<128xi32, #tpu.memory_space<vmem>>, vector<16xi32>,
      %swap3A_81 = vector.shape_cast %swap3A_80 : vector<16xi32> to vector<16xi32>
      %swap3A_82 = vector.shape_cast %select_n3A_78 : vector<16xi32> to vector<16xi32>
      tpu.vector_store %arg9[%swap3A_79], %swap3A_82 {strides = array<i32>} : memref<128xi32, #tpu.memory_space<vmem>>, vector<16xi32>,
      %get3A_83 = arith.constant 48 : index
      %get3A_84 = tpu.vector_load %arg7[%get3A_83] {strides = array<i32>} : memref<128xi32, #tpu.memory_space<vmem>>, vector<16xi32>,
      %get3A_85 = vector.shape_cast %get3A_84 : vector<16xi32> to vector<16xi32>
      %ge3A_86 = arith.cmpi sge, %get3A_85, %broadcast_in_dim3A : vector<16xi32>
      %lt3A_87 = arith.cmpi slt, %get3A_85, %add3A_8 : vector<16xi32>
      %and3A_88 = arith.andi %ge3A_86, %lt3A_87 : vector<16xi1>
      %sub3A_89 = arith.subi %get3A_85, %broadcast_in_dim3A : vector<16xi32>
      %jit3A_90 = arith.constant 28672 : i32
      %broadcast_in_dim3A_91 = vector.broadcast %jit3A_90 : i32 to vector<16xi32>
      %select_n3A_92 = arith.select %and3A_88, %sub3A_89, %broadcast_in_dim3A_91 : vector<16xi1>, vector<16xi32>
      %swap3A_93 = arith.constant 48 : index
      %swap3A_94 = tpu.vector_load %arg9[%swap3A_93] {strides = array<i32>} : memref<128xi32, #tpu.memory_space<vmem>>, vector<16xi32>,
      %swap3A_95 = vector.shape_cast %swap3A_94 : vector<16xi32> to vector<16xi32>
      %swap3A_96 = vector.shape_cast %select_n3A_92 : vector<16xi32> to vector<16xi32>
      tpu.vector_store %arg9[%swap3A_93], %swap3A_96 {strides = array<i32>} : memref<128xi32, #tpu.memory_space<vmem>>, vector<16xi32>,
      %get3A_97 = arith.constant 64 : index
      %get3A_98 = tpu.vector_load %arg7[%get3A_97] {strides = array<i32>} : memref<128xi32, #tpu.memory_space<vmem>>, vector<16xi32>,
      %get3A_99 = vector.shape_cast %get3A_98 : vector<16xi32> to vector<16xi32>
      %ge3A_100 = arith.cmpi sge, %get3A_99, %broadcast_in_dim3A : vector<16xi32>
      %lt3A_101 = arith.cmpi slt, %get3A_99, %add3A_8 : vector<16xi32>
      %and3A_102 = arith.andi %ge3A_100, %lt3A_101 : vector<16xi1>
      %sub3A_103 = arith.subi %get3A_99, %broadcast_in_dim3A : vector<16xi32>
      %jit3A_104 = arith.constant 28672 : i32
      %broadcast_in_dim3A_105 = vector.broadcast %jit3A_104 : i32 to vector<16xi32>
      %select_n3A_106 = arith.select %and3A_102, %sub3A_103, %broadcast_in_dim3A_105 : vector<16xi1>, vector<16xi32>
      %swap3A_107 = arith.constant 64 : index
      %swap3A_108 = tpu.vector_load %arg9[%swap3A_107] {strides = array<i32>} : memref<128xi32, #tpu.memory_space<vmem>>, vector<16xi32>,
      %swap3A_109 = vector.shape_cast %swap3A_108 : vector<16xi32> to vector<16xi32>
      %swap3A_110 = vector.shape_cast %select_n3A_106 : vector<16xi32> to vector<16xi32>
      tpu.vector_store %arg9[%swap3A_107], %swap3A_110 {strides = array<i32>} : memref<128xi32, #tpu.memory_space<vmem>>, vector<16xi32>,
      %get3A_111 = arith.constant 80 : index
      %get3A_112 = tpu.vector_load %arg7[%get3A_111] {strides = array<i32>} : memref<128xi32, #tpu.memory_space<vmem>>, vector<16xi32>,
      %get3A_113 = vector.shape_cast %get3A_112 : vector<16xi32> to vector<16xi32>
      %ge3A_114 = arith.cmpi sge, %get3A_113, %broadcast_in_dim3A : vector<16xi32>
      %lt3A_115 = arith.cmpi slt, %get3A_113, %add3A_8 : vector<16xi32>
      %and3A_116 = arith.andi %ge3A_114, %lt3A_115 : vector<16xi1>
      %sub3A_117 = arith.subi %get3A_113, %broadcast_in_dim3A : vector<16xi32>
      %jit3A_118 = arith.constant 28672 : i32
      %broadcast_in_dim3A_119 = vector.broadcast %jit3A_118 : i32 to vector<16xi32>
      %select_n3A_120 = arith.select %and3A_116, %sub3A_117, %broadcast_in_dim3A_119 : vector<16xi1>, vector<16xi32>
      %swap3A_121 = arith.constant 80 : index
      %swap3A_122 = tpu.vector_load %arg9[%swap3A_121] {strides = array<i32>} : memref<128xi32, #tpu.memory_space<vmem>>, vector<16xi32>,
      %swap3A_123 = vector.shape_cast %swap3A_122 : vector<16xi32> to vector<16xi32>
      %swap3A_124 = vector.shape_cast %select_n3A_120 : vector<16xi32> to vector<16xi32>
      tpu.vector_store %arg9[%swap3A_121], %swap3A_124 {strides = array<i32>} : memref<128xi32, #tpu.memory_space<vmem>>, vector<16xi32>,
      %get3A_125 = arith.constant 96 : index
      %get3A_126 = tpu.vector_load %arg7[%get3A_125] {strides = array<i32>} : memref<128xi32, #tpu.memory_space<vmem>>, vector<16xi32>,
      %get3A_127 = vector.shape_cast %get3A_126 : vector<16xi32> to vector<16xi32>
      %ge3A_128 = arith.cmpi sge, %get3A_127, %broadcast_in_dim3A : vector<16xi32>
      %lt3A_129 = arith.cmpi slt, %get3A_127, %add3A_8 : vector<16xi32>
      %and3A_130 = arith.andi %ge3A_128, %lt3A_129 : vector<16xi1>
      %sub3A_131 = arith.subi %get3A_127, %broadcast_in_dim3A : vector<16xi32>
      %jit3A_132 = arith.constant 28672 : i32
      %broadcast_in_dim3A_133 = vector.broadcast %jit3A_132 : i32 to vector<16xi32>
      %select_n3A_134 = arith.select %and3A_130, %sub3A_131, %broadcast_in_dim3A_133 : vector<16xi1>, vector<16xi32>
      %swap3A_135 = arith.constant 96 : index
      %swap3A_136 = tpu.vector_load %arg9[%swap3A_135] {strides = array<i32>} : memref<128xi32, #tpu.memory_space<vmem>>, vector<16xi32>,
      %swap3A_137 = vector.shape_cast %swap3A_136 : vector<16xi32> to vector<16xi32>
      %swap3A_138 = vector.shape_cast %select_n3A_134 : vector<16xi32> to vector<16xi32>
      tpu.vector_store %arg9[%swap3A_135], %swap3A_138 {strides = array<i32>} : memref<128xi32, #tpu.memory_space<vmem>>, vector<16xi32>,
      %get3A_139 = arith.constant 112 : index
      %get3A_140 = tpu.vector_load %arg7[%get3A_139] {strides = array<i32>} : memref<128xi32, #tpu.memory_space<vmem>>, vector<16xi32>,
      %get3A_141 = vector.shape_cast %get3A_140 : vector<16xi32> to vector<16xi32>
      %ge3A_142 = arith.cmpi sge, %get3A_141, %broadcast_in_dim3A : vector<16xi32>
      %lt3A_143 = arith.cmpi slt, %get3A_141, %add3A_8 : vector<16xi32>
      %and3A_144 = arith.andi %ge3A_142, %lt3A_143 : vector<16xi1>
      %sub3A_145 = arith.subi %get3A_141, %broadcast_in_dim3A : vector<16xi32>
      %jit3A_146 = arith.constant 28672 : i32
      %broadcast_in_dim3A_147 = vector.broadcast %jit3A_146 : i32 to vector<16xi32>
      %select_n3A_148 = arith.select %and3A_144, %sub3A_145, %broadcast_in_dim3A_147 : vector<16xi1>, vector<16xi32>
      %swap3A_149 = arith.constant 112 : index
      %swap3A_150 = tpu.vector_load %arg9[%swap3A_149] {strides = array<i32>} : memref<128xi32, #tpu.memory_space<vmem>>, vector<16xi32>,
      %swap3A_151 = vector.shape_cast %swap3A_150 : vector<16xi32> to vector<16xi32>
      %swap3A_152 = vector.shape_cast %select_n3A_148 : vector<16xi32> to vector<16xi32>
      tpu.vector_store %arg9[%swap3A_149], %swap3A_152 {strides = array<i32>} : memref<128xi32, #tpu.memory_space<vmem>>, vector<16xi32>,
      %dma_start3A = arith.constant 0 : i32
      %dma_start3A_153 = arith.constant 0 : i32
      %dma_start3A_154 = tpu.memref_slice %arg2[%dma_start3A, %dma_start3A_153] : memref<100002x64xf32, #tpu.memory_space<hbm>> -> memref<100002x64xf32, #tpu.memory_space<hbm>>
      tpu.enqueue_indirect_dma source(%dma_start3A_154 : memref<100002x64xf32, #tpu.memory_space<hbm>>) target(%arg10 : memref<128x64xf32, #tpu.memory_space<vmem>>) offsets(%arg8 : memref<128xi32, #tpu.memory_space<vmem>>) semaphore(%arg11 : memref<!tpu.dma_semaphore, #tpu.memory_space<semaphore_mem>>)
      %dma_wait3A = arith.constant 0 : i32
      %dma_wait3A_155 = arith.constant 0 : i32
      %dma_wait3A_156 = tpu.memref_slice %arg2[%dma_wait3A, %dma_wait3A_155] : memref<100002x64xf32, #tpu.memory_space<hbm>> -> memref<100002x64xf32, #tpu.memory_space<hbm>>
      tpu.wait_indirect_dma semaphore(%arg11 : memref<!tpu.dma_semaphore, #tpu.memory_space<semaphore_mem>>) src(%dma_wait3A_156 : memref<100002x64xf32, #tpu.memory_space<hbm>>) dst(%arg10 : memref<128x64xf32, #tpu.memory_space<vmem>>)
      "tpu.region"() ({
        %run_scoped3A = tpu.sem_alloc : memref<!tpu.dma_semaphore, #tpu.memory_space<semaphore_mem>>
        %dma_start3A_157 = arith.constant 0 : i32
        %dma_start3A_158 = arith.constant 0 : i32
        %dma_start3A_159 = tpu.memref_slice %arg12[%dma_start3A_157, %dma_start3A_158] : memref<28680x64xf32, #tpu.memory_space<vmem_shared>> -> memref<28680x64xf32, #tpu.memory_space<vmem_shared>>
        tpu.enqueue_indirect_dma source(%arg10 : memref<128x64xf32, #tpu.memory_space<vmem>>) target(%dma_start3A_159 : memref<28680x64xf32, #tpu.memory_space<vmem_shared>>) offsets(%arg9 : memref<128xi32, #tpu.memory_space<vmem>>) semaphore(%run_scoped3A : memref<!tpu.dma_semaphore, #tpu.memory_space<semaphore_mem>>) {add = true}
        %dma_wait3A_160 = arith.constant 0 : i32
        %dma_wait3A_161 = arith.constant 0 : i32
        %dma_wait3A_162 = tpu.memref_slice %arg12[%dma_wait3A_160, %dma_wait3A_161] : memref<28680x64xf32, #tpu.memory_space<vmem_shared>> -> memref<28680x64xf32, #tpu.memory_space<vmem_shared>>
        tpu.wait_indirect_dma semaphore(%run_scoped3A : memref<!tpu.dma_semaphore, #tpu.memory_space<semaphore_mem>>) src(%arg10 : memref<128x64xf32, #tpu.memory_space<vmem>>) dst(%dma_wait3A_162 : memref<28680x64xf32, #tpu.memory_space<vmem_shared>>)
        tpu.yield
      }) : () -> ()
    }
    %scan3A_13 = arith.constant 782 : i32
    %barrier3A_14 = arith.constant 0 : index
    tpu.barrier barrier_id(%barrier3A_14)
    %mul3A_15 = arith.constant 1792 : i32
    %mul3A_16 = arith.muli %arg1, %mul3A_15 : i32
    %mul3A_17 = arith.constant 1792 : i32
    %mul3A_18 = arith.muli %arg1, %mul3A_17 : i32
    %add3A_19 = arith.addi %mul3A_3, %mul3A_18 : i32
    "tpu.region"() ({
      %run_scoped3A = tpu.sem_alloc : memref<!tpu.dma_semaphore, #tpu.memory_space<semaphore_mem>>
      %dma_start3A = arith.constant 0 : i32
      %dma_start3A_45 = tpu.memref_slice %arg6[%add3A_19, %dma_start3A] : memref<114688x64xf32, #tpu.memory_space<hbm>> -> memref<1792x64xf32, #tpu.memory_space<hbm>>
      %dma_start3A_46 = arith.constant 0 : i32
      %dma_start3A_47 = tpu.memref_slice %arg12[%mul3A_16, %dma_start3A_46] : memref<28680x64xf32, #tpu.memory_space<vmem_shared>> -> memref<1792x64xf32, #tpu.memory_space<vmem_shared>>
      tpu.enqueue_dma source(%dma_start3A_47 : memref<1792x64xf32, #tpu.memory_space<vmem_shared>>) target(%dma_start3A_45 : memref<1792x64xf32, #tpu.memory_space<hbm>>) target_semaphore(%run_scoped3A : memref<!tpu.dma_semaphore, #tpu.memory_space<semaphore_mem>>)
      %dma_wait3A = arith.constant 0 : i32
      %dma_wait3A_48 = tpu.memref_slice %arg6[%add3A_19, %dma_wait3A] : memref<114688x64xf32, #tpu.memory_space<hbm>> -> memref<1792x64xf32, #tpu.memory_space<hbm>>
      %dma_wait3A_49 = arith.constant 0 : i32
      %dma_wait3A_50 = tpu.memref_slice %arg12[%mul3A_16, %dma_wait3A_49] : memref<28680x64xf32, #tpu.memory_space<vmem_shared>> -> memref<1792x64xf32, #tpu.memory_space<vmem_shared>>
      tpu.wait_dma2 semaphore(%run_scoped3A : memref<!tpu.dma_semaphore, #tpu.memory_space<semaphore_mem>>) src(%dma_wait3A_50 : memref<1792x64xf32, #tpu.memory_space<vmem_shared>>) dst(%dma_wait3A_48 : memref<1792x64xf32, #tpu.memory_space<hbm>>)
      tpu.yield
    }) : () -> ()
    %barrier3A_20 = arith.constant 0 : index
    tpu.barrier barrier_id(%barrier3A_20)
    %add3A_21 = arith.constant 2 : i32
    %add3A_22 = arith.addi %arg0, %add3A_21 : i32
    %mul3A_23 = arith.constant 28672 : i32
    %mul3A_24 = arith.muli %add3A_22, %mul3A_23 : i32
    %mul3A_25 = arith.constant 1792 : i32
    %mul3A_26 = arith.muli %arg1, %mul3A_25 : i32
    "tpu.region"() ({
      %run_scoped3A = tpu.sem_alloc : memref<!tpu.dma_semaphore, #tpu.memory_space<semaphore_mem>>
      %dma_start3A = arith.constant 0 : i32
      %dma_start3A_45 = tpu.memref_slice %arg12[%mul3A_26, %dma_start3A] : memref<28680x64xf32, #tpu.memory_space<vmem_shared>> -> memref<1792x64xf32, #tpu.memory_space<vmem_shared>>
      tpu.enqueue_dma source(%arg5 : memref<1792x64xf32, #tpu.memory_space<hbm>>) target(%dma_start3A_45 : memref<1792x64xf32, #tpu.memory_space<vmem_shared>>) target_semaphore(%run_scoped3A : memref<!tpu.dma_semaphore, #tpu.memory_space<semaphore_mem>>)
      %dma_wait3A = arith.constant 0 : i32
      %dma_wait3A_46 = tpu.memref_slice %arg12[%mul3A_26, %dma_wait3A] : memref<28680x64xf32, #tpu.memory_space<vmem_shared>> -> memref<1792x64xf32, #tpu.memory_space<vmem_shared>>
      tpu.wait_dma2 semaphore(%run_scoped3A : memref<!tpu.dma_semaphore, #tpu.memory_space<semaphore_mem>>) src(%arg5 : memref<1792x64xf32, #tpu.memory_space<hbm>>) dst(%dma_wait3A_46 : memref<1792x64xf32, #tpu.memory_space<vmem_shared>>)
      tpu.yield
    }) : () -> ()
    %barrier3A_27 = arith.constant 0 : index
    tpu.barrier barrier_id(%barrier3A_27)
    %broadcast_in_dim3A_28 = vector.broadcast %mul3A_24 : i32 to vector<16xi32>
    %add3A_29 = arith.constant 28672 : i32
    %add3A_30 = vector.broadcast %add3A_29 : i32 to vector<16xi32>
    %add3A_31 = arith.addi %broadcast_in_dim3A_28, %add3A_30 : vector<16xi32>
    %scan3A_32 = arith.constant 0 : i32
    %scan3A_33 = arith.constant 0 : i32
    %scan3A_34 = arith.constant 782 : i32
    %scan3A_35 = arith.addi %scan3A_33, %scan3A_34 : i32
    %scan3A_36 = arith.constant 1 : i32
    scf.for %scan3A_45 = %scan3A_33 to %scan3A_35 step %scan3A_36  : i32 {
      %mul3A_46 = arith.constant 128 : i32
      %mul3A_47 = arith.muli %scan3A_45, %mul3A_46 : i32
      %add3A_48 = arith.addi %mul3A_0, %mul3A_47 : i32
      "tpu.region"() ({
        %run_scoped3A = tpu.sem_alloc : memref<!tpu.dma_semaphore, #tpu.memory_space<semaphore_mem>>
        %dma_start3A_157 = tpu.memref_slice %arg3[%add3A_48] : memref<1601536xi32, #tpu.memory_space<hbm>> -> memref<128xi32, #tpu.memory_space<hbm>>
        %dma_start3A_158 = tpu.memref_slice %arg3[%add3A_48] : memref<1601536xi32, #tpu.memory_space<hbm>> -> memref<128xi32, #tpu.memory_space<hbm>>
        tpu.enqueue_dma source(%dma_start3A_158 : memref<128xi32, #tpu.memory_space<hbm>>) target(%arg7 : memref<128xi32, #tpu.memory_space<vmem>>) target_semaphore(%run_scoped3A : memref<!tpu.dma_semaphore, #tpu.memory_space<semaphore_mem>>)
        %dma_wait3A_159 = tpu.memref_slice %arg3[%add3A_48] : memref<1601536xi32, #tpu.memory_space<hbm>> -> memref<128xi32, #tpu.memory_space<hbm>>
        %dma_wait3A_160 = tpu.memref_slice %arg3[%add3A_48] : memref<1601536xi32, #tpu.memory_space<hbm>> -> memref<128xi32, #tpu.memory_space<hbm>>
        tpu.wait_dma2 semaphore(%run_scoped3A : memref<!tpu.dma_semaphore, #tpu.memory_space<semaphore_mem>>) src(%dma_wait3A_160 : memref<128xi32, #tpu.memory_space<hbm>>) dst(%arg7 : memref<128xi32, #tpu.memory_space<vmem>>)
        tpu.yield
      }) : () -> ()
      "tpu.region"() ({
        %run_scoped3A = tpu.sem_alloc : memref<!tpu.dma_semaphore, #tpu.memory_space<semaphore_mem>>
        %dma_start3A_157 = tpu.memref_slice %arg4[%add3A_48] : memref<1601536xi32, #tpu.memory_space<hbm>> -> memref<128xi32, #tpu.memory_space<hbm>>
        %dma_start3A_158 = tpu.memref_slice %arg4[%add3A_48] : memref<1601536xi32, #tpu.memory_space<hbm>> -> memref<128xi32, #tpu.memory_space<hbm>>
        tpu.enqueue_dma source(%dma_start3A_158 : memref<128xi32, #tpu.memory_space<hbm>>) target(%arg8 : memref<128xi32, #tpu.memory_space<vmem>>) target_semaphore(%run_scoped3A : memref<!tpu.dma_semaphore, #tpu.memory_space<semaphore_mem>>)
        %dma_wait3A_159 = tpu.memref_slice %arg4[%add3A_48] : memref<1601536xi32, #tpu.memory_space<hbm>> -> memref<128xi32, #tpu.memory_space<hbm>>
        %dma_wait3A_160 = tpu.memref_slice %arg4[%add3A_48] : memref<1601536xi32, #tpu.memory_space<hbm>> -> memref<128xi32, #tpu.memory_space<hbm>>
        tpu.wait_dma2 semaphore(%run_scoped3A : memref<!tpu.dma_semaphore, #tpu.memory_space<semaphore_mem>>) src(%dma_wait3A_160 : memref<128xi32, #tpu.memory_space<hbm>>) dst(%arg8 : memref<128xi32, #tpu.memory_space<vmem>>)
        tpu.yield
      }) : () -> ()
      %get3A = arith.constant 0 : index
      %get3A_49 = tpu.vector_load %arg7[%get3A] {strides = array<i32>} : memref<128xi32, #tpu.memory_space<vmem>>, vector<16xi32>,
      %get3A_50 = vector.shape_cast %get3A_49 : vector<16xi32> to vector<16xi32>
      %ge3A = arith.cmpi sge, %get3A_50, %broadcast_in_dim3A_28 : vector<16xi32>
      %lt3A = arith.cmpi slt, %get3A_50, %add3A_31 : vector<16xi32>
      %and3A = arith.andi %ge3A, %lt3A : vector<16xi1>
      %sub3A = arith.subi %get3A_50, %broadcast_in_dim3A_28 : vector<16xi32>
      %jit3A = arith.constant 28672 : i32
      %broadcast_in_dim3A_51 = vector.broadcast %jit3A : i32 to vector<16xi32>
      %select_n3A = arith.select %and3A, %sub3A, %broadcast_in_dim3A_51 : vector<16xi1>, vector<16xi32>
      %swap3A = arith.constant 0 : index
      %swap3A_52 = tpu.vector_load %arg9[%swap3A] {strides = array<i32>} : memref<128xi32, #tpu.memory_space<vmem>>, vector<16xi32>,
      %swap3A_53 = vector.shape_cast %swap3A_52 : vector<16xi32> to vector<16xi32>
      %swap3A_54 = vector.shape_cast %select_n3A : vector<16xi32> to vector<16xi32>
      tpu.vector_store %arg9[%swap3A], %swap3A_54 {strides = array<i32>} : memref<128xi32, #tpu.memory_space<vmem>>, vector<16xi32>,
      %get3A_55 = arith.constant 16 : index
      %get3A_56 = tpu.vector_load %arg7[%get3A_55] {strides = array<i32>} : memref<128xi32, #tpu.memory_space<vmem>>, vector<16xi32>,
      %get3A_57 = vector.shape_cast %get3A_56 : vector<16xi32> to vector<16xi32>
      %ge3A_58 = arith.cmpi sge, %get3A_57, %broadcast_in_dim3A_28 : vector<16xi32>
      %lt3A_59 = arith.cmpi slt, %get3A_57, %add3A_31 : vector<16xi32>
      %and3A_60 = arith.andi %ge3A_58, %lt3A_59 : vector<16xi1>
      %sub3A_61 = arith.subi %get3A_57, %broadcast_in_dim3A_28 : vector<16xi32>
      %jit3A_62 = arith.constant 28672 : i32
      %broadcast_in_dim3A_63 = vector.broadcast %jit3A_62 : i32 to vector<16xi32>
      %select_n3A_64 = arith.select %and3A_60, %sub3A_61, %broadcast_in_dim3A_63 : vector<16xi1>, vector<16xi32>
      %swap3A_65 = arith.constant 16 : index
      %swap3A_66 = tpu.vector_load %arg9[%swap3A_65] {strides = array<i32>} : memref<128xi32, #tpu.memory_space<vmem>>, vector<16xi32>,
      %swap3A_67 = vector.shape_cast %swap3A_66 : vector<16xi32> to vector<16xi32>
      %swap3A_68 = vector.shape_cast %select_n3A_64 : vector<16xi32> to vector<16xi32>
      tpu.vector_store %arg9[%swap3A_65], %swap3A_68 {strides = array<i32>} : memref<128xi32, #tpu.memory_space<vmem>>, vector<16xi32>,
      %get3A_69 = arith.constant 32 : index
      %get3A_70 = tpu.vector_load %arg7[%get3A_69] {strides = array<i32>} : memref<128xi32, #tpu.memory_space<vmem>>, vector<16xi32>,
      %get3A_71 = vector.shape_cast %get3A_70 : vector<16xi32> to vector<16xi32>
      %ge3A_72 = arith.cmpi sge, %get3A_71, %broadcast_in_dim3A_28 : vector<16xi32>
      %lt3A_73 = arith.cmpi slt, %get3A_71, %add3A_31 : vector<16xi32>
      %and3A_74 = arith.andi %ge3A_72, %lt3A_73 : vector<16xi1>
      %sub3A_75 = arith.subi %get3A_71, %broadcast_in_dim3A_28 : vector<16xi32>
      %jit3A_76 = arith.constant 28672 : i32
      %broadcast_in_dim3A_77 = vector.broadcast %jit3A_76 : i32 to vector<16xi32>
      %select_n3A_78 = arith.select %and3A_74, %sub3A_75, %broadcast_in_dim3A_77 : vector<16xi1>, vector<16xi32>
      %swap3A_79 = arith.constant 32 : index
      %swap3A_80 = tpu.vector_load %arg9[%swap3A_79] {strides = array<i32>} : memref<128xi32, #tpu.memory_space<vmem>>, vector<16xi32>,
      %swap3A_81 = vector.shape_cast %swap3A_80 : vector<16xi32> to vector<16xi32>
      %swap3A_82 = vector.shape_cast %select_n3A_78 : vector<16xi32> to vector<16xi32>
      tpu.vector_store %arg9[%swap3A_79], %swap3A_82 {strides = array<i32>} : memref<128xi32, #tpu.memory_space<vmem>>, vector<16xi32>,
      %get3A_83 = arith.constant 48 : index
      %get3A_84 = tpu.vector_load %arg7[%get3A_83] {strides = array<i32>} : memref<128xi32, #tpu.memory_space<vmem>>, vector<16xi32>,
      %get3A_85 = vector.shape_cast %get3A_84 : vector<16xi32> to vector<16xi32>
      %ge3A_86 = arith.cmpi sge, %get3A_85, %broadcast_in_dim3A_28 : vector<16xi32>
      %lt3A_87 = arith.cmpi slt, %get3A_85, %add3A_31 : vector<16xi32>
      %and3A_88 = arith.andi %ge3A_86, %lt3A_87 : vector<16xi1>
      %sub3A_89 = arith.subi %get3A_85, %broadcast_in_dim3A_28 : vector<16xi32>
      %jit3A_90 = arith.constant 28672 : i32
      %broadcast_in_dim3A_91 = vector.broadcast %jit3A_90 : i32 to vector<16xi32>
      %select_n3A_92 = arith.select %and3A_88, %sub3A_89, %broadcast_in_dim3A_91 : vector<16xi1>, vector<16xi32>
      %swap3A_93 = arith.constant 48 : index
      %swap3A_94 = tpu.vector_load %arg9[%swap3A_93] {strides = array<i32>} : memref<128xi32, #tpu.memory_space<vmem>>, vector<16xi32>,
      %swap3A_95 = vector.shape_cast %swap3A_94 : vector<16xi32> to vector<16xi32>
      %swap3A_96 = vector.shape_cast %select_n3A_92 : vector<16xi32> to vector<16xi32>
      tpu.vector_store %arg9[%swap3A_93], %swap3A_96 {strides = array<i32>} : memref<128xi32, #tpu.memory_space<vmem>>, vector<16xi32>,
      %get3A_97 = arith.constant 64 : index
      %get3A_98 = tpu.vector_load %arg7[%get3A_97] {strides = array<i32>} : memref<128xi32, #tpu.memory_space<vmem>>, vector<16xi32>,
      %get3A_99 = vector.shape_cast %get3A_98 : vector<16xi32> to vector<16xi32>
      %ge3A_100 = arith.cmpi sge, %get3A_99, %broadcast_in_dim3A_28 : vector<16xi32>
      %lt3A_101 = arith.cmpi slt, %get3A_99, %add3A_31 : vector<16xi32>
      %and3A_102 = arith.andi %ge3A_100, %lt3A_101 : vector<16xi1>
      %sub3A_103 = arith.subi %get3A_99, %broadcast_in_dim3A_28 : vector<16xi32>
      %jit3A_104 = arith.constant 28672 : i32
      %broadcast_in_dim3A_105 = vector.broadcast %jit3A_104 : i32 to vector<16xi32>
      %select_n3A_106 = arith.select %and3A_102, %sub3A_103, %broadcast_in_dim3A_105 : vector<16xi1>, vector<16xi32>
      %swap3A_107 = arith.constant 64 : index
      %swap3A_108 = tpu.vector_load %arg9[%swap3A_107] {strides = array<i32>} : memref<128xi32, #tpu.memory_space<vmem>>, vector<16xi32>,
      %swap3A_109 = vector.shape_cast %swap3A_108 : vector<16xi32> to vector<16xi32>
      %swap3A_110 = vector.shape_cast %select_n3A_106 : vector<16xi32> to vector<16xi32>
      tpu.vector_store %arg9[%swap3A_107], %swap3A_110 {strides = array<i32>} : memref<128xi32, #tpu.memory_space<vmem>>, vector<16xi32>,
      %get3A_111 = arith.constant 80 : index
      %get3A_112 = tpu.vector_load %arg7[%get3A_111] {strides = array<i32>} : memref<128xi32, #tpu.memory_space<vmem>>, vector<16xi32>,
      %get3A_113 = vector.shape_cast %get3A_112 : vector<16xi32> to vector<16xi32>
      %ge3A_114 = arith.cmpi sge, %get3A_113, %broadcast_in_dim3A_28 : vector<16xi32>
      %lt3A_115 = arith.cmpi slt, %get3A_113, %add3A_31 : vector<16xi32>
      %and3A_116 = arith.andi %ge3A_114, %lt3A_115 : vector<16xi1>
      %sub3A_117 = arith.subi %get3A_113, %broadcast_in_dim3A_28 : vector<16xi32>
      %jit3A_118 = arith.constant 28672 : i32
      %broadcast_in_dim3A_119 = vector.broadcast %jit3A_118 : i32 to vector<16xi32>
      %select_n3A_120 = arith.select %and3A_116, %sub3A_117, %broadcast_in_dim3A_119 : vector<16xi1>, vector<16xi32>
      %swap3A_121 = arith.constant 80 : index
      %swap3A_122 = tpu.vector_load %arg9[%swap3A_121] {strides = array<i32>} : memref<128xi32, #tpu.memory_space<vmem>>, vector<16xi32>,
      %swap3A_123 = vector.shape_cast %swap3A_122 : vector<16xi32> to vector<16xi32>
      %swap3A_124 = vector.shape_cast %select_n3A_120 : vector<16xi32> to vector<16xi32>
      tpu.vector_store %arg9[%swap3A_121], %swap3A_124 {strides = array<i32>} : memref<128xi32, #tpu.memory_space<vmem>>, vector<16xi32>,
      %get3A_125 = arith.constant 96 : index
      %get3A_126 = tpu.vector_load %arg7[%get3A_125] {strides = array<i32>} : memref<128xi32, #tpu.memory_space<vmem>>, vector<16xi32>,
      %get3A_127 = vector.shape_cast %get3A_126 : vector<16xi32> to vector<16xi32>
      %ge3A_128 = arith.cmpi sge, %get3A_127, %broadcast_in_dim3A_28 : vector<16xi32>
      %lt3A_129 = arith.cmpi slt, %get3A_127, %add3A_31 : vector<16xi32>
      %and3A_130 = arith.andi %ge3A_128, %lt3A_129 : vector<16xi1>
      %sub3A_131 = arith.subi %get3A_127, %broadcast_in_dim3A_28 : vector<16xi32>
      %jit3A_132 = arith.constant 28672 : i32
      %broadcast_in_dim3A_133 = vector.broadcast %jit3A_132 : i32 to vector<16xi32>
      %select_n3A_134 = arith.select %and3A_130, %sub3A_131, %broadcast_in_dim3A_133 : vector<16xi1>, vector<16xi32>
      %swap3A_135 = arith.constant 96 : index
      %swap3A_136 = tpu.vector_load %arg9[%swap3A_135] {strides = array<i32>} : memref<128xi32, #tpu.memory_space<vmem>>, vector<16xi32>,
      %swap3A_137 = vector.shape_cast %swap3A_136 : vector<16xi32> to vector<16xi32>
      %swap3A_138 = vector.shape_cast %select_n3A_134 : vector<16xi32> to vector<16xi32>
      tpu.vector_store %arg9[%swap3A_135], %swap3A_138 {strides = array<i32>} : memref<128xi32, #tpu.memory_space<vmem>>, vector<16xi32>,
      %get3A_139 = arith.constant 112 : index
      %get3A_140 = tpu.vector_load %arg7[%get3A_139] {strides = array<i32>} : memref<128xi32, #tpu.memory_space<vmem>>, vector<16xi32>,
      %get3A_141 = vector.shape_cast %get3A_140 : vector<16xi32> to vector<16xi32>
      %ge3A_142 = arith.cmpi sge, %get3A_141, %broadcast_in_dim3A_28 : vector<16xi32>
      %lt3A_143 = arith.cmpi slt, %get3A_141, %add3A_31 : vector<16xi32>
      %and3A_144 = arith.andi %ge3A_142, %lt3A_143 : vector<16xi1>
      %sub3A_145 = arith.subi %get3A_141, %broadcast_in_dim3A_28 : vector<16xi32>
      %jit3A_146 = arith.constant 28672 : i32
      %broadcast_in_dim3A_147 = vector.broadcast %jit3A_146 : i32 to vector<16xi32>
      %select_n3A_148 = arith.select %and3A_144, %sub3A_145, %broadcast_in_dim3A_147 : vector<16xi1>, vector<16xi32>
      %swap3A_149 = arith.constant 112 : index
      %swap3A_150 = tpu.vector_load %arg9[%swap3A_149] {strides = array<i32>} : memref<128xi32, #tpu.memory_space<vmem>>, vector<16xi32>,
      %swap3A_151 = vector.shape_cast %swap3A_150 : vector<16xi32> to vector<16xi32>
      %swap3A_152 = vector.shape_cast %select_n3A_148 : vector<16xi32> to vector<16xi32>
      tpu.vector_store %arg9[%swap3A_149], %swap3A_152 {strides = array<i32>} : memref<128xi32, #tpu.memory_space<vmem>>, vector<16xi32>,
      %dma_start3A = arith.constant 0 : i32
      %dma_start3A_153 = arith.constant 0 : i32
      %dma_start3A_154 = tpu.memref_slice %arg2[%dma_start3A, %dma_start3A_153] : memref<100002x64xf32, #tpu.memory_space<hbm>> -> memref<100002x64xf32, #tpu.memory_space<hbm>>
      tpu.enqueue_indirect_dma source(%dma_start3A_154 : memref<100002x64xf32, #tpu.memory_space<hbm>>) target(%arg10 : memref<128x64xf32, #tpu.memory_space<vmem>>) offsets(%arg8 : memref<128xi32, #tpu.memory_space<vmem>>) semaphore(%arg11 : memref<!tpu.dma_semaphore, #tpu.memory_space<semaphore_mem>>)
      %dma_wait3A = arith.constant 0 : i32
      %dma_wait3A_155 = arith.constant 0 : i32
      %dma_wait3A_156 = tpu.memref_slice %arg2[%dma_wait3A, %dma_wait3A_155] : memref<100002x64xf32, #tpu.memory_space<hbm>> -> memref<100002x64xf32, #tpu.memory_space<hbm>>
      tpu.wait_indirect_dma semaphore(%arg11 : memref<!tpu.dma_semaphore, #tpu.memory_space<semaphore_mem>>) src(%dma_wait3A_156 : memref<100002x64xf32, #tpu.memory_space<hbm>>) dst(%arg10 : memref<128x64xf32, #tpu.memory_space<vmem>>)
      "tpu.region"() ({
        %run_scoped3A = tpu.sem_alloc : memref<!tpu.dma_semaphore, #tpu.memory_space<semaphore_mem>>
        %dma_start3A_157 = arith.constant 0 : i32
        %dma_start3A_158 = arith.constant 0 : i32
        %dma_start3A_159 = tpu.memref_slice %arg12[%dma_start3A_157, %dma_start3A_158] : memref<28680x64xf32, #tpu.memory_space<vmem_shared>> -> memref<28680x64xf32, #tpu.memory_space<vmem_shared>>
        tpu.enqueue_indirect_dma source(%arg10 : memref<128x64xf32, #tpu.memory_space<vmem>>) target(%dma_start3A_159 : memref<28680x64xf32, #tpu.memory_space<vmem_shared>>) offsets(%arg9 : memref<128xi32, #tpu.memory_space<vmem>>) semaphore(%run_scoped3A : memref<!tpu.dma_semaphore, #tpu.memory_space<semaphore_mem>>) {add = true}
        %dma_wait3A_160 = arith.constant 0 : i32
        %dma_wait3A_161 = arith.constant 0 : i32
        %dma_wait3A_162 = tpu.memref_slice %arg12[%dma_wait3A_160, %dma_wait3A_161] : memref<28680x64xf32, #tpu.memory_space<vmem_shared>> -> memref<28680x64xf32, #tpu.memory_space<vmem_shared>>
        tpu.wait_indirect_dma semaphore(%run_scoped3A : memref<!tpu.dma_semaphore, #tpu.memory_space<semaphore_mem>>) src(%arg10 : memref<128x64xf32, #tpu.memory_space<vmem>>) dst(%dma_wait3A_162 : memref<28680x64xf32, #tpu.memory_space<vmem_shared>>)
        tpu.yield
      }) : () -> ()
    }
    %scan3A_37 = arith.constant 782 : i32
    %barrier3A_38 = arith.constant 0 : index
    tpu.barrier barrier_id(%barrier3A_38)
    %mul3A_39 = arith.constant 1792 : i32
    %mul3A_40 = arith.muli %arg1, %mul3A_39 : i32
    %mul3A_41 = arith.constant 1792 : i32
    %mul3A_42 = arith.muli %arg1, %mul3A_41 : i32
    %add3A_43 = arith.addi %mul3A_24, %mul3A_42 : i32
    "tpu.region"() ({
      %run_scoped3A = tpu.sem_alloc : memref<!tpu.dma_semaphore, #tpu.memory_space<semaphore_mem>>
      %dma_start3A = arith.constant 0 : i32
      %dma_start3A_45 = tpu.memref_slice %arg6[%add3A_43, %dma_start3A] : memref<114688x64xf32, #tpu.memory_space<hbm>> -> memref<1792x64xf32, #tpu.memory_space<hbm>>
      %dma_start3A_46 = arith.constant 0 : i32
      %dma_start3A_47 = tpu.memref_slice %arg12[%mul3A_40, %dma_start3A_46] : memref<28680x64xf32, #tpu.memory_space<vmem_shared>> -> memref<1792x64xf32, #tpu.memory_space<vmem_shared>>
      tpu.enqueue_dma source(%dma_start3A_47 : memref<1792x64xf32, #tpu.memory_space<vmem_shared>>) target(%dma_start3A_45 : memref<1792x64xf32, #tpu.memory_space<hbm>>) target_semaphore(%run_scoped3A : memref<!tpu.dma_semaphore, #tpu.memory_space<semaphore_mem>>)
      %dma_wait3A = arith.constant 0 : i32
      %dma_wait3A_48 = tpu.memref_slice %arg6[%add3A_43, %dma_wait3A] : memref<114688x64xf32, #tpu.memory_space<hbm>> -> memref<1792x64xf32, #tpu.memory_space<hbm>>
      %dma_wait3A_49 = arith.constant 0 : i32
      %dma_wait3A_50 = tpu.memref_slice %arg12[%mul3A_40, %dma_wait3A_49] : memref<28680x64xf32, #tpu.memory_space<vmem_shared>> -> memref<1792x64xf32, #tpu.memory_space<vmem_shared>>
      tpu.wait_dma2 semaphore(%run_scoped3A : memref<!tpu.dma_semaphore, #tpu.memory_space<semaphore_mem>>) src(%dma_wait3A_50 : memref<1792x64xf32, #tpu.memory_space<vmem_shared>>) dst(%dma_wait3A_48 : memref<1792x64xf32, #tpu.memory_space<hbm>>)
      tpu.yield
    }) : () -> ()
    %barrier3A_44 = arith.constant 0 : index
    tpu.barrier barrier_id(%barrier3A_44)
    return
  }
}

#map = affine_map<(d0, d1) -> (0)>
#map1 = affine_map<(d0, d1) -> (0, 0)>
module attributes {stable_mosaic.version = 14 : i64} {
  func.func @_deg_kernel(%arg0: i32, %arg1: i32, %arg2: memref<1601536xi32, #tpu.memory_space<hbm>>, %arg3: memref<128x8xf32, #tpu.memory_space<hbm>>, %arg4: memref<7168x8xf32, #tpu.memory_space<hbm>>, %arg5: memref<229376x8xf32, #tpu.memory_space<hbm>>, %arg6: memref<128xi32, #tpu.memory_space<vmem>>, %arg7: memref<128x8xf32, #tpu.memory_space<vmem>>, %arg8: memref<114688x8xf32, #tpu.memory_space<vmem_shared>>) attributes {dimension_semantics = [#tpu.dimension_semantics<core_parallel>, #tpu.dimension_semantics<subcore_parallel>], iteration_bounds = array<i64: 2, 16>, scalar_prefetch = 0 : i64, scratch_operands = 3 : i64, tpu.core_type = #tpu.core_type<sc_vector_subcore>, window_params = [{transform_indices = #map}, {transform_indices = #map1}, {transform_indices = #map1}, {transform_indices = #map1}]} {
    "tpu.region"() ({
      %run_scoped3A = tpu.sem_alloc : memref<!tpu.dma_semaphore, #tpu.memory_space<semaphore_mem>>
      tpu.enqueue_dma source(%arg3 : memref<128x8xf32, #tpu.memory_space<hbm>>) target(%arg7 : memref<128x8xf32, #tpu.memory_space<vmem>>) target_semaphore(%run_scoped3A : memref<!tpu.dma_semaphore, #tpu.memory_space<semaphore_mem>>)
      tpu.wait_dma2 semaphore(%run_scoped3A : memref<!tpu.dma_semaphore, #tpu.memory_space<semaphore_mem>>) src(%arg3 : memref<128x8xf32, #tpu.memory_space<hbm>>) dst(%arg7 : memref<128x8xf32, #tpu.memory_space<vmem>>)
      tpu.yield
    }) : () -> ()
    %mul3A = arith.constant 7168 : i32
    %mul3A_0 = arith.muli %arg1, %mul3A : i32
    "tpu.region"() ({
      %run_scoped3A = tpu.sem_alloc : memref<!tpu.dma_semaphore, #tpu.memory_space<semaphore_mem>>
      %dma_start3A = arith.constant 0 : i32
      %dma_start3A_18 = tpu.memref_slice %arg8[%mul3A_0, %dma_start3A] : memref<114688x8xf32, #tpu.memory_space<vmem_shared>> -> memref<7168x8xf32, #tpu.memory_space<vmem_shared>>
      tpu.enqueue_dma source(%arg4 : memref<7168x8xf32, #tpu.memory_space<hbm>>) target(%dma_start3A_18 : memref<7168x8xf32, #tpu.memory_space<vmem_shared>>) target_semaphore(%run_scoped3A : memref<!tpu.dma_semaphore, #tpu.memory_space<semaphore_mem>>)
      %dma_wait3A = arith.constant 0 : i32
      %dma_wait3A_19 = tpu.memref_slice %arg8[%mul3A_0, %dma_wait3A] : memref<114688x8xf32, #tpu.memory_space<vmem_shared>> -> memref<7168x8xf32, #tpu.memory_space<vmem_shared>>
      tpu.wait_dma2 semaphore(%run_scoped3A : memref<!tpu.dma_semaphore, #tpu.memory_space<semaphore_mem>>) src(%arg4 : memref<7168x8xf32, #tpu.memory_space<hbm>>) dst(%dma_wait3A_19 : memref<7168x8xf32, #tpu.memory_space<vmem_shared>>)
      tpu.yield
    }) : () -> ()
    %barrier3A = arith.constant 0 : index
    tpu.barrier barrier_id(%barrier3A)
    %mul3A_1 = arith.constant 2 : i32
    %mul3A_2 = arith.muli %arg1, %mul3A_1 : i32
    %add3A = arith.addi %mul3A_2, %arg0 : i32
    %mul3A_3 = arith.constant 50048 : i32
    %mul3A_4 = arith.muli %add3A, %mul3A_3 : i32
    %scan3A = arith.constant 0 : i32
    %scan3A_5 = arith.constant 0 : i32
    %scan3A_6 = arith.constant 391 : i32
    %scan3A_7 = arith.addi %scan3A_5, %scan3A_6 : i32
    %scan3A_8 = arith.constant 1 : i32
    scf.for %scan3A_18 = %scan3A_5 to %scan3A_7 step %scan3A_8  : i32 {
      %mul3A_19 = arith.constant 128 : i32
      %mul3A_20 = arith.muli %scan3A_18, %mul3A_19 : i32
      %add3A_21 = arith.addi %mul3A_4, %mul3A_20 : i32
      "tpu.region"() ({
        %run_scoped3A = tpu.sem_alloc : memref<!tpu.dma_semaphore, #tpu.memory_space<semaphore_mem>>
        %dma_start3A = tpu.memref_slice %arg2[%add3A_21] : memref<1601536xi32, #tpu.memory_space<hbm>> -> memref<128xi32, #tpu.memory_space<hbm>>
        %dma_start3A_22 = tpu.memref_slice %arg2[%add3A_21] : memref<1601536xi32, #tpu.memory_space<hbm>> -> memref<128xi32, #tpu.memory_space<hbm>>
        tpu.enqueue_dma source(%dma_start3A_22 : memref<128xi32, #tpu.memory_space<hbm>>) target(%arg6 : memref<128xi32, #tpu.memory_space<vmem>>) target_semaphore(%run_scoped3A : memref<!tpu.dma_semaphore, #tpu.memory_space<semaphore_mem>>)
        %dma_wait3A = tpu.memref_slice %arg2[%add3A_21] : memref<1601536xi32, #tpu.memory_space<hbm>> -> memref<128xi32, #tpu.memory_space<hbm>>
        %dma_wait3A_23 = tpu.memref_slice %arg2[%add3A_21] : memref<1601536xi32, #tpu.memory_space<hbm>> -> memref<128xi32, #tpu.memory_space<hbm>>
        tpu.wait_dma2 semaphore(%run_scoped3A : memref<!tpu.dma_semaphore, #tpu.memory_space<semaphore_mem>>) src(%dma_wait3A_23 : memref<128xi32, #tpu.memory_space<hbm>>) dst(%arg6 : memref<128xi32, #tpu.memory_space<vmem>>)
        tpu.yield
      }) : () -> ()
      "tpu.region"() ({
        %run_scoped3A = tpu.sem_alloc : memref<!tpu.dma_semaphore, #tpu.memory_space<semaphore_mem>>
        %dma_start3A = arith.constant 0 : i32
        %dma_start3A_22 = arith.constant 0 : i32
        %dma_start3A_23 = tpu.memref_slice %arg8[%dma_start3A, %dma_start3A_22] : memref<114688x8xf32, #tpu.memory_space<vmem_shared>> -> memref<114688x8xf32, #tpu.memory_space<vmem_shared>>
        tpu.enqueue_indirect_dma source(%arg7 : memref<128x8xf32, #tpu.memory_space<vmem>>) target(%dma_start3A_23 : memref<114688x8xf32, #tpu.memory_space<vmem_shared>>) offsets(%arg6 : memref<128xi32, #tpu.memory_space<vmem>>) semaphore(%run_scoped3A : memref<!tpu.dma_semaphore, #tpu.memory_space<semaphore_mem>>) {add = true}
        %dma_wait3A = arith.constant 0 : i32
        %dma_wait3A_24 = arith.constant 0 : i32
        %dma_wait3A_25 = tpu.memref_slice %arg8[%dma_wait3A, %dma_wait3A_24] : memref<114688x8xf32, #tpu.memory_space<vmem_shared>> -> memref<114688x8xf32, #tpu.memory_space<vmem_shared>>
        tpu.wait_indirect_dma semaphore(%run_scoped3A : memref<!tpu.dma_semaphore, #tpu.memory_space<semaphore_mem>>) src(%arg7 : memref<128x8xf32, #tpu.memory_space<vmem>>) dst(%dma_wait3A_25 : memref<114688x8xf32, #tpu.memory_space<vmem_shared>>)
        tpu.yield
      }) : () -> ()
    }
    %scan3A_9 = arith.constant 391 : i32
    %barrier3A_10 = arith.constant 0 : index
    tpu.barrier barrier_id(%barrier3A_10)
    %mul3A_11 = arith.constant 7168 : i32
    %mul3A_12 = arith.muli %arg1, %mul3A_11 : i32
    %mul3A_13 = arith.constant 114688 : i32
    %mul3A_14 = arith.muli %arg0, %mul3A_13 : i32
    %mul3A_15 = arith.constant 7168 : i32
    %mul3A_16 = arith.muli %arg1, %mul3A_15 : i32
    %add3A_17 = arith.addi %mul3A_14, %mul3A_16 : i32
    "tpu.region"() ({
      %run_scoped3A = tpu.sem_alloc : memref<!tpu.dma_semaphore, #tpu.memory_space<semaphore_mem>>
      %dma_start3A = arith.constant 0 : i32
      %dma_start3A_18 = tpu.memref_slice %arg5[%add3A_17, %dma_start3A] : memref<229376x8xf32, #tpu.memory_space<hbm>> -> memref<7168x8xf32, #tpu.memory_space<hbm>>
      %dma_start3A_19 = arith.constant 0 : i32
      %dma_start3A_20 = tpu.memref_slice %arg8[%mul3A_12, %dma_start3A_19] : memref<114688x8xf32, #tpu.memory_space<vmem_shared>> -> memref<7168x8xf32, #tpu.memory_space<vmem_shared>>
      tpu.enqueue_dma source(%dma_start3A_20 : memref<7168x8xf32, #tpu.memory_space<vmem_shared>>) target(%dma_start3A_18 : memref<7168x8xf32, #tpu.memory_space<hbm>>) target_semaphore(%run_scoped3A : memref<!tpu.dma_semaphore, #tpu.memory_space<semaphore_mem>>)
      %dma_wait3A = arith.constant 0 : i32
      %dma_wait3A_21 = tpu.memref_slice %arg5[%add3A_17, %dma_wait3A] : memref<229376x8xf32, #tpu.memory_space<hbm>> -> memref<7168x8xf32, #tpu.memory_space<hbm>>
      %dma_wait3A_22 = arith.constant 0 : i32
      %dma_wait3A_23 = tpu.memref_slice %arg8[%mul3A_12, %dma_wait3A_22] : memref<114688x8xf32, #tpu.memory_space<vmem_shared>> -> memref<7168x8xf32, #tpu.memory_space<vmem_shared>>
      tpu.wait_dma2 semaphore(%run_scoped3A : memref<!tpu.dma_semaphore, #tpu.memory_space<semaphore_mem>>) src(%dma_wait3A_23 : memref<7168x8xf32, #tpu.memory_space<vmem_shared>>) dst(%dma_wait3A_21 : memref<7168x8xf32, #tpu.memory_space<hbm>>)
      tpu.yield
    }) : () -> ()
    return
  }
}

#map = affine_map<(d0, d1) -> (0, 0)>
#map1 = affine_map<(d0, d1) -> (0)>
module attributes {stable_mosaic.version = 14 : i64} {
  func.func @_seg_kernel(%arg0: i32, %arg1: i32, %arg2: memref<100002x64xf32, #tpu.memory_space<hbm>>, %arg3: memref<1601536xi32, #tpu.memory_space<hbm>>, %arg4: memref<1601536xi32, #tpu.memory_space<hbm>>, %arg5: memref<1792x64xf32, #tpu.memory_space<hbm>>, %arg6: memref<114688x64xf32, #tpu.memory_space<hbm>>, %arg7: memref<128xi32, #tpu.memory_space<vmem>>, %arg8: memref<128xi32, #tpu.memory_space<vmem>>, %arg9: memref<128xi32, #tpu.memory_space<vmem>>, %arg10: memref<128x64xf32, #tpu.memory_space<vmem>>, %arg11: memref<!tpu.dma_semaphore, #tpu.memory_space<semaphore_mem>>, %arg12: memref<28680x64xf32, #tpu.memory_space<vmem_shared>>) attributes {dimension_semantics = [#tpu.dimension_semantics<core_parallel>, #tpu.dimension_semantics<subcore_parallel>], iteration_bounds = array<i64: 2, 16>, scalar_prefetch = 0 : i64, scratch_operands = 6 : i64, tpu.core_type = #tpu.core_type<sc_vector_subcore>, window_params = [{transform_indices = #map}, {transform_indices = #map1}, {transform_indices = #map1}, {transform_indices = #map}, {transform_indices = #map}]} {
    %mul3A = arith.constant 100096 : i32
    %mul3A_0 = arith.muli %arg1, %mul3A : i32
    %add3A = arith.constant 0 : i32
    %add3A_1 = arith.addi %arg0, %add3A : i32
    %mul3A_2 = arith.constant 28672 : i32
    %mul3A_3 = arith.muli %add3A_1, %mul3A_2 : i32
    %mul3A_4 = arith.constant 1792 : i32
    %mul3A_5 = arith.muli %arg1, %mul3A_4 : i32
    "tpu.region"() ({
      %run_scoped3A = tpu.sem_alloc : memref<!tpu.dma_semaphore, #tpu.memory_space<semaphore_mem>>
      %dma_start3A = arith.constant 0 : i32
      %dma_start3A_45 = tpu.memref_slice %arg12[%mul3A_5, %dma_start3A] : memref<28680x64xf32, #tpu.memory_space<vmem_shared>> -> memref<1792x64xf32, #tpu.memory_space<vmem_shared>>
      tpu.enqueue_dma source(%arg5 : memref<1792x64xf32, #tpu.memory_space<hbm>>) target(%dma_start3A_45 : memref<1792x64xf32, #tpu.memory_space<vmem_shared>>) target_semaphore(%run_scoped3A : memref<!tpu.dma_semaphore, #tpu.memory_space<semaphore_mem>>)
      %dma_wait3A = arith.constant 0 : i32
      %dma_wait3A_46 = tpu.memref_slice %arg12[%mul3A_5, %dma_wait3A] : memref<28680x64xf32, #tpu.memory_space<vmem_shared>> -> memref<1792x64xf32, #tpu.memory_space<vmem_shared>>
      tpu.wait_dma2 semaphore(%run_scoped3A : memref<!tpu.dma_semaphore, #tpu.memory_space<semaphore_mem>>) src(%arg5 : memref<1792x64xf32, #tpu.memory_space<hbm>>) dst(%dma_wait3A_46 : memref<1792x64xf32, #tpu.memory_space<vmem_shared>>)
      tpu.yield
    }) : () -> ()
    %barrier3A = arith.constant 0 : index
    tpu.barrier barrier_id(%barrier3A)
    %broadcast_in_dim3A = vector.broadcast %mul3A_3 : i32 to vector<16xi32>
    %add3A_6 = arith.constant 28672 : i32
    %add3A_7 = vector.broadcast %add3A_6 : i32 to vector<16xi32>
    %add3A_8 = arith.addi %broadcast_in_dim3A, %add3A_7 : vector<16xi32>
    %scan3A = arith.constant 0 : i32
    %scan3A_9 = arith.constant 0 : i32
    %scan3A_10 = arith.constant 782 : i32
    %scan3A_11 = arith.addi %scan3A_9, %scan3A_10 : i32
    %scan3A_12 = arith.constant 1 : i32
    scf.for %scan3A_45 = %scan3A_9 to %scan3A_11 step %scan3A_12  : i32 {
      %mul3A_46 = arith.constant 128 : i32
      %mul3A_47 = arith.muli %scan3A_45, %mul3A_46 : i32
      %add3A_48 = arith.addi %mul3A_0, %mul3A_47 : i32
      "tpu.region"() ({
        %run_scoped3A = tpu.sem_alloc : memref<!tpu.dma_semaphore, #tpu.memory_space<semaphore_mem>>
        %dma_start3A_157 = tpu.memref_slice %arg3[%add3A_48] : memref<1601536xi32, #tpu.memory_space<hbm>> -> memref<128xi32, #tpu.memory_space<hbm>>
        %dma_start3A_158 = tpu.memref_slice %arg3[%add3A_48] : memref<1601536xi32, #tpu.memory_space<hbm>> -> memref<128xi32, #tpu.memory_space<hbm>>
        tpu.enqueue_dma source(%dma_start3A_158 : memref<128xi32, #tpu.memory_space<hbm>>) target(%arg7 : memref<128xi32, #tpu.memory_space<vmem>>) target_semaphore(%run_scoped3A : memref<!tpu.dma_semaphore, #tpu.memory_space<semaphore_mem>>)
        %dma_wait3A_159 = tpu.memref_slice %arg3[%add3A_48] : memref<1601536xi32, #tpu.memory_space<hbm>> -> memref<128xi32, #tpu.memory_space<hbm>>
        %dma_wait3A_160 = tpu.memref_slice %arg3[%add3A_48] : memref<1601536xi32, #tpu.memory_space<hbm>> -> memref<128xi32, #tpu.memory_space<hbm>>
        tpu.wait_dma2 semaphore(%run_scoped3A : memref<!tpu.dma_semaphore, #tpu.memory_space<semaphore_mem>>) src(%dma_wait3A_160 : memref<128xi32, #tpu.memory_space<hbm>>) dst(%arg7 : memref<128xi32, #tpu.memory_space<vmem>>)
        tpu.yield
      }) : () -> ()
      "tpu.region"() ({
        %run_scoped3A = tpu.sem_alloc : memref<!tpu.dma_semaphore, #tpu.memory_space<semaphore_mem>>
        %dma_start3A_157 = tpu.memref_slice %arg4[%add3A_48] : memref<1601536xi32, #tpu.memory_space<hbm>> -> memref<128xi32, #tpu.memory_space<hbm>>
        %dma_start3A_158 = tpu.memref_slice %arg4[%add3A_48] : memref<1601536xi32, #tpu.memory_space<hbm>> -> memref<128xi32, #tpu.memory_space<hbm>>
        tpu.enqueue_dma source(%dma_start3A_158 : memref<128xi32, #tpu.memory_space<hbm>>) target(%arg8 : memref<128xi32, #tpu.memory_space<vmem>>) target_semaphore(%run_scoped3A : memref<!tpu.dma_semaphore, #tpu.memory_space<semaphore_mem>>)
        %dma_wait3A_159 = tpu.memref_slice %arg4[%add3A_48] : memref<1601536xi32, #tpu.memory_space<hbm>> -> memref<128xi32, #tpu.memory_space<hbm>>
        %dma_wait3A_160 = tpu.memref_slice %arg4[%add3A_48] : memref<1601536xi32, #tpu.memory_space<hbm>> -> memref<128xi32, #tpu.memory_space<hbm>>
        tpu.wait_dma2 semaphore(%run_scoped3A : memref<!tpu.dma_semaphore, #tpu.memory_space<semaphore_mem>>) src(%dma_wait3A_160 : memref<128xi32, #tpu.memory_space<hbm>>) dst(%arg8 : memref<128xi32, #tpu.memory_space<vmem>>)
        tpu.yield
      }) : () -> ()
      %get3A = arith.constant 0 : index
      %get3A_49 = tpu.vector_load %arg7[%get3A] {strides = array<i32>} : memref<128xi32, #tpu.memory_space<vmem>>, vector<16xi32>,
      %get3A_50 = vector.shape_cast %get3A_49 : vector<16xi32> to vector<16xi32>
      %ge3A = arith.cmpi sge, %get3A_50, %broadcast_in_dim3A : vector<16xi32>
      %lt3A = arith.cmpi slt, %get3A_50, %add3A_8 : vector<16xi32>
      %and3A = arith.andi %ge3A, %lt3A : vector<16xi1>
      %sub3A = arith.subi %get3A_50, %broadcast_in_dim3A : vector<16xi32>
      %jit3A = arith.constant 28672 : i32
      %broadcast_in_dim3A_51 = vector.broadcast %jit3A : i32 to vector<16xi32>
      %select_n3A = arith.select %and3A, %sub3A, %broadcast_in_dim3A_51 : vector<16xi1>, vector<16xi32>
      %swap3A = arith.constant 0 : index
      %swap3A_52 = tpu.vector_load %arg9[%swap3A] {strides = array<i32>} : memref<128xi32, #tpu.memory_space<vmem>>, vector<16xi32>,
      %swap3A_53 = vector.shape_cast %swap3A_52 : vector<16xi32> to vector<16xi32>
      %swap3A_54 = vector.shape_cast %select_n3A : vector<16xi32> to vector<16xi32>
      tpu.vector_store %arg9[%swap3A], %swap3A_54 {strides = array<i32>} : memref<128xi32, #tpu.memory_space<vmem>>, vector<16xi32>,
      %get3A_55 = arith.constant 16 : index
      %get3A_56 = tpu.vector_load %arg7[%get3A_55] {strides = array<i32>} : memref<128xi32, #tpu.memory_space<vmem>>, vector<16xi32>,
      %get3A_57 = vector.shape_cast %get3A_56 : vector<16xi32> to vector<16xi32>
      %ge3A_58 = arith.cmpi sge, %get3A_57, %broadcast_in_dim3A : vector<16xi32>
      %lt3A_59 = arith.cmpi slt, %get3A_57, %add3A_8 : vector<16xi32>
      %and3A_60 = arith.andi %ge3A_58, %lt3A_59 : vector<16xi1>
      %sub3A_61 = arith.subi %get3A_57, %broadcast_in_dim3A : vector<16xi32>
      %jit3A_62 = arith.constant 28672 : i32
      %broadcast_in_dim3A_63 = vector.broadcast %jit3A_62 : i32 to vector<16xi32>
      %select_n3A_64 = arith.select %and3A_60, %sub3A_61, %broadcast_in_dim3A_63 : vector<16xi1>, vector<16xi32>
      %swap3A_65 = arith.constant 16 : index
      %swap3A_66 = tpu.vector_load %arg9[%swap3A_65] {strides = array<i32>} : memref<128xi32, #tpu.memory_space<vmem>>, vector<16xi32>,
      %swap3A_67 = vector.shape_cast %swap3A_66 : vector<16xi32> to vector<16xi32>
      %swap3A_68 = vector.shape_cast %select_n3A_64 : vector<16xi32> to vector<16xi32>
      tpu.vector_store %arg9[%swap3A_65], %swap3A_68 {strides = array<i32>} : memref<128xi32, #tpu.memory_space<vmem>>, vector<16xi32>,
      %get3A_69 = arith.constant 32 : index
      %get3A_70 = tpu.vector_load %arg7[%get3A_69] {strides = array<i32>} : memref<128xi32, #tpu.memory_space<vmem>>, vector<16xi32>,
      %get3A_71 = vector.shape_cast %get3A_70 : vector<16xi32> to vector<16xi32>
      %ge3A_72 = arith.cmpi sge, %get3A_71, %broadcast_in_dim3A : vector<16xi32>
      %lt3A_73 = arith.cmpi slt, %get3A_71, %add3A_8 : vector<16xi32>
      %and3A_74 = arith.andi %ge3A_72, %lt3A_73 : vector<16xi1>
      %sub3A_75 = arith.subi %get3A_71, %broadcast_in_dim3A : vector<16xi32>
      %jit3A_76 = arith.constant 28672 : i32
      %broadcast_in_dim3A_77 = vector.broadcast %jit3A_76 : i32 to vector<16xi32>
      %select_n3A_78 = arith.select %and3A_74, %sub3A_75, %broadcast_in_dim3A_77 : vector<16xi1>, vector<16xi32>
      %swap3A_79 = arith.constant 32 : index
      %swap3A_80 = tpu.vector_load %arg9[%swap3A_79] {strides = array<i32>} : memref<128xi32, #tpu.memory_space<vmem>>, vector<16xi32>,
      %swap3A_81 = vector.shape_cast %swap3A_80 : vector<16xi32> to vector<16xi32>
      %swap3A_82 = vector.shape_cast %select_n3A_78 : vector<16xi32> to vector<16xi32>
      tpu.vector_store %arg9[%swap3A_79], %swap3A_82 {strides = array<i32>} : memref<128xi32, #tpu.memory_space<vmem>>, vector<16xi32>,
      %get3A_83 = arith.constant 48 : index
      %get3A_84 = tpu.vector_load %arg7[%get3A_83] {strides = array<i32>} : memref<128xi32, #tpu.memory_space<vmem>>, vector<16xi32>,
      %get3A_85 = vector.shape_cast %get3A_84 : vector<16xi32> to vector<16xi32>
      %ge3A_86 = arith.cmpi sge, %get3A_85, %broadcast_in_dim3A : vector<16xi32>
      %lt3A_87 = arith.cmpi slt, %get3A_85, %add3A_8 : vector<16xi32>
      %and3A_88 = arith.andi %ge3A_86, %lt3A_87 : vector<16xi1>
      %sub3A_89 = arith.subi %get3A_85, %broadcast_in_dim3A : vector<16xi32>
      %jit3A_90 = arith.constant 28672 : i32
      %broadcast_in_dim3A_91 = vector.broadcast %jit3A_90 : i32 to vector<16xi32>
      %select_n3A_92 = arith.select %and3A_88, %sub3A_89, %broadcast_in_dim3A_91 : vector<16xi1>, vector<16xi32>
      %swap3A_93 = arith.constant 48 : index
      %swap3A_94 = tpu.vector_load %arg9[%swap3A_93] {strides = array<i32>} : memref<128xi32, #tpu.memory_space<vmem>>, vector<16xi32>,
      %swap3A_95 = vector.shape_cast %swap3A_94 : vector<16xi32> to vector<16xi32>
      %swap3A_96 = vector.shape_cast %select_n3A_92 : vector<16xi32> to vector<16xi32>
      tpu.vector_store %arg9[%swap3A_93], %swap3A_96 {strides = array<i32>} : memref<128xi32, #tpu.memory_space<vmem>>, vector<16xi32>,
      %get3A_97 = arith.constant 64 : index
      %get3A_98 = tpu.vector_load %arg7[%get3A_97] {strides = array<i32>} : memref<128xi32, #tpu.memory_space<vmem>>, vector<16xi32>,
      %get3A_99 = vector.shape_cast %get3A_98 : vector<16xi32> to vector<16xi32>
      %ge3A_100 = arith.cmpi sge, %get3A_99, %broadcast_in_dim3A : vector<16xi32>
      %lt3A_101 = arith.cmpi slt, %get3A_99, %add3A_8 : vector<16xi32>
      %and3A_102 = arith.andi %ge3A_100, %lt3A_101 : vector<16xi1>
      %sub3A_103 = arith.subi %get3A_99, %broadcast_in_dim3A : vector<16xi32>
      %jit3A_104 = arith.constant 28672 : i32
      %broadcast_in_dim3A_105 = vector.broadcast %jit3A_104 : i32 to vector<16xi32>
      %select_n3A_106 = arith.select %and3A_102, %sub3A_103, %broadcast_in_dim3A_105 : vector<16xi1>, vector<16xi32>
      %swap3A_107 = arith.constant 64 : index
      %swap3A_108 = tpu.vector_load %arg9[%swap3A_107] {strides = array<i32>} : memref<128xi32, #tpu.memory_space<vmem>>, vector<16xi32>,
      %swap3A_109 = vector.shape_cast %swap3A_108 : vector<16xi32> to vector<16xi32>
      %swap3A_110 = vector.shape_cast %select_n3A_106 : vector<16xi32> to vector<16xi32>
      tpu.vector_store %arg9[%swap3A_107], %swap3A_110 {strides = array<i32>} : memref<128xi32, #tpu.memory_space<vmem>>, vector<16xi32>,
      %get3A_111 = arith.constant 80 : index
      %get3A_112 = tpu.vector_load %arg7[%get3A_111] {strides = array<i32>} : memref<128xi32, #tpu.memory_space<vmem>>, vector<16xi32>,
      %get3A_113 = vector.shape_cast %get3A_112 : vector<16xi32> to vector<16xi32>
      %ge3A_114 = arith.cmpi sge, %get3A_113, %broadcast_in_dim3A : vector<16xi32>
      %lt3A_115 = arith.cmpi slt, %get3A_113, %add3A_8 : vector<16xi32>
      %and3A_116 = arith.andi %ge3A_114, %lt3A_115 : vector<16xi1>
      %sub3A_117 = arith.subi %get3A_113, %broadcast_in_dim3A : vector<16xi32>
      %jit3A_118 = arith.constant 28672 : i32
      %broadcast_in_dim3A_119 = vector.broadcast %jit3A_118 : i32 to vector<16xi32>
      %select_n3A_120 = arith.select %and3A_116, %sub3A_117, %broadcast_in_dim3A_119 : vector<16xi1>, vector<16xi32>
      %swap3A_121 = arith.constant 80 : index
      %swap3A_122 = tpu.vector_load %arg9[%swap3A_121] {strides = array<i32>} : memref<128xi32, #tpu.memory_space<vmem>>, vector<16xi32>,
      %swap3A_123 = vector.shape_cast %swap3A_122 : vector<16xi32> to vector<16xi32>
      %swap3A_124 = vector.shape_cast %select_n3A_120 : vector<16xi32> to vector<16xi32>
      tpu.vector_store %arg9[%swap3A_121], %swap3A_124 {strides = array<i32>} : memref<128xi32, #tpu.memory_space<vmem>>, vector<16xi32>,
      %get3A_125 = arith.constant 96 : index
      %get3A_126 = tpu.vector_load %arg7[%get3A_125] {strides = array<i32>} : memref<128xi32, #tpu.memory_space<vmem>>, vector<16xi32>,
      %get3A_127 = vector.shape_cast %get3A_126 : vector<16xi32> to vector<16xi32>
      %ge3A_128 = arith.cmpi sge, %get3A_127, %broadcast_in_dim3A : vector<16xi32>
      %lt3A_129 = arith.cmpi slt, %get3A_127, %add3A_8 : vector<16xi32>
      %and3A_130 = arith.andi %ge3A_128, %lt3A_129 : vector<16xi1>
      %sub3A_131 = arith.subi %get3A_127, %broadcast_in_dim3A : vector<16xi32>
      %jit3A_132 = arith.constant 28672 : i32
      %broadcast_in_dim3A_133 = vector.broadcast %jit3A_132 : i32 to vector<16xi32>
      %select_n3A_134 = arith.select %and3A_130, %sub3A_131, %broadcast_in_dim3A_133 : vector<16xi1>, vector<16xi32>
      %swap3A_135 = arith.constant 96 : index
      %swap3A_136 = tpu.vector_load %arg9[%swap3A_135] {strides = array<i32>} : memref<128xi32, #tpu.memory_space<vmem>>, vector<16xi32>,
      %swap3A_137 = vector.shape_cast %swap3A_136 : vector<16xi32> to vector<16xi32>
      %swap3A_138 = vector.shape_cast %select_n3A_134 : vector<16xi32> to vector<16xi32>
      tpu.vector_store %arg9[%swap3A_135], %swap3A_138 {strides = array<i32>} : memref<128xi32, #tpu.memory_space<vmem>>, vector<16xi32>,
      %get3A_139 = arith.constant 112 : index
      %get3A_140 = tpu.vector_load %arg7[%get3A_139] {strides = array<i32>} : memref<128xi32, #tpu.memory_space<vmem>>, vector<16xi32>,
      %get3A_141 = vector.shape_cast %get3A_140 : vector<16xi32> to vector<16xi32>
      %ge3A_142 = arith.cmpi sge, %get3A_141, %broadcast_in_dim3A : vector<16xi32>
      %lt3A_143 = arith.cmpi slt, %get3A_141, %add3A_8 : vector<16xi32>
      %and3A_144 = arith.andi %ge3A_142, %lt3A_143 : vector<16xi1>
      %sub3A_145 = arith.subi %get3A_141, %broadcast_in_dim3A : vector<16xi32>
      %jit3A_146 = arith.constant 28672 : i32
      %broadcast_in_dim3A_147 = vector.broadcast %jit3A_146 : i32 to vector<16xi32>
      %select_n3A_148 = arith.select %and3A_144, %sub3A_145, %broadcast_in_dim3A_147 : vector<16xi1>, vector<16xi32>
      %swap3A_149 = arith.constant 112 : index
      %swap3A_150 = tpu.vector_load %arg9[%swap3A_149] {strides = array<i32>} : memref<128xi32, #tpu.memory_space<vmem>>, vector<16xi32>,
      %swap3A_151 = vector.shape_cast %swap3A_150 : vector<16xi32> to vector<16xi32>
      %swap3A_152 = vector.shape_cast %select_n3A_148 : vector<16xi32> to vector<16xi32>
      tpu.vector_store %arg9[%swap3A_149], %swap3A_152 {strides = array<i32>} : memref<128xi32, #tpu.memory_space<vmem>>, vector<16xi32>,
      %dma_start3A = arith.constant 0 : i32
      %dma_start3A_153 = arith.constant 0 : i32
      %dma_start3A_154 = tpu.memref_slice %arg2[%dma_start3A, %dma_start3A_153] : memref<100002x64xf32, #tpu.memory_space<hbm>> -> memref<100002x64xf32, #tpu.memory_space<hbm>>
      tpu.enqueue_indirect_dma source(%dma_start3A_154 : memref<100002x64xf32, #tpu.memory_space<hbm>>) target(%arg10 : memref<128x64xf32, #tpu.memory_space<vmem>>) offsets(%arg8 : memref<128xi32, #tpu.memory_space<vmem>>) semaphore(%arg11 : memref<!tpu.dma_semaphore, #tpu.memory_space<semaphore_mem>>)
      %dma_wait3A = arith.constant 0 : i32
      %dma_wait3A_155 = arith.constant 0 : i32
      %dma_wait3A_156 = tpu.memref_slice %arg2[%dma_wait3A, %dma_wait3A_155] : memref<100002x64xf32, #tpu.memory_space<hbm>> -> memref<100002x64xf32, #tpu.memory_space<hbm>>
      tpu.wait_indirect_dma semaphore(%arg11 : memref<!tpu.dma_semaphore, #tpu.memory_space<semaphore_mem>>) src(%dma_wait3A_156 : memref<100002x64xf32, #tpu.memory_space<hbm>>) dst(%arg10 : memref<128x64xf32, #tpu.memory_space<vmem>>)
      "tpu.region"() ({
        %run_scoped3A = tpu.sem_alloc : memref<!tpu.dma_semaphore, #tpu.memory_space<semaphore_mem>>
        %dma_start3A_157 = arith.constant 0 : i32
        %dma_start3A_158 = arith.constant 0 : i32
        %dma_start3A_159 = tpu.memref_slice %arg12[%dma_start3A_157, %dma_start3A_158] : memref<28680x64xf32, #tpu.memory_space<vmem_shared>> -> memref<28680x64xf32, #tpu.memory_space<vmem_shared>>
        tpu.enqueue_indirect_dma source(%arg10 : memref<128x64xf32, #tpu.memory_space<vmem>>) target(%dma_start3A_159 : memref<28680x64xf32, #tpu.memory_space<vmem_shared>>) offsets(%arg9 : memref<128xi32, #tpu.memory_space<vmem>>) semaphore(%run_scoped3A : memref<!tpu.dma_semaphore, #tpu.memory_space<semaphore_mem>>) {add = true}
        %dma_wait3A_160 = arith.constant 0 : i32
        %dma_wait3A_161 = arith.constant 0 : i32
        %dma_wait3A_162 = tpu.memref_slice %arg12[%dma_wait3A_160, %dma_wait3A_161] : memref<28680x64xf32, #tpu.memory_space<vmem_shared>> -> memref<28680x64xf32, #tpu.memory_space<vmem_shared>>
        tpu.wait_indirect_dma semaphore(%run_scoped3A : memref<!tpu.dma_semaphore, #tpu.memory_space<semaphore_mem>>) src(%arg10 : memref<128x64xf32, #tpu.memory_space<vmem>>) dst(%dma_wait3A_162 : memref<28680x64xf32, #tpu.memory_space<vmem_shared>>)
        tpu.yield
      }) : () -> ()
    }
    %scan3A_13 = arith.constant 782 : i32
    %barrier3A_14 = arith.constant 0 : index
    tpu.barrier barrier_id(%barrier3A_14)
    %mul3A_15 = arith.constant 1792 : i32
    %mul3A_16 = arith.muli %arg1, %mul3A_15 : i32
    %mul3A_17 = arith.constant 1792 : i32
    %mul3A_18 = arith.muli %arg1, %mul3A_17 : i32
    %add3A_19 = arith.addi %mul3A_3, %mul3A_18 : i32
    "tpu.region"() ({
      %run_scoped3A = tpu.sem_alloc : memref<!tpu.dma_semaphore, #tpu.memory_space<semaphore_mem>>
      %dma_start3A = arith.constant 0 : i32
      %dma_start3A_45 = tpu.memref_slice %arg6[%add3A_19, %dma_start3A] : memref<114688x64xf32, #tpu.memory_space<hbm>> -> memref<1792x64xf32, #tpu.memory_space<hbm>>
      %dma_start3A_46 = arith.constant 0 : i32
      %dma_start3A_47 = tpu.memref_slice %arg12[%mul3A_16, %dma_start3A_46] : memref<28680x64xf32, #tpu.memory_space<vmem_shared>> -> memref<1792x64xf32, #tpu.memory_space<vmem_shared>>
      tpu.enqueue_dma source(%dma_start3A_47 : memref<1792x64xf32, #tpu.memory_space<vmem_shared>>) target(%dma_start3A_45 : memref<1792x64xf32, #tpu.memory_space<hbm>>) target_semaphore(%run_scoped3A : memref<!tpu.dma_semaphore, #tpu.memory_space<semaphore_mem>>)
      %dma_wait3A = arith.constant 0 : i32
      %dma_wait3A_48 = tpu.memref_slice %arg6[%add3A_19, %dma_wait3A] : memref<114688x64xf32, #tpu.memory_space<hbm>> -> memref<1792x64xf32, #tpu.memory_space<hbm>>
      %dma_wait3A_49 = arith.constant 0 : i32
      %dma_wait3A_50 = tpu.memref_slice %arg12[%mul3A_16, %dma_wait3A_49] : memref<28680x64xf32, #tpu.memory_space<vmem_shared>> -> memref<1792x64xf32, #tpu.memory_space<vmem_shared>>
      tpu.wait_dma2 semaphore(%run_scoped3A : memref<!tpu.dma_semaphore, #tpu.memory_space<semaphore_mem>>) src(%dma_wait3A_50 : memref<1792x64xf32, #tpu.memory_space<vmem_shared>>) dst(%dma_wait3A_48 : memref<1792x64xf32, #tpu.memory_space<hbm>>)
      tpu.yield
    }) : () -> ()
    %barrier3A_20 = arith.constant 0 : index
    tpu.barrier barrier_id(%barrier3A_20)
    %add3A_21 = arith.constant 2 : i32
    %add3A_22 = arith.addi %arg0, %add3A_21 : i32
    %mul3A_23 = arith.constant 28672 : i32
    %mul3A_24 = arith.muli %add3A_22, %mul3A_23 : i32
    %mul3A_25 = arith.constant 1792 : i32
    %mul3A_26 = arith.muli %arg1, %mul3A_25 : i32
    "tpu.region"() ({
      %run_scoped3A = tpu.sem_alloc : memref<!tpu.dma_semaphore, #tpu.memory_space<semaphore_mem>>
      %dma_start3A = arith.constant 0 : i32
      %dma_start3A_45 = tpu.memref_slice %arg12[%mul3A_26, %dma_start3A] : memref<28680x64xf32, #tpu.memory_space<vmem_shared>> -> memref<1792x64xf32, #tpu.memory_space<vmem_shared>>
      tpu.enqueue_dma source(%arg5 : memref<1792x64xf32, #tpu.memory_space<hbm>>) target(%dma_start3A_45 : memref<1792x64xf32, #tpu.memory_space<vmem_shared>>) target_semaphore(%run_scoped3A : memref<!tpu.dma_semaphore, #tpu.memory_space<semaphore_mem>>)
      %dma_wait3A = arith.constant 0 : i32
      %dma_wait3A_46 = tpu.memref_slice %arg12[%mul3A_26, %dma_wait3A] : memref<28680x64xf32, #tpu.memory_space<vmem_shared>> -> memref<1792x64xf32, #tpu.memory_space<vmem_shared>>
      tpu.wait_dma2 semaphore(%run_scoped3A : memref<!tpu.dma_semaphore, #tpu.memory_space<semaphore_mem>>) src(%arg5 : memref<1792x64xf32, #tpu.memory_space<hbm>>) dst(%dma_wait3A_46 : memref<1792x64xf32, #tpu.memory_space<vmem_shared>>)
      tpu.yield
    }) : () -> ()
    %barrier3A_27 = arith.constant 0 : index
    tpu.barrier barrier_id(%barrier3A_27)
    %broadcast_in_dim3A_28 = vector.broadcast %mul3A_24 : i32 to vector<16xi32>
    %add3A_29 = arith.constant 28672 : i32
    %add3A_30 = vector.broadcast %add3A_29 : i32 to vector<16xi32>
    %add3A_31 = arith.addi %broadcast_in_dim3A_28, %add3A_30 : vector<16xi32>
    %scan3A_32 = arith.constant 0 : i32
    %scan3A_33 = arith.constant 0 : i32
    %scan3A_34 = arith.constant 782 : i32
    %scan3A_35 = arith.addi %scan3A_33, %scan3A_34 : i32
    %scan3A_36 = arith.constant 1 : i32
    scf.for %scan3A_45 = %scan3A_33 to %scan3A_35 step %scan3A_36  : i32 {
      %mul3A_46 = arith.constant 128 : i32
      %mul3A_47 = arith.muli %scan3A_45, %mul3A_46 : i32
      %add3A_48 = arith.addi %mul3A_0, %mul3A_47 : i32
      "tpu.region"() ({
        %run_scoped3A = tpu.sem_alloc : memref<!tpu.dma_semaphore, #tpu.memory_space<semaphore_mem>>
        %dma_start3A_157 = tpu.memref_slice %arg3[%add3A_48] : memref<1601536xi32, #tpu.memory_space<hbm>> -> memref<128xi32, #tpu.memory_space<hbm>>
        %dma_start3A_158 = tpu.memref_slice %arg3[%add3A_48] : memref<1601536xi32, #tpu.memory_space<hbm>> -> memref<128xi32, #tpu.memory_space<hbm>>
        tpu.enqueue_dma source(%dma_start3A_158 : memref<128xi32, #tpu.memory_space<hbm>>) target(%arg7 : memref<128xi32, #tpu.memory_space<vmem>>) target_semaphore(%run_scoped3A : memref<!tpu.dma_semaphore, #tpu.memory_space<semaphore_mem>>)
        %dma_wait3A_159 = tpu.memref_slice %arg3[%add3A_48] : memref<1601536xi32, #tpu.memory_space<hbm>> -> memref<128xi32, #tpu.memory_space<hbm>>
        %dma_wait3A_160 = tpu.memref_slice %arg3[%add3A_48] : memref<1601536xi32, #tpu.memory_space<hbm>> -> memref<128xi32, #tpu.memory_space<hbm>>
        tpu.wait_dma2 semaphore(%run_scoped3A : memref<!tpu.dma_semaphore, #tpu.memory_space<semaphore_mem>>) src(%dma_wait3A_160 : memref<128xi32, #tpu.memory_space<hbm>>) dst(%arg7 : memref<128xi32, #tpu.memory_space<vmem>>)
        tpu.yield
      }) : () -> ()
      "tpu.region"() ({
        %run_scoped3A = tpu.sem_alloc : memref<!tpu.dma_semaphore, #tpu.memory_space<semaphore_mem>>
        %dma_start3A_157 = tpu.memref_slice %arg4[%add3A_48] : memref<1601536xi32, #tpu.memory_space<hbm>> -> memref<128xi32, #tpu.memory_space<hbm>>
        %dma_start3A_158 = tpu.memref_slice %arg4[%add3A_48] : memref<1601536xi32, #tpu.memory_space<hbm>> -> memref<128xi32, #tpu.memory_space<hbm>>
        tpu.enqueue_dma source(%dma_start3A_158 : memref<128xi32, #tpu.memory_space<hbm>>) target(%arg8 : memref<128xi32, #tpu.memory_space<vmem>>) target_semaphore(%run_scoped3A : memref<!tpu.dma_semaphore, #tpu.memory_space<semaphore_mem>>)
        %dma_wait3A_159 = tpu.memref_slice %arg4[%add3A_48] : memref<1601536xi32, #tpu.memory_space<hbm>> -> memref<128xi32, #tpu.memory_space<hbm>>
        %dma_wait3A_160 = tpu.memref_slice %arg4[%add3A_48] : memref<1601536xi32, #tpu.memory_space<hbm>> -> memref<128xi32, #tpu.memory_space<hbm>>
        tpu.wait_dma2 semaphore(%run_scoped3A : memref<!tpu.dma_semaphore, #tpu.memory_space<semaphore_mem>>) src(%dma_wait3A_160 : memref<128xi32, #tpu.memory_space<hbm>>) dst(%arg8 : memref<128xi32, #tpu.memory_space<vmem>>)
        tpu.yield
      }) : () -> ()
      %get3A = arith.constant 0 : index
      %get3A_49 = tpu.vector_load %arg7[%get3A] {strides = array<i32>} : memref<128xi32, #tpu.memory_space<vmem>>, vector<16xi32>,
      %get3A_50 = vector.shape_cast %get3A_49 : vector<16xi32> to vector<16xi32>
      %ge3A = arith.cmpi sge, %get3A_50, %broadcast_in_dim3A_28 : vector<16xi32>
      %lt3A = arith.cmpi slt, %get3A_50, %add3A_31 : vector<16xi32>
      %and3A = arith.andi %ge3A, %lt3A : vector<16xi1>
      %sub3A = arith.subi %get3A_50, %broadcast_in_dim3A_28 : vector<16xi32>
      %jit3A = arith.constant 28672 : i32
      %broadcast_in_dim3A_51 = vector.broadcast %jit3A : i32 to vector<16xi32>
      %select_n3A = arith.select %and3A, %sub3A, %broadcast_in_dim3A_51 : vector<16xi1>, vector<16xi32>
      %swap3A = arith.constant 0 : index
      %swap3A_52 = tpu.vector_load %arg9[%swap3A] {strides = array<i32>} : memref<128xi32, #tpu.memory_space<vmem>>, vector<16xi32>,
      %swap3A_53 = vector.shape_cast %swap3A_52 : vector<16xi32> to vector<16xi32>
      %swap3A_54 = vector.shape_cast %select_n3A : vector<16xi32> to vector<16xi32>
      tpu.vector_store %arg9[%swap3A], %swap3A_54 {strides = array<i32>} : memref<128xi32, #tpu.memory_space<vmem>>, vector<16xi32>,
      %get3A_55 = arith.constant 16 : index
      %get3A_56 = tpu.vector_load %arg7[%get3A_55] {strides = array<i32>} : memref<128xi32, #tpu.memory_space<vmem>>, vector<16xi32>,
      %get3A_57 = vector.shape_cast %get3A_56 : vector<16xi32> to vector<16xi32>
      %ge3A_58 = arith.cmpi sge, %get3A_57, %broadcast_in_dim3A_28 : vector<16xi32>
      %lt3A_59 = arith.cmpi slt, %get3A_57, %add3A_31 : vector<16xi32>
      %and3A_60 = arith.andi %ge3A_58, %lt3A_59 : vector<16xi1>
      %sub3A_61 = arith.subi %get3A_57, %broadcast_in_dim3A_28 : vector<16xi32>
      %jit3A_62 = arith.constant 28672 : i32
      %broadcast_in_dim3A_63 = vector.broadcast %jit3A_62 : i32 to vector<16xi32>
      %select_n3A_64 = arith.select %and3A_60, %sub3A_61, %broadcast_in_dim3A_63 : vector<16xi1>, vector<16xi32>
      %swap3A_65 = arith.constant 16 : index
      %swap3A_66 = tpu.vector_load %arg9[%swap3A_65] {strides = array<i32>} : memref<128xi32, #tpu.memory_space<vmem>>, vector<16xi32>,
      %swap3A_67 = vector.shape_cast %swap3A_66 : vector<16xi32> to vector<16xi32>
      %swap3A_68 = vector.shape_cast %select_n3A_64 : vector<16xi32> to vector<16xi32>
      tpu.vector_store %arg9[%swap3A_65], %swap3A_68 {strides = array<i32>} : memref<128xi32, #tpu.memory_space<vmem>>, vector<16xi32>,
      %get3A_69 = arith.constant 32 : index
      %get3A_70 = tpu.vector_load %arg7[%get3A_69] {strides = array<i32>} : memref<128xi32, #tpu.memory_space<vmem>>, vector<16xi32>,
      %get3A_71 = vector.shape_cast %get3A_70 : vector<16xi32> to vector<16xi32>
      %ge3A_72 = arith.cmpi sge, %get3A_71, %broadcast_in_dim3A_28 : vector<16xi32>
      %lt3A_73 = arith.cmpi slt, %get3A_71, %add3A_31 : vector<16xi32>
      %and3A_74 = arith.andi %ge3A_72, %lt3A_73 : vector<16xi1>
      %sub3A_75 = arith.subi %get3A_71, %broadcast_in_dim3A_28 : vector<16xi32>
      %jit3A_76 = arith.constant 28672 : i32
      %broadcast_in_dim3A_77 = vector.broadcast %jit3A_76 : i32 to vector<16xi32>
      %select_n3A_78 = arith.select %and3A_74, %sub3A_75, %broadcast_in_dim3A_77 : vector<16xi1>, vector<16xi32>
      %swap3A_79 = arith.constant 32 : index
      %swap3A_80 = tpu.vector_load %arg9[%swap3A_79] {strides = array<i32>} : memref<128xi32, #tpu.memory_space<vmem>>, vector<16xi32>,
      %swap3A_81 = vector.shape_cast %swap3A_80 : vector<16xi32> to vector<16xi32>
      %swap3A_82 = vector.shape_cast %select_n3A_78 : vector<16xi32> to vector<16xi32>
      tpu.vector_store %arg9[%swap3A_79], %swap3A_82 {strides = array<i32>} : memref<128xi32, #tpu.memory_space<vmem>>, vector<16xi32>,
      %get3A_83 = arith.constant 48 : index
      %get3A_84 = tpu.vector_load %arg7[%get3A_83] {strides = array<i32>} : memref<128xi32, #tpu.memory_space<vmem>>, vector<16xi32>,
      %get3A_85 = vector.shape_cast %get3A_84 : vector<16xi32> to vector<16xi32>
      %ge3A_86 = arith.cmpi sge, %get3A_85, %broadcast_in_dim3A_28 : vector<16xi32>
      %lt3A_87 = arith.cmpi slt, %get3A_85, %add3A_31 : vector<16xi32>
      %and3A_88 = arith.andi %ge3A_86, %lt3A_87 : vector<16xi1>
      %sub3A_89 = arith.subi %get3A_85, %broadcast_in_dim3A_28 : vector<16xi32>
      %jit3A_90 = arith.constant 28672 : i32
      %broadcast_in_dim3A_91 = vector.broadcast %jit3A_90 : i32 to vector<16xi32>
      %select_n3A_92 = arith.select %and3A_88, %sub3A_89, %broadcast_in_dim3A_91 : vector<16xi1>, vector<16xi32>
      %swap3A_93 = arith.constant 48 : index
      %swap3A_94 = tpu.vector_load %arg9[%swap3A_93] {strides = array<i32>} : memref<128xi32, #tpu.memory_space<vmem>>, vector<16xi32>,
      %swap3A_95 = vector.shape_cast %swap3A_94 : vector<16xi32> to vector<16xi32>
      %swap3A_96 = vector.shape_cast %select_n3A_92 : vector<16xi32> to vector<16xi32>
      tpu.vector_store %arg9[%swap3A_93], %swap3A_96 {strides = array<i32>} : memref<128xi32, #tpu.memory_space<vmem>>, vector<16xi32>,
      %get3A_97 = arith.constant 64 : index
      %get3A_98 = tpu.vector_load %arg7[%get3A_97] {strides = array<i32>} : memref<128xi32, #tpu.memory_space<vmem>>, vector<16xi32>,
      %get3A_99 = vector.shape_cast %get3A_98 : vector<16xi32> to vector<16xi32>
      %ge3A_100 = arith.cmpi sge, %get3A_99, %broadcast_in_dim3A_28 : vector<16xi32>
      %lt3A_101 = arith.cmpi slt, %get3A_99, %add3A_31 : vector<16xi32>
      %and3A_102 = arith.andi %ge3A_100, %lt3A_101 : vector<16xi1>
      %sub3A_103 = arith.subi %get3A_99, %broadcast_in_dim3A_28 : vector<16xi32>
      %jit3A_104 = arith.constant 28672 : i32
      %broadcast_in_dim3A_105 = vector.broadcast %jit3A_104 : i32 to vector<16xi32>
      %select_n3A_106 = arith.select %and3A_102, %sub3A_103, %broadcast_in_dim3A_105 : vector<16xi1>, vector<16xi32>
      %swap3A_107 = arith.constant 64 : index
      %swap3A_108 = tpu.vector_load %arg9[%swap3A_107] {strides = array<i32>} : memref<128xi32, #tpu.memory_space<vmem>>, vector<16xi32>,
      %swap3A_109 = vector.shape_cast %swap3A_108 : vector<16xi32> to vector<16xi32>
      %swap3A_110 = vector.shape_cast %select_n3A_106 : vector<16xi32> to vector<16xi32>
      tpu.vector_store %arg9[%swap3A_107], %swap3A_110 {strides = array<i32>} : memref<128xi32, #tpu.memory_space<vmem>>, vector<16xi32>,
      %get3A_111 = arith.constant 80 : index
      %get3A_112 = tpu.vector_load %arg7[%get3A_111] {strides = array<i32>} : memref<128xi32, #tpu.memory_space<vmem>>, vector<16xi32>,
      %get3A_113 = vector.shape_cast %get3A_112 : vector<16xi32> to vector<16xi32>
      %ge3A_114 = arith.cmpi sge, %get3A_113, %broadcast_in_dim3A_28 : vector<16xi32>
      %lt3A_115 = arith.cmpi slt, %get3A_113, %add3A_31 : vector<16xi32>
      %and3A_116 = arith.andi %ge3A_114, %lt3A_115 : vector<16xi1>
      %sub3A_117 = arith.subi %get3A_113, %broadcast_in_dim3A_28 : vector<16xi32>
      %jit3A_118 = arith.constant 28672 : i32
      %broadcast_in_dim3A_119 = vector.broadcast %jit3A_118 : i32 to vector<16xi32>
      %select_n3A_120 = arith.select %and3A_116, %sub3A_117, %broadcast_in_dim3A_119 : vector<16xi1>, vector<16xi32>
      %swap3A_121 = arith.constant 80 : index
      %swap3A_122 = tpu.vector_load %arg9[%swap3A_121] {strides = array<i32>} : memref<128xi32, #tpu.memory_space<vmem>>, vector<16xi32>,
      %swap3A_123 = vector.shape_cast %swap3A_122 : vector<16xi32> to vector<16xi32>
      %swap3A_124 = vector.shape_cast %select_n3A_120 : vector<16xi32> to vector<16xi32>
      tpu.vector_store %arg9[%swap3A_121], %swap3A_124 {strides = array<i32>} : memref<128xi32, #tpu.memory_space<vmem>>, vector<16xi32>,
      %get3A_125 = arith.constant 96 : index
      %get3A_126 = tpu.vector_load %arg7[%get3A_125] {strides = array<i32>} : memref<128xi32, #tpu.memory_space<vmem>>, vector<16xi32>,
      %get3A_127 = vector.shape_cast %get3A_126 : vector<16xi32> to vector<16xi32>
      %ge3A_128 = arith.cmpi sge, %get3A_127, %broadcast_in_dim3A_28 : vector<16xi32>
      %lt3A_129 = arith.cmpi slt, %get3A_127, %add3A_31 : vector<16xi32>
      %and3A_130 = arith.andi %ge3A_128, %lt3A_129 : vector<16xi1>
      %sub3A_131 = arith.subi %get3A_127, %broadcast_in_dim3A_28 : vector<16xi32>
      %jit3A_132 = arith.constant 28672 : i32
      %broadcast_in_dim3A_133 = vector.broadcast %jit3A_132 : i32 to vector<16xi32>
      %select_n3A_134 = arith.select %and3A_130, %sub3A_131, %broadcast_in_dim3A_133 : vector<16xi1>, vector<16xi32>
      %swap3A_135 = arith.constant 96 : index
      %swap3A_136 = tpu.vector_load %arg9[%swap3A_135] {strides = array<i32>} : memref<128xi32, #tpu.memory_space<vmem>>, vector<16xi32>,
      %swap3A_137 = vector.shape_cast %swap3A_136 : vector<16xi32> to vector<16xi32>
      %swap3A_138 = vector.shape_cast %select_n3A_134 : vector<16xi32> to vector<16xi32>
      tpu.vector_store %arg9[%swap3A_135], %swap3A_138 {strides = array<i32>} : memref<128xi32, #tpu.memory_space<vmem>>, vector<16xi32>,
      %get3A_139 = arith.constant 112 : index
      %get3A_140 = tpu.vector_load %arg7[%get3A_139] {strides = array<i32>} : memref<128xi32, #tpu.memory_space<vmem>>, vector<16xi32>,
      %get3A_141 = vector.shape_cast %get3A_140 : vector<16xi32> to vector<16xi32>
      %ge3A_142 = arith.cmpi sge, %get3A_141, %broadcast_in_dim3A_28 : vector<16xi32>
      %lt3A_143 = arith.cmpi slt, %get3A_141, %add3A_31 : vector<16xi32>
      %and3A_144 = arith.andi %ge3A_142, %lt3A_143 : vector<16xi1>
      %sub3A_145 = arith.subi %get3A_141, %broadcast_in_dim3A_28 : vector<16xi32>
      %jit3A_146 = arith.constant 28672 : i32
      %broadcast_in_dim3A_147 = vector.broadcast %jit3A_146 : i32 to vector<16xi32>
      %select_n3A_148 = arith.select %and3A_144, %sub3A_145, %broadcast_in_dim3A_147 : vector<16xi1>, vector<16xi32>
      %swap3A_149 = arith.constant 112 : index
      %swap3A_150 = tpu.vector_load %arg9[%swap3A_149] {strides = array<i32>} : memref<128xi32, #tpu.memory_space<vmem>>, vector<16xi32>,
      %swap3A_151 = vector.shape_cast %swap3A_150 : vector<16xi32> to vector<16xi32>
      %swap3A_152 = vector.shape_cast %select_n3A_148 : vector<16xi32> to vector<16xi32>
      tpu.vector_store %arg9[%swap3A_149], %swap3A_152 {strides = array<i32>} : memref<128xi32, #tpu.memory_space<vmem>>, vector<16xi32>,
      %dma_start3A = arith.constant 0 : i32
      %dma_start3A_153 = arith.constant 0 : i32
      %dma_start3A_154 = tpu.memref_slice %arg2[%dma_start3A, %dma_start3A_153] : memref<100002x64xf32, #tpu.memory_space<hbm>> -> memref<100002x64xf32, #tpu.memory_space<hbm>>
      tpu.enqueue_indirect_dma source(%dma_start3A_154 : memref<100002x64xf32, #tpu.memory_space<hbm>>) target(%arg10 : memref<128x64xf32, #tpu.memory_space<vmem>>) offsets(%arg8 : memref<128xi32, #tpu.memory_space<vmem>>) semaphore(%arg11 : memref<!tpu.dma_semaphore, #tpu.memory_space<semaphore_mem>>)
      %dma_wait3A = arith.constant 0 : i32
      %dma_wait3A_155 = arith.constant 0 : i32
      %dma_wait3A_156 = tpu.memref_slice %arg2[%dma_wait3A, %dma_wait3A_155] : memref<100002x64xf32, #tpu.memory_space<hbm>> -> memref<100002x64xf32, #tpu.memory_space<hbm>>
      tpu.wait_indirect_dma semaphore(%arg11 : memref<!tpu.dma_semaphore, #tpu.memory_space<semaphore_mem>>) src(%dma_wait3A_156 : memref<100002x64xf32, #tpu.memory_space<hbm>>) dst(%arg10 : memref<128x64xf32, #tpu.memory_space<vmem>>)
      "tpu.region"() ({
        %run_scoped3A = tpu.sem_alloc : memref<!tpu.dma_semaphore, #tpu.memory_space<semaphore_mem>>
        %dma_start3A_157 = arith.constant 0 : i32
        %dma_start3A_158 = arith.constant 0 : i32
        %dma_start3A_159 = tpu.memref_slice %arg12[%dma_start3A_157, %dma_start3A_158] : memref<28680x64xf32, #tpu.memory_space<vmem_shared>> -> memref<28680x64xf32, #tpu.memory_space<vmem_shared>>
        tpu.enqueue_indirect_dma source(%arg10 : memref<128x64xf32, #tpu.memory_space<vmem>>) target(%dma_start3A_159 : memref<28680x64xf32, #tpu.memory_space<vmem_shared>>) offsets(%arg9 : memref<128xi32, #tpu.memory_space<vmem>>) semaphore(%run_scoped3A : memref<!tpu.dma_semaphore, #tpu.memory_space<semaphore_mem>>) {add = true}
        %dma_wait3A_160 = arith.constant 0 : i32
        %dma_wait3A_161 = arith.constant 0 : i32
        %dma_wait3A_162 = tpu.memref_slice %arg12[%dma_wait3A_160, %dma_wait3A_161] : memref<28680x64xf32, #tpu.memory_space<vmem_shared>> -> memref<28680x64xf32, #tpu.memory_space<vmem_shared>>
        tpu.wait_indirect_dma semaphore(%run_scoped3A : memref<!tpu.dma_semaphore, #tpu.memory_space<semaphore_mem>>) src(%arg10 : memref<128x64xf32, #tpu.memory_space<vmem>>) dst(%dma_wait3A_162 : memref<28680x64xf32, #tpu.memory_space<vmem_shared>>)
        tpu.yield
      }) : () -> ()
    }
    %scan3A_37 = arith.constant 782 : i32
    %barrier3A_38 = arith.constant 0 : index
    tpu.barrier barrier_id(%barrier3A_38)
    %mul3A_39 = arith.constant 1792 : i32
    %mul3A_40 = arith.muli %arg1, %mul3A_39 : i32
    %mul3A_41 = arith.constant 1792 : i32
    %mul3A_42 = arith.muli %arg1, %mul3A_41 : i32
    %add3A_43 = arith.addi %mul3A_24, %mul3A_42 : i32
    "tpu.region"() ({
      %run_scoped3A = tpu.sem_alloc : memref<!tpu.dma_semaphore, #tpu.memory_space<semaphore_mem>>
      %dma_start3A = arith.constant 0 : i32
      %dma_start3A_45 = tpu.memref_slice %arg6[%add3A_43, %dma_start3A] : memref<114688x64xf32, #tpu.memory_space<hbm>> -> memref<1792x64xf32, #tpu.memory_space<hbm>>
      %dma_start3A_46 = arith.constant 0 : i32
      %dma_start3A_47 = tpu.memref_slice %arg12[%mul3A_40, %dma_start3A_46] : memref<28680x64xf32, #tpu.memory_space<vmem_shared>> -> memref<1792x64xf32, #tpu.memory_space<vmem_shared>>
      tpu.enqueue_dma source(%dma_start3A_47 : memref<1792x64xf32, #tpu.memory_space<vmem_shared>>) target(%dma_start3A_45 : memref<1792x64xf32, #tpu.memory_space<hbm>>) target_semaphore(%run_scoped3A : memref<!tpu.dma_semaphore, #tpu.memory_space<semaphore_mem>>)
      %dma_wait3A = arith.constant 0 : i32
      %dma_wait3A_48 = tpu.memref_slice %arg6[%add3A_43, %dma_wait3A] : memref<114688x64xf32, #tpu.memory_space<hbm>> -> memref<1792x64xf32, #tpu.memory_space<hbm>>
      %dma_wait3A_49 = arith.constant 0 : i32
      %dma_wait3A_50 = tpu.memref_slice %arg12[%mul3A_40, %dma_wait3A_49] : memref<28680x64xf32, #tpu.memory_space<vmem_shared>> -> memref<1792x64xf32, #tpu.memory_space<vmem_shared>>
      tpu.wait_dma2 semaphore(%run_scoped3A : memref<!tpu.dma_semaphore, #tpu.memory_space<semaphore_mem>>) src(%dma_wait3A_50 : memref<1792x64xf32, #tpu.memory_space<vmem_shared>>) dst(%dma_wait3A_48 : memref<1792x64xf32, #tpu.memory_space<hbm>>)
      tpu.yield
    }) : () -> ()
    %barrier3A_44 = arith.constant 0 : index
    tpu.barrier barrier_id(%barrier3A_44)
    return
  }
}

#map = affine_map<(d0, d1) -> (0, 0)>
#map1 = affine_map<(d0, d1) -> (0)>
module attributes {stable_mosaic.version = 14 : i64} {
  func.func @_seg_kernel(%arg0: i32, %arg1: i32, %arg2: memref<100002x64xf32, #tpu.memory_space<hbm>>, %arg3: memref<1601536xi32, #tpu.memory_space<hbm>>, %arg4: memref<1601536xi32, #tpu.memory_space<hbm>>, %arg5: memref<1792x64xf32, #tpu.memory_space<hbm>>, %arg6: memref<114688x64xf32, #tpu.memory_space<hbm>>, %arg7: memref<128xi32, #tpu.memory_space<vmem>>, %arg8: memref<128xi32, #tpu.memory_space<vmem>>, %arg9: memref<128xi32, #tpu.memory_space<vmem>>, %arg10: memref<128x64xf32, #tpu.memory_space<vmem>>, %arg11: memref<!tpu.dma_semaphore, #tpu.memory_space<semaphore_mem>>, %arg12: memref<28680x64xf32, #tpu.memory_space<vmem_shared>>) attributes {dimension_semantics = [#tpu.dimension_semantics<core_parallel>, #tpu.dimension_semantics<subcore_parallel>], iteration_bounds = array<i64: 2, 16>, scalar_prefetch = 0 : i64, scratch_operands = 6 : i64, tpu.core_type = #tpu.core_type<sc_vector_subcore>, window_params = [{transform_indices = #map}, {transform_indices = #map1}, {transform_indices = #map1}, {transform_indices = #map}, {transform_indices = #map}]} {
    %mul3A = arith.constant 100096 : i32
    %mul3A_0 = arith.muli %arg1, %mul3A : i32
    %add3A = arith.constant 0 : i32
    %add3A_1 = arith.addi %arg0, %add3A : i32
    %mul3A_2 = arith.constant 28672 : i32
    %mul3A_3 = arith.muli %add3A_1, %mul3A_2 : i32
    %mul3A_4 = arith.constant 1792 : i32
    %mul3A_5 = arith.muli %arg1, %mul3A_4 : i32
    "tpu.region"() ({
      %run_scoped3A = tpu.sem_alloc : memref<!tpu.dma_semaphore, #tpu.memory_space<semaphore_mem>>
      %dma_start3A = arith.constant 0 : i32
      %dma_start3A_45 = tpu.memref_slice %arg12[%mul3A_5, %dma_start3A] : memref<28680x64xf32, #tpu.memory_space<vmem_shared>> -> memref<1792x64xf32, #tpu.memory_space<vmem_shared>>
      tpu.enqueue_dma source(%arg5 : memref<1792x64xf32, #tpu.memory_space<hbm>>) target(%dma_start3A_45 : memref<1792x64xf32, #tpu.memory_space<vmem_shared>>) target_semaphore(%run_scoped3A : memref<!tpu.dma_semaphore, #tpu.memory_space<semaphore_mem>>)
      %dma_wait3A = arith.constant 0 : i32
      %dma_wait3A_46 = tpu.memref_slice %arg12[%mul3A_5, %dma_wait3A] : memref<28680x64xf32, #tpu.memory_space<vmem_shared>> -> memref<1792x64xf32, #tpu.memory_space<vmem_shared>>
      tpu.wait_dma2 semaphore(%run_scoped3A : memref<!tpu.dma_semaphore, #tpu.memory_space<semaphore_mem>>) src(%arg5 : memref<1792x64xf32, #tpu.memory_space<hbm>>) dst(%dma_wait3A_46 : memref<1792x64xf32, #tpu.memory_space<vmem_shared>>)
      tpu.yield
    }) : () -> ()
    %barrier3A = arith.constant 0 : index
    tpu.barrier barrier_id(%barrier3A)
    %broadcast_in_dim3A = vector.broadcast %mul3A_3 : i32 to vector<16xi32>
    %add3A_6 = arith.constant 28672 : i32
    %add3A_7 = vector.broadcast %add3A_6 : i32 to vector<16xi32>
    %add3A_8 = arith.addi %broadcast_in_dim3A, %add3A_7 : vector<16xi32>
    %scan3A = arith.constant 0 : i32
    %scan3A_9 = arith.constant 0 : i32
    %scan3A_10 = arith.constant 782 : i32
    %scan3A_11 = arith.addi %scan3A_9, %scan3A_10 : i32
    %scan3A_12 = arith.constant 1 : i32
    scf.for %scan3A_45 = %scan3A_9 to %scan3A_11 step %scan3A_12  : i32 {
      %mul3A_46 = arith.constant 128 : i32
      %mul3A_47 = arith.muli %scan3A_45, %mul3A_46 : i32
      %add3A_48 = arith.addi %mul3A_0, %mul3A_47 : i32
      "tpu.region"() ({
        %run_scoped3A = tpu.sem_alloc : memref<!tpu.dma_semaphore, #tpu.memory_space<semaphore_mem>>
        %dma_start3A_157 = tpu.memref_slice %arg3[%add3A_48] : memref<1601536xi32, #tpu.memory_space<hbm>> -> memref<128xi32, #tpu.memory_space<hbm>>
        %dma_start3A_158 = tpu.memref_slice %arg3[%add3A_48] : memref<1601536xi32, #tpu.memory_space<hbm>> -> memref<128xi32, #tpu.memory_space<hbm>>
        tpu.enqueue_dma source(%dma_start3A_158 : memref<128xi32, #tpu.memory_space<hbm>>) target(%arg7 : memref<128xi32, #tpu.memory_space<vmem>>) target_semaphore(%run_scoped3A : memref<!tpu.dma_semaphore, #tpu.memory_space<semaphore_mem>>)
        %dma_wait3A_159 = tpu.memref_slice %arg3[%add3A_48] : memref<1601536xi32, #tpu.memory_space<hbm>> -> memref<128xi32, #tpu.memory_space<hbm>>
        %dma_wait3A_160 = tpu.memref_slice %arg3[%add3A_48] : memref<1601536xi32, #tpu.memory_space<hbm>> -> memref<128xi32, #tpu.memory_space<hbm>>
        tpu.wait_dma2 semaphore(%run_scoped3A : memref<!tpu.dma_semaphore, #tpu.memory_space<semaphore_mem>>) src(%dma_wait3A_160 : memref<128xi32, #tpu.memory_space<hbm>>) dst(%arg7 : memref<128xi32, #tpu.memory_space<vmem>>)
        tpu.yield
      }) : () -> ()
      "tpu.region"() ({
        %run_scoped3A = tpu.sem_alloc : memref<!tpu.dma_semaphore, #tpu.memory_space<semaphore_mem>>
        %dma_start3A_157 = tpu.memref_slice %arg4[%add3A_48] : memref<1601536xi32, #tpu.memory_space<hbm>> -> memref<128xi32, #tpu.memory_space<hbm>>
        %dma_start3A_158 = tpu.memref_slice %arg4[%add3A_48] : memref<1601536xi32, #tpu.memory_space<hbm>> -> memref<128xi32, #tpu.memory_space<hbm>>
        tpu.enqueue_dma source(%dma_start3A_158 : memref<128xi32, #tpu.memory_space<hbm>>) target(%arg8 : memref<128xi32, #tpu.memory_space<vmem>>) target_semaphore(%run_scoped3A : memref<!tpu.dma_semaphore, #tpu.memory_space<semaphore_mem>>)
        %dma_wait3A_159 = tpu.memref_slice %arg4[%add3A_48] : memref<1601536xi32, #tpu.memory_space<hbm>> -> memref<128xi32, #tpu.memory_space<hbm>>
        %dma_wait3A_160 = tpu.memref_slice %arg4[%add3A_48] : memref<1601536xi32, #tpu.memory_space<hbm>> -> memref<128xi32, #tpu.memory_space<hbm>>
        tpu.wait_dma2 semaphore(%run_scoped3A : memref<!tpu.dma_semaphore, #tpu.memory_space<semaphore_mem>>) src(%dma_wait3A_160 : memref<128xi32, #tpu.memory_space<hbm>>) dst(%arg8 : memref<128xi32, #tpu.memory_space<vmem>>)
        tpu.yield
      }) : () -> ()
      %get3A = arith.constant 0 : index
      %get3A_49 = tpu.vector_load %arg7[%get3A] {strides = array<i32>} : memref<128xi32, #tpu.memory_space<vmem>>, vector<16xi32>,
      %get3A_50 = vector.shape_cast %get3A_49 : vector<16xi32> to vector<16xi32>
      %ge3A = arith.cmpi sge, %get3A_50, %broadcast_in_dim3A : vector<16xi32>
      %lt3A = arith.cmpi slt, %get3A_50, %add3A_8 : vector<16xi32>
      %and3A = arith.andi %ge3A, %lt3A : vector<16xi1>
      %sub3A = arith.subi %get3A_50, %broadcast_in_dim3A : vector<16xi32>
      %jit3A = arith.constant 28672 : i32
      %broadcast_in_dim3A_51 = vector.broadcast %jit3A : i32 to vector<16xi32>
      %select_n3A = arith.select %and3A, %sub3A, %broadcast_in_dim3A_51 : vector<16xi1>, vector<16xi32>
      %swap3A = arith.constant 0 : index
      %swap3A_52 = tpu.vector_load %arg9[%swap3A] {strides = array<i32>} : memref<128xi32, #tpu.memory_space<vmem>>, vector<16xi32>,
      %swap3A_53 = vector.shape_cast %swap3A_52 : vector<16xi32> to vector<16xi32>
      %swap3A_54 = vector.shape_cast %select_n3A : vector<16xi32> to vector<16xi32>
      tpu.vector_store %arg9[%swap3A], %swap3A_54 {strides = array<i32>} : memref<128xi32, #tpu.memory_space<vmem>>, vector<16xi32>,
      %get3A_55 = arith.constant 16 : index
      %get3A_56 = tpu.vector_load %arg7[%get3A_55] {strides = array<i32>} : memref<128xi32, #tpu.memory_space<vmem>>, vector<16xi32>,
      %get3A_57 = vector.shape_cast %get3A_56 : vector<16xi32> to vector<16xi32>
      %ge3A_58 = arith.cmpi sge, %get3A_57, %broadcast_in_dim3A : vector<16xi32>
      %lt3A_59 = arith.cmpi slt, %get3A_57, %add3A_8 : vector<16xi32>
      %and3A_60 = arith.andi %ge3A_58, %lt3A_59 : vector<16xi1>
      %sub3A_61 = arith.subi %get3A_57, %broadcast_in_dim3A : vector<16xi32>
      %jit3A_62 = arith.constant 28672 : i32
      %broadcast_in_dim3A_63 = vector.broadcast %jit3A_62 : i32 to vector<16xi32>
      %select_n3A_64 = arith.select %and3A_60, %sub3A_61, %broadcast_in_dim3A_63 : vector<16xi1>, vector<16xi32>
      %swap3A_65 = arith.constant 16 : index
      %swap3A_66 = tpu.vector_load %arg9[%swap3A_65] {strides = array<i32>} : memref<128xi32, #tpu.memory_space<vmem>>, vector<16xi32>,
      %swap3A_67 = vector.shape_cast %swap3A_66 : vector<16xi32> to vector<16xi32>
      %swap3A_68 = vector.shape_cast %select_n3A_64 : vector<16xi32> to vector<16xi32>
      tpu.vector_store %arg9[%swap3A_65], %swap3A_68 {strides = array<i32>} : memref<128xi32, #tpu.memory_space<vmem>>, vector<16xi32>,
      %get3A_69 = arith.constant 32 : index
      %get3A_70 = tpu.vector_load %arg7[%get3A_69] {strides = array<i32>} : memref<128xi32, #tpu.memory_space<vmem>>, vector<16xi32>,
      %get3A_71 = vector.shape_cast %get3A_70 : vector<16xi32> to vector<16xi32>
      %ge3A_72 = arith.cmpi sge, %get3A_71, %broadcast_in_dim3A : vector<16xi32>
      %lt3A_73 = arith.cmpi slt, %get3A_71, %add3A_8 : vector<16xi32>
      %and3A_74 = arith.andi %ge3A_72, %lt3A_73 : vector<16xi1>
      %sub3A_75 = arith.subi %get3A_71, %broadcast_in_dim3A : vector<16xi32>
      %jit3A_76 = arith.constant 28672 : i32
      %broadcast_in_dim3A_77 = vector.broadcast %jit3A_76 : i32 to vector<16xi32>
      %select_n3A_78 = arith.select %and3A_74, %sub3A_75, %broadcast_in_dim3A_77 : vector<16xi1>, vector<16xi32>
      %swap3A_79 = arith.constant 32 : index
      %swap3A_80 = tpu.vector_load %arg9[%swap3A_79] {strides = array<i32>} : memref<128xi32, #tpu.memory_space<vmem>>, vector<16xi32>,
      %swap3A_81 = vector.shape_cast %swap3A_80 : vector<16xi32> to vector<16xi32>
      %swap3A_82 = vector.shape_cast %select_n3A_78 : vector<16xi32> to vector<16xi32>
      tpu.vector_store %arg9[%swap3A_79], %swap3A_82 {strides = array<i32>} : memref<128xi32, #tpu.memory_space<vmem>>, vector<16xi32>,
      %get3A_83 = arith.constant 48 : index
      %get3A_84 = tpu.vector_load %arg7[%get3A_83] {strides = array<i32>} : memref<128xi32, #tpu.memory_space<vmem>>, vector<16xi32>,
      %get3A_85 = vector.shape_cast %get3A_84 : vector<16xi32> to vector<16xi32>
      %ge3A_86 = arith.cmpi sge, %get3A_85, %broadcast_in_dim3A : vector<16xi32>
      %lt3A_87 = arith.cmpi slt, %get3A_85, %add3A_8 : vector<16xi32>
      %and3A_88 = arith.andi %ge3A_86, %lt3A_87 : vector<16xi1>
      %sub3A_89 = arith.subi %get3A_85, %broadcast_in_dim3A : vector<16xi32>
      %jit3A_90 = arith.constant 28672 : i32
      %broadcast_in_dim3A_91 = vector.broadcast %jit3A_90 : i32 to vector<16xi32>
      %select_n3A_92 = arith.select %and3A_88, %sub3A_89, %broadcast_in_dim3A_91 : vector<16xi1>, vector<16xi32>
      %swap3A_93 = arith.constant 48 : index
      %swap3A_94 = tpu.vector_load %arg9[%swap3A_93] {strides = array<i32>} : memref<128xi32, #tpu.memory_space<vmem>>, vector<16xi32>,
      %swap3A_95 = vector.shape_cast %swap3A_94 : vector<16xi32> to vector<16xi32>
      %swap3A_96 = vector.shape_cast %select_n3A_92 : vector<16xi32> to vector<16xi32>
      tpu.vector_store %arg9[%swap3A_93], %swap3A_96 {strides = array<i32>} : memref<128xi32, #tpu.memory_space<vmem>>, vector<16xi32>,
      %get3A_97 = arith.constant 64 : index
      %get3A_98 = tpu.vector_load %arg7[%get3A_97] {strides = array<i32>} : memref<128xi32, #tpu.memory_space<vmem>>, vector<16xi32>,
      %get3A_99 = vector.shape_cast %get3A_98 : vector<16xi32> to vector<16xi32>
      %ge3A_100 = arith.cmpi sge, %get3A_99, %broadcast_in_dim3A : vector<16xi32>
      %lt3A_101 = arith.cmpi slt, %get3A_99, %add3A_8 : vector<16xi32>
      %and3A_102 = arith.andi %ge3A_100, %lt3A_101 : vector<16xi1>
      %sub3A_103 = arith.subi %get3A_99, %broadcast_in_dim3A : vector<16xi32>
      %jit3A_104 = arith.constant 28672 : i32
      %broadcast_in_dim3A_105 = vector.broadcast %jit3A_104 : i32 to vector<16xi32>
      %select_n3A_106 = arith.select %and3A_102, %sub3A_103, %broadcast_in_dim3A_105 : vector<16xi1>, vector<16xi32>
      %swap3A_107 = arith.constant 64 : index
      %swap3A_108 = tpu.vector_load %arg9[%swap3A_107] {strides = array<i32>} : memref<128xi32, #tpu.memory_space<vmem>>, vector<16xi32>,
      %swap3A_109 = vector.shape_cast %swap3A_108 : vector<16xi32> to vector<16xi32>
      %swap3A_110 = vector.shape_cast %select_n3A_106 : vector<16xi32> to vector<16xi32>
      tpu.vector_store %arg9[%swap3A_107], %swap3A_110 {strides = array<i32>} : memref<128xi32, #tpu.memory_space<vmem>>, vector<16xi32>,
      %get3A_111 = arith.constant 80 : index
      %get3A_112 = tpu.vector_load %arg7[%get3A_111] {strides = array<i32>} : memref<128xi32, #tpu.memory_space<vmem>>, vector<16xi32>,
      %get3A_113 = vector.shape_cast %get3A_112 : vector<16xi32> to vector<16xi32>
      %ge3A_114 = arith.cmpi sge, %get3A_113, %broadcast_in_dim3A : vector<16xi32>
      %lt3A_115 = arith.cmpi slt, %get3A_113, %add3A_8 : vector<16xi32>
      %and3A_116 = arith.andi %ge3A_114, %lt3A_115 : vector<16xi1>
      %sub3A_117 = arith.subi %get3A_113, %broadcast_in_dim3A : vector<16xi32>
      %jit3A_118 = arith.constant 28672 : i32
      %broadcast_in_dim3A_119 = vector.broadcast %jit3A_118 : i32 to vector<16xi32>
      %select_n3A_120 = arith.select %and3A_116, %sub3A_117, %broadcast_in_dim3A_119 : vector<16xi1>, vector<16xi32>
      %swap3A_121 = arith.constant 80 : index
      %swap3A_122 = tpu.vector_load %arg9[%swap3A_121] {strides = array<i32>} : memref<128xi32, #tpu.memory_space<vmem>>, vector<16xi32>,
      %swap3A_123 = vector.shape_cast %swap3A_122 : vector<16xi32> to vector<16xi32>
      %swap3A_124 = vector.shape_cast %select_n3A_120 : vector<16xi32> to vector<16xi32>
      tpu.vector_store %arg9[%swap3A_121], %swap3A_124 {strides = array<i32>} : memref<128xi32, #tpu.memory_space<vmem>>, vector<16xi32>,
      %get3A_125 = arith.constant 96 : index
      %get3A_126 = tpu.vector_load %arg7[%get3A_125] {strides = array<i32>} : memref<128xi32, #tpu.memory_space<vmem>>, vector<16xi32>,
      %get3A_127 = vector.shape_cast %get3A_126 : vector<16xi32> to vector<16xi32>
      %ge3A_128 = arith.cmpi sge, %get3A_127, %broadcast_in_dim3A : vector<16xi32>
      %lt3A_129 = arith.cmpi slt, %get3A_127, %add3A_8 : vector<16xi32>
      %and3A_130 = arith.andi %ge3A_128, %lt3A_129 : vector<16xi1>
      %sub3A_131 = arith.subi %get3A_127, %broadcast_in_dim3A : vector<16xi32>
      %jit3A_132 = arith.constant 28672 : i32
      %broadcast_in_dim3A_133 = vector.broadcast %jit3A_132 : i32 to vector<16xi32>
      %select_n3A_134 = arith.select %and3A_130, %sub3A_131, %broadcast_in_dim3A_133 : vector<16xi1>, vector<16xi32>
      %swap3A_135 = arith.constant 96 : index
      %swap3A_136 = tpu.vector_load %arg9[%swap3A_135] {strides = array<i32>} : memref<128xi32, #tpu.memory_space<vmem>>, vector<16xi32>,
      %swap3A_137 = vector.shape_cast %swap3A_136 : vector<16xi32> to vector<16xi32>
      %swap3A_138 = vector.shape_cast %select_n3A_134 : vector<16xi32> to vector<16xi32>
      tpu.vector_store %arg9[%swap3A_135], %swap3A_138 {strides = array<i32>} : memref<128xi32, #tpu.memory_space<vmem>>, vector<16xi32>,
      %get3A_139 = arith.constant 112 : index
      %get3A_140 = tpu.vector_load %arg7[%get3A_139] {strides = array<i32>} : memref<128xi32, #tpu.memory_space<vmem>>, vector<16xi32>,
      %get3A_141 = vector.shape_cast %get3A_140 : vector<16xi32> to vector<16xi32>
      %ge3A_142 = arith.cmpi sge, %get3A_141, %broadcast_in_dim3A : vector<16xi32>
      %lt3A_143 = arith.cmpi slt, %get3A_141, %add3A_8 : vector<16xi32>
      %and3A_144 = arith.andi %ge3A_142, %lt3A_143 : vector<16xi1>
      %sub3A_145 = arith.subi %get3A_141, %broadcast_in_dim3A : vector<16xi32>
      %jit3A_146 = arith.constant 28672 : i32
      %broadcast_in_dim3A_147 = vector.broadcast %jit3A_146 : i32 to vector<16xi32>
      %select_n3A_148 = arith.select %and3A_144, %sub3A_145, %broadcast_in_dim3A_147 : vector<16xi1>, vector<16xi32>
      %swap3A_149 = arith.constant 112 : index
      %swap3A_150 = tpu.vector_load %arg9[%swap3A_149] {strides = array<i32>} : memref<128xi32, #tpu.memory_space<vmem>>, vector<16xi32>,
      %swap3A_151 = vector.shape_cast %swap3A_150 : vector<16xi32> to vector<16xi32>
      %swap3A_152 = vector.shape_cast %select_n3A_148 : vector<16xi32> to vector<16xi32>
      tpu.vector_store %arg9[%swap3A_149], %swap3A_152 {strides = array<i32>} : memref<128xi32, #tpu.memory_space<vmem>>, vector<16xi32>,
      %dma_start3A = arith.constant 0 : i32
      %dma_start3A_153 = arith.constant 0 : i32
      %dma_start3A_154 = tpu.memref_slice %arg2[%dma_start3A, %dma_start3A_153] : memref<100002x64xf32, #tpu.memory_space<hbm>> -> memref<100002x64xf32, #tpu.memory_space<hbm>>
      tpu.enqueue_indirect_dma source(%dma_start3A_154 : memref<100002x64xf32, #tpu.memory_space<hbm>>) target(%arg10 : memref<128x64xf32, #tpu.memory_space<vmem>>) offsets(%arg8 : memref<128xi32, #tpu.memory_space<vmem>>) semaphore(%arg11 : memref<!tpu.dma_semaphore, #tpu.memory_space<semaphore_mem>>)
      %dma_wait3A = arith.constant 0 : i32
      %dma_wait3A_155 = arith.constant 0 : i32
      %dma_wait3A_156 = tpu.memref_slice %arg2[%dma_wait3A, %dma_wait3A_155] : memref<100002x64xf32, #tpu.memory_space<hbm>> -> memref<100002x64xf32, #tpu.memory_space<hbm>>
      tpu.wait_indirect_dma semaphore(%arg11 : memref<!tpu.dma_semaphore, #tpu.memory_space<semaphore_mem>>) src(%dma_wait3A_156 : memref<100002x64xf32, #tpu.memory_space<hbm>>) dst(%arg10 : memref<128x64xf32, #tpu.memory_space<vmem>>)
      "tpu.region"() ({
        %run_scoped3A = tpu.sem_alloc : memref<!tpu.dma_semaphore, #tpu.memory_space<semaphore_mem>>
        %dma_start3A_157 = arith.constant 0 : i32
        %dma_start3A_158 = arith.constant 0 : i32
        %dma_start3A_159 = tpu.memref_slice %arg12[%dma_start3A_157, %dma_start3A_158] : memref<28680x64xf32, #tpu.memory_space<vmem_shared>> -> memref<28680x64xf32, #tpu.memory_space<vmem_shared>>
        tpu.enqueue_indirect_dma source(%arg10 : memref<128x64xf32, #tpu.memory_space<vmem>>) target(%dma_start3A_159 : memref<28680x64xf32, #tpu.memory_space<vmem_shared>>) offsets(%arg9 : memref<128xi32, #tpu.memory_space<vmem>>) semaphore(%run_scoped3A : memref<!tpu.dma_semaphore, #tpu.memory_space<semaphore_mem>>) {add = true}
        %dma_wait3A_160 = arith.constant 0 : i32
        %dma_wait3A_161 = arith.constant 0 : i32
        %dma_wait3A_162 = tpu.memref_slice %arg12[%dma_wait3A_160, %dma_wait3A_161] : memref<28680x64xf32, #tpu.memory_space<vmem_shared>> -> memref<28680x64xf32, #tpu.memory_space<vmem_shared>>
        tpu.wait_indirect_dma semaphore(%run_scoped3A : memref<!tpu.dma_semaphore, #tpu.memory_space<semaphore_mem>>) src(%arg10 : memref<128x64xf32, #tpu.memory_space<vmem>>) dst(%dma_wait3A_162 : memref<28680x64xf32, #tpu.memory_space<vmem_shared>>)
        tpu.yield
      }) : () -> ()
    }
    %scan3A_13 = arith.constant 782 : i32
    %barrier3A_14 = arith.constant 0 : index
    tpu.barrier barrier_id(%barrier3A_14)
    %mul3A_15 = arith.constant 1792 : i32
    %mul3A_16 = arith.muli %arg1, %mul3A_15 : i32
    %mul3A_17 = arith.constant 1792 : i32
    %mul3A_18 = arith.muli %arg1, %mul3A_17 : i32
    %add3A_19 = arith.addi %mul3A_3, %mul3A_18 : i32
    "tpu.region"() ({
      %run_scoped3A = tpu.sem_alloc : memref<!tpu.dma_semaphore, #tpu.memory_space<semaphore_mem>>
      %dma_start3A = arith.constant 0 : i32
      %dma_start3A_45 = tpu.memref_slice %arg6[%add3A_19, %dma_start3A] : memref<114688x64xf32, #tpu.memory_space<hbm>> -> memref<1792x64xf32, #tpu.memory_space<hbm>>
      %dma_start3A_46 = arith.constant 0 : i32
      %dma_start3A_47 = tpu.memref_slice %arg12[%mul3A_16, %dma_start3A_46] : memref<28680x64xf32, #tpu.memory_space<vmem_shared>> -> memref<1792x64xf32, #tpu.memory_space<vmem_shared>>
      tpu.enqueue_dma source(%dma_start3A_47 : memref<1792x64xf32, #tpu.memory_space<vmem_shared>>) target(%dma_start3A_45 : memref<1792x64xf32, #tpu.memory_space<hbm>>) target_semaphore(%run_scoped3A : memref<!tpu.dma_semaphore, #tpu.memory_space<semaphore_mem>>)
      %dma_wait3A = arith.constant 0 : i32
      %dma_wait3A_48 = tpu.memref_slice %arg6[%add3A_19, %dma_wait3A] : memref<114688x64xf32, #tpu.memory_space<hbm>> -> memref<1792x64xf32, #tpu.memory_space<hbm>>
      %dma_wait3A_49 = arith.constant 0 : i32
      %dma_wait3A_50 = tpu.memref_slice %arg12[%mul3A_16, %dma_wait3A_49] : memref<28680x64xf32, #tpu.memory_space<vmem_shared>> -> memref<1792x64xf32, #tpu.memory_space<vmem_shared>>
      tpu.wait_dma2 semaphore(%run_scoped3A : memref<!tpu.dma_semaphore, #tpu.memory_space<semaphore_mem>>) src(%dma_wait3A_50 : memref<1792x64xf32, #tpu.memory_space<vmem_shared>>) dst(%dma_wait3A_48 : memref<1792x64xf32, #tpu.memory_space<hbm>>)
      tpu.yield
    }) : () -> ()
    %barrier3A_20 = arith.constant 0 : index
    tpu.barrier barrier_id(%barrier3A_20)
    %add3A_21 = arith.constant 2 : i32
    %add3A_22 = arith.addi %arg0, %add3A_21 : i32
    %mul3A_23 = arith.constant 28672 : i32
    %mul3A_24 = arith.muli %add3A_22, %mul3A_23 : i32
    %mul3A_25 = arith.constant 1792 : i32
    %mul3A_26 = arith.muli %arg1, %mul3A_25 : i32
    "tpu.region"() ({
      %run_scoped3A = tpu.sem_alloc : memref<!tpu.dma_semaphore, #tpu.memory_space<semaphore_mem>>
      %dma_start3A = arith.constant 0 : i32
      %dma_start3A_45 = tpu.memref_slice %arg12[%mul3A_26, %dma_start3A] : memref<28680x64xf32, #tpu.memory_space<vmem_shared>> -> memref<1792x64xf32, #tpu.memory_space<vmem_shared>>
      tpu.enqueue_dma source(%arg5 : memref<1792x64xf32, #tpu.memory_space<hbm>>) target(%dma_start3A_45 : memref<1792x64xf32, #tpu.memory_space<vmem_shared>>) target_semaphore(%run_scoped3A : memref<!tpu.dma_semaphore, #tpu.memory_space<semaphore_mem>>)
      %dma_wait3A = arith.constant 0 : i32
      %dma_wait3A_46 = tpu.memref_slice %arg12[%mul3A_26, %dma_wait3A] : memref<28680x64xf32, #tpu.memory_space<vmem_shared>> -> memref<1792x64xf32, #tpu.memory_space<vmem_shared>>
      tpu.wait_dma2 semaphore(%run_scoped3A : memref<!tpu.dma_semaphore, #tpu.memory_space<semaphore_mem>>) src(%arg5 : memref<1792x64xf32, #tpu.memory_space<hbm>>) dst(%dma_wait3A_46 : memref<1792x64xf32, #tpu.memory_space<vmem_shared>>)
      tpu.yield
    }) : () -> ()
    %barrier3A_27 = arith.constant 0 : index
    tpu.barrier barrier_id(%barrier3A_27)
    %broadcast_in_dim3A_28 = vector.broadcast %mul3A_24 : i32 to vector<16xi32>
    %add3A_29 = arith.constant 28672 : i32
    %add3A_30 = vector.broadcast %add3A_29 : i32 to vector<16xi32>
    %add3A_31 = arith.addi %broadcast_in_dim3A_28, %add3A_30 : vector<16xi32>
    %scan3A_32 = arith.constant 0 : i32
    %scan3A_33 = arith.constant 0 : i32
    %scan3A_34 = arith.constant 782 : i32
    %scan3A_35 = arith.addi %scan3A_33, %scan3A_34 : i32
    %scan3A_36 = arith.constant 1 : i32
    scf.for %scan3A_45 = %scan3A_33 to %scan3A_35 step %scan3A_36  : i32 {
      %mul3A_46 = arith.constant 128 : i32
      %mul3A_47 = arith.muli %scan3A_45, %mul3A_46 : i32
      %add3A_48 = arith.addi %mul3A_0, %mul3A_47 : i32
      "tpu.region"() ({
        %run_scoped3A = tpu.sem_alloc : memref<!tpu.dma_semaphore, #tpu.memory_space<semaphore_mem>>
        %dma_start3A_157 = tpu.memref_slice %arg3[%add3A_48] : memref<1601536xi32, #tpu.memory_space<hbm>> -> memref<128xi32, #tpu.memory_space<hbm>>
        %dma_start3A_158 = tpu.memref_slice %arg3[%add3A_48] : memref<1601536xi32, #tpu.memory_space<hbm>> -> memref<128xi32, #tpu.memory_space<hbm>>
        tpu.enqueue_dma source(%dma_start3A_158 : memref<128xi32, #tpu.memory_space<hbm>>) target(%arg7 : memref<128xi32, #tpu.memory_space<vmem>>) target_semaphore(%run_scoped3A : memref<!tpu.dma_semaphore, #tpu.memory_space<semaphore_mem>>)
        %dma_wait3A_159 = tpu.memref_slice %arg3[%add3A_48] : memref<1601536xi32, #tpu.memory_space<hbm>> -> memref<128xi32, #tpu.memory_space<hbm>>
        %dma_wait3A_160 = tpu.memref_slice %arg3[%add3A_48] : memref<1601536xi32, #tpu.memory_space<hbm>> -> memref<128xi32, #tpu.memory_space<hbm>>
        tpu.wait_dma2 semaphore(%run_scoped3A : memref<!tpu.dma_semaphore, #tpu.memory_space<semaphore_mem>>) src(%dma_wait3A_160 : memref<128xi32, #tpu.memory_space<hbm>>) dst(%arg7 : memref<128xi32, #tpu.memory_space<vmem>>)
        tpu.yield
      }) : () -> ()
      "tpu.region"() ({
        %run_scoped3A = tpu.sem_alloc : memref<!tpu.dma_semaphore, #tpu.memory_space<semaphore_mem>>
        %dma_start3A_157 = tpu.memref_slice %arg4[%add3A_48] : memref<1601536xi32, #tpu.memory_space<hbm>> -> memref<128xi32, #tpu.memory_space<hbm>>
        %dma_start3A_158 = tpu.memref_slice %arg4[%add3A_48] : memref<1601536xi32, #tpu.memory_space<hbm>> -> memref<128xi32, #tpu.memory_space<hbm>>
        tpu.enqueue_dma source(%dma_start3A_158 : memref<128xi32, #tpu.memory_space<hbm>>) target(%arg8 : memref<128xi32, #tpu.memory_space<vmem>>) target_semaphore(%run_scoped3A : memref<!tpu.dma_semaphore, #tpu.memory_space<semaphore_mem>>)
        %dma_wait3A_159 = tpu.memref_slice %arg4[%add3A_48] : memref<1601536xi32, #tpu.memory_space<hbm>> -> memref<128xi32, #tpu.memory_space<hbm>>
        %dma_wait3A_160 = tpu.memref_slice %arg4[%add3A_48] : memref<1601536xi32, #tpu.memory_space<hbm>> -> memref<128xi32, #tpu.memory_space<hbm>>
        tpu.wait_dma2 semaphore(%run_scoped3A : memref<!tpu.dma_semaphore, #tpu.memory_space<semaphore_mem>>) src(%dma_wait3A_160 : memref<128xi32, #tpu.memory_space<hbm>>) dst(%arg8 : memref<128xi32, #tpu.memory_space<vmem>>)
        tpu.yield
      }) : () -> ()
      %get3A = arith.constant 0 : index
      %get3A_49 = tpu.vector_load %arg7[%get3A] {strides = array<i32>} : memref<128xi32, #tpu.memory_space<vmem>>, vector<16xi32>,
      %get3A_50 = vector.shape_cast %get3A_49 : vector<16xi32> to vector<16xi32>
      %ge3A = arith.cmpi sge, %get3A_50, %broadcast_in_dim3A_28 : vector<16xi32>
      %lt3A = arith.cmpi slt, %get3A_50, %add3A_31 : vector<16xi32>
      %and3A = arith.andi %ge3A, %lt3A : vector<16xi1>
      %sub3A = arith.subi %get3A_50, %broadcast_in_dim3A_28 : vector<16xi32>
      %jit3A = arith.constant 28672 : i32
      %broadcast_in_dim3A_51 = vector.broadcast %jit3A : i32 to vector<16xi32>
      %select_n3A = arith.select %and3A, %sub3A, %broadcast_in_dim3A_51 : vector<16xi1>, vector<16xi32>
      %swap3A = arith.constant 0 : index
      %swap3A_52 = tpu.vector_load %arg9[%swap3A] {strides = array<i32>} : memref<128xi32, #tpu.memory_space<vmem>>, vector<16xi32>,
      %swap3A_53 = vector.shape_cast %swap3A_52 : vector<16xi32> to vector<16xi32>
      %swap3A_54 = vector.shape_cast %select_n3A : vector<16xi32> to vector<16xi32>
      tpu.vector_store %arg9[%swap3A], %swap3A_54 {strides = array<i32>} : memref<128xi32, #tpu.memory_space<vmem>>, vector<16xi32>,
      %get3A_55 = arith.constant 16 : index
      %get3A_56 = tpu.vector_load %arg7[%get3A_55] {strides = array<i32>} : memref<128xi32, #tpu.memory_space<vmem>>, vector<16xi32>,
      %get3A_57 = vector.shape_cast %get3A_56 : vector<16xi32> to vector<16xi32>
      %ge3A_58 = arith.cmpi sge, %get3A_57, %broadcast_in_dim3A_28 : vector<16xi32>
      %lt3A_59 = arith.cmpi slt, %get3A_57, %add3A_31 : vector<16xi32>
      %and3A_60 = arith.andi %ge3A_58, %lt3A_59 : vector<16xi1>
      %sub3A_61 = arith.subi %get3A_57, %broadcast_in_dim3A_28 : vector<16xi32>
      %jit3A_62 = arith.constant 28672 : i32
      %broadcast_in_dim3A_63 = vector.broadcast %jit3A_62 : i32 to vector<16xi32>
      %select_n3A_64 = arith.select %and3A_60, %sub3A_61, %broadcast_in_dim3A_63 : vector<16xi1>, vector<16xi32>
      %swap3A_65 = arith.constant 16 : index
      %swap3A_66 = tpu.vector_load %arg9[%swap3A_65] {strides = array<i32>} : memref<128xi32, #tpu.memory_space<vmem>>, vector<16xi32>,
      %swap3A_67 = vector.shape_cast %swap3A_66 : vector<16xi32> to vector<16xi32>
      %swap3A_68 = vector.shape_cast %select_n3A_64 : vector<16xi32> to vector<16xi32>
      tpu.vector_store %arg9[%swap3A_65], %swap3A_68 {strides = array<i32>} : memref<128xi32, #tpu.memory_space<vmem>>, vector<16xi32>,
      %get3A_69 = arith.constant 32 : index
      %get3A_70 = tpu.vector_load %arg7[%get3A_69] {strides = array<i32>} : memref<128xi32, #tpu.memory_space<vmem>>, vector<16xi32>,
      %get3A_71 = vector.shape_cast %get3A_70 : vector<16xi32> to vector<16xi32>
      %ge3A_72 = arith.cmpi sge, %get3A_71, %broadcast_in_dim3A_28 : vector<16xi32>
      %lt3A_73 = arith.cmpi slt, %get3A_71, %add3A_31 : vector<16xi32>
      %and3A_74 = arith.andi %ge3A_72, %lt3A_73 : vector<16xi1>
      %sub3A_75 = arith.subi %get3A_71, %broadcast_in_dim3A_28 : vector<16xi32>
      %jit3A_76 = arith.constant 28672 : i32
      %broadcast_in_dim3A_77 = vector.broadcast %jit3A_76 : i32 to vector<16xi32>
      %select_n3A_78 = arith.select %and3A_74, %sub3A_75, %broadcast_in_dim3A_77 : vector<16xi1>, vector<16xi32>
      %swap3A_79 = arith.constant 32 : index
      %swap3A_80 = tpu.vector_load %arg9[%swap3A_79] {strides = array<i32>} : memref<128xi32, #tpu.memory_space<vmem>>, vector<16xi32>,
      %swap3A_81 = vector.shape_cast %swap3A_80 : vector<16xi32> to vector<16xi32>
      %swap3A_82 = vector.shape_cast %select_n3A_78 : vector<16xi32> to vector<16xi32>
      tpu.vector_store %arg9[%swap3A_79], %swap3A_82 {strides = array<i32>} : memref<128xi32, #tpu.memory_space<vmem>>, vector<16xi32>,
      %get3A_83 = arith.constant 48 : index
      %get3A_84 = tpu.vector_load %arg7[%get3A_83] {strides = array<i32>} : memref<128xi32, #tpu.memory_space<vmem>>, vector<16xi32>,
      %get3A_85 = vector.shape_cast %get3A_84 : vector<16xi32> to vector<16xi32>
      %ge3A_86 = arith.cmpi sge, %get3A_85, %broadcast_in_dim3A_28 : vector<16xi32>
      %lt3A_87 = arith.cmpi slt, %get3A_85, %add3A_31 : vector<16xi32>
      %and3A_88 = arith.andi %ge3A_86, %lt3A_87 : vector<16xi1>
      %sub3A_89 = arith.subi %get3A_85, %broadcast_in_dim3A_28 : vector<16xi32>
      %jit3A_90 = arith.constant 28672 : i32
      %broadcast_in_dim3A_91 = vector.broadcast %jit3A_90 : i32 to vector<16xi32>
      %select_n3A_92 = arith.select %and3A_88, %sub3A_89, %broadcast_in_dim3A_91 : vector<16xi1>, vector<16xi32>
      %swap3A_93 = arith.constant 48 : index
      %swap3A_94 = tpu.vector_load %arg9[%swap3A_93] {strides = array<i32>} : memref<128xi32, #tpu.memory_space<vmem>>, vector<16xi32>,
      %swap3A_95 = vector.shape_cast %swap3A_94 : vector<16xi32> to vector<16xi32>
      %swap3A_96 = vector.shape_cast %select_n3A_92 : vector<16xi32> to vector<16xi32>
      tpu.vector_store %arg9[%swap3A_93], %swap3A_96 {strides = array<i32>} : memref<128xi32, #tpu.memory_space<vmem>>, vector<16xi32>,
      %get3A_97 = arith.constant 64 : index
      %get3A_98 = tpu.vector_load %arg7[%get3A_97] {strides = array<i32>} : memref<128xi32, #tpu.memory_space<vmem>>, vector<16xi32>,
      %get3A_99 = vector.shape_cast %get3A_98 : vector<16xi32> to vector<16xi32>
      %ge3A_100 = arith.cmpi sge, %get3A_99, %broadcast_in_dim3A_28 : vector<16xi32>
      %lt3A_101 = arith.cmpi slt, %get3A_99, %add3A_31 : vector<16xi32>
      %and3A_102 = arith.andi %ge3A_100, %lt3A_101 : vector<16xi1>
      %sub3A_103 = arith.subi %get3A_99, %broadcast_in_dim3A_28 : vector<16xi32>
      %jit3A_104 = arith.constant 28672 : i32
      %broadcast_in_dim3A_105 = vector.broadcast %jit3A_104 : i32 to vector<16xi32>
      %select_n3A_106 = arith.select %and3A_102, %sub3A_103, %broadcast_in_dim3A_105 : vector<16xi1>, vector<16xi32>
      %swap3A_107 = arith.constant 64 : index
      %swap3A_108 = tpu.vector_load %arg9[%swap3A_107] {strides = array<i32>} : memref<128xi32, #tpu.memory_space<vmem>>, vector<16xi32>,
      %swap3A_109 = vector.shape_cast %swap3A_108 : vector<16xi32> to vector<16xi32>
      %swap3A_110 = vector.shape_cast %select_n3A_106 : vector<16xi32> to vector<16xi32>
      tpu.vector_store %arg9[%swap3A_107], %swap3A_110 {strides = array<i32>} : memref<128xi32, #tpu.memory_space<vmem>>, vector<16xi32>,
      %get3A_111 = arith.constant 80 : index
      %get3A_112 = tpu.vector_load %arg7[%get3A_111] {strides = array<i32>} : memref<128xi32, #tpu.memory_space<vmem>>, vector<16xi32>,
      %get3A_113 = vector.shape_cast %get3A_112 : vector<16xi32> to vector<16xi32>
      %ge3A_114 = arith.cmpi sge, %get3A_113, %broadcast_in_dim3A_28 : vector<16xi32>
      %lt3A_115 = arith.cmpi slt, %get3A_113, %add3A_31 : vector<16xi32>
      %and3A_116 = arith.andi %ge3A_114, %lt3A_115 : vector<16xi1>
      %sub3A_117 = arith.subi %get3A_113, %broadcast_in_dim3A_28 : vector<16xi32>
      %jit3A_118 = arith.constant 28672 : i32
      %broadcast_in_dim3A_119 = vector.broadcast %jit3A_118 : i32 to vector<16xi32>
      %select_n3A_120 = arith.select %and3A_116, %sub3A_117, %broadcast_in_dim3A_119 : vector<16xi1>, vector<16xi32>
      %swap3A_121 = arith.constant 80 : index
      %swap3A_122 = tpu.vector_load %arg9[%swap3A_121] {strides = array<i32>} : memref<128xi32, #tpu.memory_space<vmem>>, vector<16xi32>,
      %swap3A_123 = vector.shape_cast %swap3A_122 : vector<16xi32> to vector<16xi32>
      %swap3A_124 = vector.shape_cast %select_n3A_120 : vector<16xi32> to vector<16xi32>
      tpu.vector_store %arg9[%swap3A_121], %swap3A_124 {strides = array<i32>} : memref<128xi32, #tpu.memory_space<vmem>>, vector<16xi32>,
      %get3A_125 = arith.constant 96 : index
      %get3A_126 = tpu.vector_load %arg7[%get3A_125] {strides = array<i32>} : memref<128xi32, #tpu.memory_space<vmem>>, vector<16xi32>,
      %get3A_127 = vector.shape_cast %get3A_126 : vector<16xi32> to vector<16xi32>
      %ge3A_128 = arith.cmpi sge, %get3A_127, %broadcast_in_dim3A_28 : vector<16xi32>
      %lt3A_129 = arith.cmpi slt, %get3A_127, %add3A_31 : vector<16xi32>
      %and3A_130 = arith.andi %ge3A_128, %lt3A_129 : vector<16xi1>
      %sub3A_131 = arith.subi %get3A_127, %broadcast_in_dim3A_28 : vector<16xi32>
      %jit3A_132 = arith.constant 28672 : i32
      %broadcast_in_dim3A_133 = vector.broadcast %jit3A_132 : i32 to vector<16xi32>
      %select_n3A_134 = arith.select %and3A_130, %sub3A_131, %broadcast_in_dim3A_133 : vector<16xi1>, vector<16xi32>
      %swap3A_135 = arith.constant 96 : index
      %swap3A_136 = tpu.vector_load %arg9[%swap3A_135] {strides = array<i32>} : memref<128xi32, #tpu.memory_space<vmem>>, vector<16xi32>,
      %swap3A_137 = vector.shape_cast %swap3A_136 : vector<16xi32> to vector<16xi32>
      %swap3A_138 = vector.shape_cast %select_n3A_134 : vector<16xi32> to vector<16xi32>
      tpu.vector_store %arg9[%swap3A_135], %swap3A_138 {strides = array<i32>} : memref<128xi32, #tpu.memory_space<vmem>>, vector<16xi32>,
      %get3A_139 = arith.constant 112 : index
      %get3A_140 = tpu.vector_load %arg7[%get3A_139] {strides = array<i32>} : memref<128xi32, #tpu.memory_space<vmem>>, vector<16xi32>,
      %get3A_141 = vector.shape_cast %get3A_140 : vector<16xi32> to vector<16xi32>
      %ge3A_142 = arith.cmpi sge, %get3A_141, %broadcast_in_dim3A_28 : vector<16xi32>
      %lt3A_143 = arith.cmpi slt, %get3A_141, %add3A_31 : vector<16xi32>
      %and3A_144 = arith.andi %ge3A_142, %lt3A_143 : vector<16xi1>
      %sub3A_145 = arith.subi %get3A_141, %broadcast_in_dim3A_28 : vector<16xi32>
      %jit3A_146 = arith.constant 28672 : i32
      %broadcast_in_dim3A_147 = vector.broadcast %jit3A_146 : i32 to vector<16xi32>
      %select_n3A_148 = arith.select %and3A_144, %sub3A_145, %broadcast_in_dim3A_147 : vector<16xi1>, vector<16xi32>
      %swap3A_149 = arith.constant 112 : index
      %swap3A_150 = tpu.vector_load %arg9[%swap3A_149] {strides = array<i32>} : memref<128xi32, #tpu.memory_space<vmem>>, vector<16xi32>,
      %swap3A_151 = vector.shape_cast %swap3A_150 : vector<16xi32> to vector<16xi32>
      %swap3A_152 = vector.shape_cast %select_n3A_148 : vector<16xi32> to vector<16xi32>
      tpu.vector_store %arg9[%swap3A_149], %swap3A_152 {strides = array<i32>} : memref<128xi32, #tpu.memory_space<vmem>>, vector<16xi32>,
      %dma_start3A = arith.constant 0 : i32
      %dma_start3A_153 = arith.constant 0 : i32
      %dma_start3A_154 = tpu.memref_slice %arg2[%dma_start3A, %dma_start3A_153] : memref<100002x64xf32, #tpu.memory_space<hbm>> -> memref<100002x64xf32, #tpu.memory_space<hbm>>
      tpu.enqueue_indirect_dma source(%dma_start3A_154 : memref<100002x64xf32, #tpu.memory_space<hbm>>) target(%arg10 : memref<128x64xf32, #tpu.memory_space<vmem>>) offsets(%arg8 : memref<128xi32, #tpu.memory_space<vmem>>) semaphore(%arg11 : memref<!tpu.dma_semaphore, #tpu.memory_space<semaphore_mem>>)
      %dma_wait3A = arith.constant 0 : i32
      %dma_wait3A_155 = arith.constant 0 : i32
      %dma_wait3A_156 = tpu.memref_slice %arg2[%dma_wait3A, %dma_wait3A_155] : memref<100002x64xf32, #tpu.memory_space<hbm>> -> memref<100002x64xf32, #tpu.memory_space<hbm>>
      tpu.wait_indirect_dma semaphore(%arg11 : memref<!tpu.dma_semaphore, #tpu.memory_space<semaphore_mem>>) src(%dma_wait3A_156 : memref<100002x64xf32, #tpu.memory_space<hbm>>) dst(%arg10 : memref<128x64xf32, #tpu.memory_space<vmem>>)
      "tpu.region"() ({
        %run_scoped3A = tpu.sem_alloc : memref<!tpu.dma_semaphore, #tpu.memory_space<semaphore_mem>>
        %dma_start3A_157 = arith.constant 0 : i32
        %dma_start3A_158 = arith.constant 0 : i32
        %dma_start3A_159 = tpu.memref_slice %arg12[%dma_start3A_157, %dma_start3A_158] : memref<28680x64xf32, #tpu.memory_space<vmem_shared>> -> memref<28680x64xf32, #tpu.memory_space<vmem_shared>>
        tpu.enqueue_indirect_dma source(%arg10 : memref<128x64xf32, #tpu.memory_space<vmem>>) target(%dma_start3A_159 : memref<28680x64xf32, #tpu.memory_space<vmem_shared>>) offsets(%arg9 : memref<128xi32, #tpu.memory_space<vmem>>) semaphore(%run_scoped3A : memref<!tpu.dma_semaphore, #tpu.memory_space<semaphore_mem>>) {add = true}
        %dma_wait3A_160 = arith.constant 0 : i32
        %dma_wait3A_161 = arith.constant 0 : i32
        %dma_wait3A_162 = tpu.memref_slice %arg12[%dma_wait3A_160, %dma_wait3A_161] : memref<28680x64xf32, #tpu.memory_space<vmem_shared>> -> memref<28680x64xf32, #tpu.memory_space<vmem_shared>>
        tpu.wait_indirect_dma semaphore(%run_scoped3A : memref<!tpu.dma_semaphore, #tpu.memory_space<semaphore_mem>>) src(%arg10 : memref<128x64xf32, #tpu.memory_space<vmem>>) dst(%dma_wait3A_162 : memref<28680x64xf32, #tpu.memory_space<vmem_shared>>)
        tpu.yield
      }) : () -> ()
    }
    %scan3A_37 = arith.constant 782 : i32
    %barrier3A_38 = arith.constant 0 : index
    tpu.barrier barrier_id(%barrier3A_38)
    %mul3A_39 = arith.constant 1792 : i32
    %mul3A_40 = arith.muli %arg1, %mul3A_39 : i32
    %mul3A_41 = arith.constant 1792 : i32
    %mul3A_42 = arith.muli %arg1, %mul3A_41 : i32
    %add3A_43 = arith.addi %mul3A_24, %mul3A_42 : i32
    "tpu.region"() ({
      %run_scoped3A = tpu.sem_alloc : memref<!tpu.dma_semaphore, #tpu.memory_space<semaphore_mem>>
      %dma_start3A = arith.constant 0 : i32
      %dma_start3A_45 = tpu.memref_slice %arg6[%add3A_43, %dma_start3A] : memref<114688x64xf32, #tpu.memory_space<hbm>> -> memref<1792x64xf32, #tpu.memory_space<hbm>>
      %dma_start3A_46 = arith.constant 0 : i32
      %dma_start3A_47 = tpu.memref_slice %arg12[%mul3A_40, %dma_start3A_46] : memref<28680x64xf32, #tpu.memory_space<vmem_shared>> -> memref<1792x64xf32, #tpu.memory_space<vmem_shared>>
      tpu.enqueue_dma source(%dma_start3A_47 : memref<1792x64xf32, #tpu.memory_space<vmem_shared>>) target(%dma_start3A_45 : memref<1792x64xf32, #tpu.memory_space<hbm>>) target_semaphore(%run_scoped3A : memref<!tpu.dma_semaphore, #tpu.memory_space<semaphore_mem>>)
      %dma_wait3A = arith.constant 0 : i32
      %dma_wait3A_48 = tpu.memref_slice %arg6[%add3A_43, %dma_wait3A] : memref<114688x64xf32, #tpu.memory_space<hbm>> -> memref<1792x64xf32, #tpu.memory_space<hbm>>
      %dma_wait3A_49 = arith.constant 0 : i32
      %dma_wait3A_50 = tpu.memref_slice %arg12[%mul3A_40, %dma_wait3A_49] : memref<28680x64xf32, #tpu.memory_space<vmem_shared>> -> memref<1792x64xf32, #tpu.memory_space<vmem_shared>>
      tpu.wait_dma2 semaphore(%run_scoped3A : memref<!tpu.dma_semaphore, #tpu.memory_space<semaphore_mem>>) src(%dma_wait3A_50 : memref<1792x64xf32, #tpu.memory_space<vmem_shared>>) dst(%dma_wait3A_48 : memref<1792x64xf32, #tpu.memory_space<hbm>>)
      tpu.yield
    }) : () -> ()
    %barrier3A_44 = arith.constant 0 : index
    tpu.barrier barrier_id(%barrier3A_44)
    return
  }
}

</mosaic_0001>

<sc_bundles>
// kernel: kernel.12.cloned.1.call-start
scs
__scs_entry_jumppad:
0x0: {  	(pc) =	sbr.rel $0x88, $3  }
0x1: {  	(tag) =	ssettag $0x0;
	lr =	simm.s32 $0x1  }
0x2: {  	[smem:$0x3F9D] =	sst lr;
	_ =	strace $0xD0000000  }
0x3: {  	_ = 	snop  }
0x4: {  	_ = 	snop  }
0x5: {  	_ = 	snop  }
0x6: {  	_ = 	snop  }
0x7: {  	_ = 	snop  }
__scs_overlays_trampoline_lowered:
0x8: {  	[smem:$0x3FAC] =	sst s0  }
0x9: {  	[smem:$0x3FAD] =	sst s1  }
0xa: {  	[smem:$0x3FAE] =	sst s2  }
0xb: {  	[smem:$0x3FAF] =	sst s3  }
0xc: {  	[smem:$0x3FB0] =	sst s4  }
0xd: {  	[smem:$0x3FB1] =	sst s5  }
0xe: {  	[smem:$0x3FB2] =	sst s6  }
0xf: {  	[smem:$0x3FB3] =	sst s7  }
0x10: {  	[smem:$0x3FB4] =	sst s8  }
0x11: {  	[smem:$0x3FB5] =	sst s9;
	s0 =	simm.s32 @!p0 $0x0  }
0x12: {  	s1 =	sld [smem:$0x3F9B];
	s0 =	simm.s32 @p0 $0x1  }
0x13: {  	[smem:$0x3FB6] =	sst s0;
	s0 =	simm.s32 @!p1 $0x0  }
0x14: {  	s2 =	sld [smem:$0x3F9A];
	s0 =	simm.s32 @p1 $0x1  }
0x15: {  	[smem:$0x3FB7] =	sst s0;
	s0 =	simm.s32 @!p2 $0x0  }
0x16: {  	s3 =	sld [smem:$0x3FDB];
	s0 =	simm.s32 @p2 $0x1  }
0x17: {  	s4 =	simm.s32 $0x1BF5;
	[smem:$0x3FB9] =	sst s0  }
0x18: {  	s0 =	sld [smem:$0x3F9C];
	_ =	swait.ge [sflag:s4], $0x0  }
0x19: {  	s7 =	sld [smem:$0x3F9D]  }
0x1a: {  	s8 =	sadd.s32 $0xFFFFE003, lr  }
0x1b: {  	s9 =	sadd.s32 $0xFFFFFEF7, lr;
	s5 =	simm.s32 $0xFFFFFFFF;
	p2 =	slt.u32 s8, $0xFFFFF086  }
0x1c: {  	p1 =	slt.u32 s9, $0xF7A;
	s5 =	simm.s32 @!p2 $0x0  }
0x1d: {  	s5 =	simm.s32 @p1 $0x1;
	p0 =	seq.s32 s7, s2  }
0x1e: {  	s7 =	smul.u32 @!p0 $0xF7A, s2;
	p2 =	seq.s32 @!p0 s5, $0x0  }
0x1f: {  	s9 =	smul.u32 $0xF7A, s1;
	s8 =	simm.s32 @!p0 $0x1BF5;
	p2 =	por !p2, p0  }
0x20: {  	[sflag:s8] =	ssyncset.s32 @!p0 $0xFFFFF086;
	s6 =	sadd.s32 @!p0 s3, s7;
	s7 =	simm.s32 @!p0 $0x108  }
0x21: {  	s3 =	sadd.s32 s3, s9;
	s6 =	sadd.s32 @!p0 $0x88, s6;
	s7 =	simm.s32 @p2 $0x1082  }
0x22: {  	[simem:s7], [sflag:s8] =	dma.local @!p0 [hbm:s6], $0xF7A  }
0x23: {  	s9 =	sor.u32 $0xD0000000, s2;
	s6 =	simm.s32 $0x108;
	_ =	swait.ge @!p0 [sflag:s8], $0x0  }
0x24: {  	s3 =	sadd.s32 $0x88, s3;
	s6 =	simm.s32 @!p1 $0x1082;
	[sflag:s4] =	ssyncset.s32 $0xFFFFF086  }
0x25: {  	[simem:s6], [sflag:s4] =	dma.local [hbm:s3], $0xF7A  }
0x26: {  	[smem:$0x3F9D] =	sst s1;
	(tag) =	ssettag s2;
	_ =	strace s9  }
0x27: {  	s1 =	sld [smem:$0x3FAD]  }
0x28: {  	s2 =	sld [smem:$0x3FAE]  }
0x29: {  	s4 =	sld [smem:$0x3FB0]  }
0x2a: {  	p0 =	seq.s32 s5, $0x0;
	s5 =	sld [smem:$0x3FB1]  }
0x2b: {  	s6 =	sld [smem:$0x3FB2]  }
0x2c: {  	s7 =	sld [smem:$0x3FB3]  }
0x2d: {  	s3 =	simm.s32 $0x108;
	s8 =	sld [smem:$0x3FB4]  }
0x2e: {  	s3 =	simm.s32 @!p0 $0x1082;
	s9 =	sld [smem:$0x3FB5]  }
0x2f: {  	lr =	sadd.s32 s0, s3;
	s0 =	sld [smem:$0x3FAC]  }
0x30: {  	s3 =	sld [smem:$0x3FAF]  }
0x31: {  	[smem:$0x3FB8] =	sst s10  }
0x32: {  	s10 =	sld [smem:$0x3FB6];
	_ =	sdelay $0x3  }
0x33: {  	p0 =	seq.s32 s10, $0x1;
	s10 =	sld [smem:$0x3FB8];
	_ =	sdelay $0x3  }
0x34: {  	[smem:$0x3FB8] =	sst s10  }
0x35: {  	s10 =	sld [smem:$0x3FB7];
	_ =	sdelay $0x3  }
0x36: {  	p1 =	seq.s32 s10, $0x1;
	s10 =	sld [smem:$0x3FB8];
	_ =	sdelay $0x3  }
0x37: {  	[smem:$0x3FB8] =	sst s10  }
0x38: {  	s10 =	sld [smem:$0x3FB9]  }
0x39: {  	_ = 	snop;
	(pc) =	sbr.ind lr, $3  }
0x3a: {  	_ = 	snop  }
0x3b: {  	_ = 	snop  }
0x3c: {  	p2 =	seq.s32 s10, $0x1;
	s10 =	sld [smem:$0x3FB8]  }
0x3d: {  	_ =	shalt  }
0x3e: {  	_ =	shalt  }
0x3f: {  	_ =	shalt  }
0x40: {  	_ =	shalt  }
0x41: {  	_ =	shalt  }
0x42: {  	_ =	shalt  }
0x43: {  	_ =	shalt  }
0x44: {  	_ =	shalt  }
0x45: {  	_ =	shalt  }
0x46: {  	_ =	shalt  }
0x47: {  	_ =	shalt  }
0x48: {  	_ =	shalt  }
0x49: {  	_ =	shalt  }
0x4a: {  	_ =	shalt  }
0x4b: {  	_ =	shalt  }
0x4c: {  	_ =	shalt  }
0x4d: {  	_ =	shalt  }
0x4e: {  	_ =	shalt  }
0x4f: {  	_ =	shalt  }
0x50: {  	_ =	shalt  }
0x51: {  	_ =	shalt  }
0x52: {  	_ =	shalt  }
0x53: {  	_ =	shalt  }
0x54: {  	_ =	shalt  }
0x55: {  	_ =	shalt  }
0x56: {  	_ =	shalt  }
0x57: {  	_ =	shalt  }
0x58: {  	_ =	shalt  }
0x59: {  	_ =	shalt  }
0x5a: {  	_ =	shalt  }
0x5b: {  	_ =	shalt  }
0x5c: {  	_ =	shalt  }
0x5d: {  	_ =	shalt  }
0x5e: {  	_ =	shalt  }
0x5f: {  	_ =	shalt  }
0x60: {  	_ =	shalt  }
0x61: {  	_ =	shalt  }
0x62: {  	_ =	shalt  }
0x63: {  	_ =	shalt  }
0x64: {  	_ =	shalt  }
0x65: {  	_ =	shalt  }
0x66: {  	_ =	shalt  }
0x67: {  	_ =	shalt  }
0x68: {  	_ =	shalt  }
0x69: {  	_ =	shalt  }
0x6a: {  	_ =	shalt  }
0x6b: {  	_ =	shalt  }
0x6c: {  	_ =	shalt  }
0x6d: {  	_ =	shalt  }
0x6e: {  	_ =	shalt  }
0x6f: {  	_ =	shalt  }
0x70: {  	_ =	shalt  }
0x71: {  	_ =	shalt  }
0x72: {  	_ =	shalt  }
0x73: {  	_ =	shalt  }
0x74: {  	_ =	shalt  }
0x75: {  	_ =	shalt  }
0x76: {  	_ =	shalt  }
0x77: {  	_ =	shalt  }
0x78: {  	_ =	shalt  }
0x79: {  	_ =	shalt  }
0x7a: {  	_ =	shalt  }
0x7b: {  	_ =	shalt  }
0x7c: {  	_ =	shalt  }
0x7d: {  	_ =	shalt  }
0x7e: {  	_ =	shalt  }
0x7f: {  	_ =	shalt  }
0x80: {  	_ =	shalt  }
0x81: {  	_ =	shalt  }
0x82: {  	_ =	shalt  }
0x83: {  	_ =	shalt  }
0x84: {  	_ =	shalt  }
0x85: {  	_ =	shalt  }
0x86: {  	_ =	shalt  }
0x87: {  	_ =	shalt  }
.Lfunc_end0:
.L_simem_size_0:
called_computation.2_lowered:
.L_overlay_start_0:
0x88: {  	s2 =	sld [smem:$0x3FD9]  }
0x89: {  	s3 =	sld [smem:$0x3FFE];
	_ =	sdelay $0x1  }
0x8a: {  	s1 =	srdreg.scid  }
0x8b: {  	s0 =	sand.u32 $0x1, s1  }
0x8c: {  	s14 =	sshll.u32 s0, $0xA;
	s2 =	sadd.s32 s3, s2  }
0x8d: {  	s2 =	sadd.s32 s2, s14  }
0x8e: {  	[smem:$0x3FC4] =	sst s2  }
0x8f: {  	_ = 	snop  }
0x90: {  	s2 =	sld [smem:$0x3FD0];
	_ =	sdelay $0x2  }
0x91: {  	s15 =	simm.s32 $0xA;
	s4 =	simm.s32 $0x10  }
0x92: {  	[smem:s4], [sflag:s15] =	dma.local [hbm:s2], $0x1  }
0x93: {  	_ =	swait.eq [sflag:s15], $0x1  }
0x94: {  	[sflag:s15] =	ssyncset.done $0x0  }
0x95: {  	s16 =	sld [smem:$0x10];
	[sflag:s15] =	ssyncadd.s32 $0xFFFFFFFF  }
0x96: {  	s17 =	sld [smem:$0x11];
	(tm) =	ssettm $0x1  }
0x97: {  	s18 =	sld [smem:$0x3FFB];
	_ =	sdelay $0x3  }
0x98: {  	_ =	strace s18  }
0x99: {  	s4 =	sld [smem:$0x3FFC];
	_ =	sdelay $0x3  }
0x9a: {  	_ =	strace s4  }
0x9b: {  	s4 =	sld [smem:$0x3FFD];
	_ =	sdelay $0x3  }
0x9c: {  	_ =	strace s4  }
0x9d: {  	_ =	strace $0x8FFFFFFF  }
0x9e: {  	s19 =	sld [smem:$0x3FDB];
	_ =	sdelay $0x1  }
0x9f: {  	s5 =	simm.s32 $_scs_section_size  }
0xa0: {  	s6 =	simm.s32 $_size__tile_overlayer_lowered;
	s7 =	simm.s32 $_tile_overlayer_lowered  }
0xa1: {  	s22 =	simm.s32 $0x1BFF;
	s21 =	sshll.u32 s7, $0x1;
	s4 =	sadd.s32 s5, s19  }
0xa2: {  	s8 =	simm.s32 $0x0;
	s20 =	sshll.u32 s6, $0x1;
	s6 =	sadd.s32 s21, s4  }
0xa3: {  	[timem:s8], [sflag:s22] =	dma.local [hbm:s6], s20  }
0xa4: {  	_ =	swait.ge [sflag:s22], s20  }
0xa5: {  	s5 =	ssub.s32 $0x0, s20;
	[sflag:s22] =	ssyncset.done $0x0  }
0xa6: {  	[sflag:s22] =	ssyncadd.s32 s5;
	_ =	sdelay $0x1  }
0xa7: {  	s23 =	simm.s32 $0x1B8B  }
0xa8: {  	_ =	swait.ge [sflag:s23], $0x1  }
0xa9: {  	[sflag:s23] =	ssyncset.done $0x0  }
0xaa: {  	s25 =	simm.s32 $0x1B8E;
	s24 =	sld [smem:$0x3FFE];
	[sflag:s23] =	ssyncadd.s32 $0xFFFFFFFF  }
0xab: {  	s26 =	simm.s32 $execute0_lowered;
	[smem:$0x3FD2] =	sst s25  }
0xac: {  	s6 =	sshll.u32 s26, $0x1;
	_ =	strace $0x8000004C;
	[dreg:$0x1] =	wrdreg $0xFFFFFFFF  }
0xad: {  	s28 =	simm.s32 $_size_execute0_lowered;
	s4 =	sadd.s32 s4, s6;
	[dreg:$0x0] =	wrdreg $0x0  }
0xae: {  	s6 =	sshll.u32 s28, $0x1;
	[dreg:$0x2] =	wrdreg s4  }
0xaf: {  	[dreg:$0x3] =	wrdreg s6  }
0xb0: {  	[dreg:$0x4] =	wrdreg $0xC0  }
0xb1: {  	_ =	task [dreg:s8], $0x5FFFF  }
0xb2: {  	[dreg:$0x1] =	wrdreg $0xFFFFFFFF  }
0xb3: {  	[dreg:$0x0] =	wrdreg $0x60  }
0xb4: {  	[dreg:$0x2] =	wrdreg s24  }
0xb5: {  	[dreg:$0x3] =	wrdreg s16  }
0xb6: {  	[dreg:$0x4] =	wrdreg s17  }
0xb7: {  	[dreg:$0x5] =	wrdreg $0x21800  }
0xb8: {  	[dreg:$0x6] =	wrdreg $0x9  }
0xb9: {  	_ =	task.clear_ibuf [dreg:s8], $0x7FFFF;
	_ =	strace $0x9000004C  }
0xba: {  	s29 =	simm.s32 $0x9;
	_ =	strace $0x8000004E  }
0xbb: {  	_ =	swait.ge [sflag:s29], $0x1  }
0xbc: {  	[sflag:s29] =	ssyncadd.s32 $0xFFFFFFFF  }
0xbd: {  	_ =	strace $0x9000004E  }
0xbe: {  	_ =	sfence  }
0xbf: {  	s30 =	sld [smem:$0x0];
	_ =	sdelay $0x2  }
0xc0: {  	s31 =	sshll.u32 s1, $0xD;
	s1 =	sshrl.u32 s1, $0x2  }
0xc1: {  	s3 =	sand.u32 $0x4000, s31;
	s1 =	sadd.s32 s1, s30  }
0xc2: {  	s0 =	sor.u32 s3, s0;
	s1 =	sshll.u32 s1, $0x11  }
0xc3: {  	s0 =	sor.u32 s1, s0  }
0xc4: {  	s0 =	sadd.s32 $0x8F2B, s0  }
0xc5: {  	[sflag:s0] =	ssyncadd.remote.s32 $0x1  }
0xc6: {  	_ =	sfence.sel $0xFFFF  }
0xc7: {  	[dreg:$0x0] =	wrdreg $0xFFFFFFFF;
	(pc) =	sbr.abs _section_cstart, $3  }
0xc8: {  	[dreg:$0x1] =	wrdreg $0xFFFFFFFF  }
0xc9: {  	_ =	task.clear_ibuf [dreg:s8], $0x2FFFF;
	_ =	strace $0x9FFFFFFF  }
0xca: {  	(tm) =	ssettm $0x7FFFFFFF  }
0xcb: {  	_ =	shalt  }
tec
execute0_lowered:
.L_overlay_start_1:
0x0: {  	(tag) =	ssettag $0x1  }
0x1: {  	s6 =	rddreg [dreg:$0x0]  }
0x2: {  	s10 =	rddreg [dreg:$0x1]  }
0x3: {  	s2 =	rddreg [dreg:$0x2]  }
0x4: {  	s3 =	rddreg [dreg:$0x3]  }
0x5: {  	s0 =	rddreg [dreg:$0x4];
	s4 =	simm.s32 $0x0  }
0x6: {  	s1 =	stileid.u32;
	s7 =	srdreg.scid;
	s18 =	simm.s32 $0x0  }
0x7: {  	[smem:$0x7FF] =	sst s4;
	s11 =	smul.u32 $0x30E0, s1;
	s5 =	sadd.s32 $0x1BC800, s6  }
0x8: {  	s7 =	sand.u32 $0x1, s7;
	s8 =	smul.u32 $0x70000, s1;
	s9 =	sadd.s32 $0x45C800, s6  }
0x9: {  	s14 =	smul.u32 $0x700, s1;
	s29 =	sshll.u32 s1, $0x6;
	_ =	strace $0x8000004D  }
0xa: {  	s26 =	ssub.s32 $0x2, s7;
	s13 =	smul.u32 $0x7000, s7;
	s12 =	sadd.s32 s11, s6  }
0xb: {  	s28 =	sshrl.u32 s26, $0x1;
	s8 =	sshrl.u32 s8, $0x2;
	s6 =	sor.u32 $0x1C02, s29  }
0xc: {  	s10 =	sadd.s32 s11, s10;
	s15 =	ssub.s32 s26, s28;
	s16 =	sadd.s32 s8, s3  }
0xd: {  	s17 =	sadd.s32 $0xE000, s13;
	s30 =	sadd.s32 s14, s13;
	s11 =	sadd.s32 $0x3000, s12  }
0xe: {  	v0 =	vmov s13;
	s13 =	simm.s32 $0x2;
	s31 =	sadd.s32 s14, s17;
	s7 =	sshll.u32 s30, $0x3  }
0xf: {  	s12 =	sshrl.u32 s16, $0x3;
	s14 =	simm.s32 $0x80;
	s16 =	simm.s32 $0x1  }
0x10: {  	v1 =	vmov s17;
	s17 =	simm.s32 $0x100;
	s8 =	sshll.u32 s31, $0x3;
	s7 =	sadd.s32 s9, s7  }
0x11: {  	v2 =	vadd.s32 $0x7000, v0;
	v3 =	vadd.s32 $0x7000, v1;
	s8 =	sadd.s32 s9, s8;
	s9 =	smax.u32 s15, $0x1;
	s15 =	simm.s32 $0x180  }
.LBB2_1:
0x12: {  	[spmem:s12], [sflag:s6] =	dma.local [hbm:s2], $0x3800  }
0x13: {  	_ =	swait.ge [sflag:s13], $0x3800  }
0x14: {  	[sflag:s13] =	ssyncset.done $0x0  }
0x15: {  	[sflag:s13] =	ssyncadd.s32 $0xFFFFC800  }
0x16: {  	s19 =	sadd.s32 $0x0, s11;
	[bflag:$0x0] =	sbarrier.arrive $0xFFFF  }
0x17: {  	[tilespmem:s4], [sflag:$0x2] =	stream.linear.gather [hbm4b:s19+s4], $0x80, $0x38;
	[tilespmem:$0x1E1A0] =	vst v63  }
0x18: {  	_ =	swait.ge [sflag:s13], $0x80  }
0x19: {  	[sflag:s13] =	ssyncset.done $0x0  }
0x1a: {  	s31 =	sadd.s32 $0x0, s10;
	[sflag:s13] =	ssyncadd.s32 $0xFFFFFF80  }
0x1b: {  	[tilespmem:s14], [sflag:$0x2] =	stream.linear.gather [hbm4b:s31+s4], $0x80, $0x38;
	[tilespmem:$0x1E1A0] =	vst v63  }
0x1c: {  	_ =	swait.ge [sflag:s13], $0x80  }
0x1d: {  	[sflag:s13] =	ssyncset.done $0x0  }
0x1e: {  	[sflag:s13] =	ssyncadd.s32 $0xFFFFFF80  }
0x1f: {  	v4 =	vld [tilespmem:$0x70]  }
0x20: {  	v5 =	vld [tilespmem:$0x60]  }
0x21: {  	v6 =	vld [tilespmem:$0x10]  }
0x22: {  	v9 =	vld [tilespmem:$0x30]  }
0x23: {  	v11 =	vld [tilespmem:$0x40]  }
0x24: {  	v7 =	vld [tilespmem:$0x0]  }
0x25: {  	vm0 =	vge.s32 v4, v0;
	vm1 =	vlt.s32 v4, v2;
	v10 =	vsub.s32 v4, v0  }
0x26: {  	v8 =	vld [tilespmem:$0x20];
	vm2 =	vge.s32 v5, v0;
	vm3 =	vlt.s32 v5, v2;
	v5 =	vsub.s32 v5, v0  }
0x27: {  	v12 =	vsub.s32 v6, v0;
	vm4 =	vlt.s32 v6, v2;
	vm5 =	vlt.s32 v9, v2  }
0x28: {  	vm6 =	vge.s32 v11, v0;
	vm7 =	vlt.s32 v11, v2;
	vm2 =	vmand vm2, vm3  }
0x29: {  	vm0 =	vmand vm0, vm1;
	vm1 =	vlt.s32 v7, v2;
	vm3 =	vge.s32 v6, v0  }
0x2a: {  	v4 =	vld [tilespmem:$0x50];
	v6 =	vsub.s32 v11, v0;
	v13 =	vnsel vm2, $0x7000, v5;
	vm2 =	vge.s32 v7, v0  }
0x2b: {  	v7 =	vsub.s32 v7, v0;
	v5 =	vsub.s32 v8, v0;
	v10 =	vnsel vm0, $0x7000, v10  }
0x2c: {  	vm0 =	vge.s32 v8, v0;
	vm1 =	vmand vm2, vm1;
	vm2 =	vmand vm3, vm4;
	[tilespmem:$0x160] =	vst v13  }
0x2d: {  	vm3 =	vge.s32 v9, v0;
	[tilespmem:$0x170] =	vst v10;
	v7 =	vnsel vm1, $0x7000, v7;
	v63 =	vnsel vm2, $0x7000, v12  }
0x2e: {  	vm2 =	vlt.s32 v8, v2;
	vm5 =	vmand vm3, vm5;
	vm3 =	vmand vm6, vm7;
	[tilespmem:$0x100] =	vst v7  }
0x2f: {  	s19 =	simm.s32 $0x10;
	vm1 =	vge.s32 v4, v0;
	v7 =	vsub.s32 v9, v0;
	vm4 =	vlt.s32 v4, v2;
	[tilespmem:$0x110] =	vst v63  }
.LBB2_2:
0x30: {  	p0 =	sne.s32 s19, $0x30D0;
	v7 =	vnsel vm5, $0x7000, v7;
	vm1 =	vmand vm1, vm4;
	v4 =	vsub.s32 v4, v0;
	s20 =	smov.u32 s19;
	s19 =	sadd.s32 $0x10, s19  }
0x31: {  	[tilespmem:$0x130] =	vst v7;
	v4 =	vnsel vm1, $0x7000, v4  }
0x32: {  	vm0 =	vmand vm0, vm2;
	v6 =	vnsel vm3, $0x7000, v6;
	[tilespmem:$0x150] =	vst v4  }
0x33: {  	v4 =	vnsel vm0, $0x7000, v5;
	[tilespmem:$0x140] =	vst v6  }
0x34: {  	[tilespmem:$0x120] =	vst v4  }
0x35: {  	[tilespmem:s15], [sflag:$0x1] =	stream.indirect.gather [hbm4b:s5+s14], $0x40, s14, s14, $0xb8;
	[tilespmem:$0x1E1A0] =	vst v63  }
0x36: {  	_ =	swait.ge [sflag:s16], $0x2000  }
0x37: {  	[sflag:s16] =	ssyncset.done $0x0  }
0x38: {  	[sflag:s16] =	ssyncadd.s32 $0xFFFFE000  }
0x39: {  	[spmem:s3] =	stream.indirect.scatter.add.f32 [tilespmem:s15], [sflag:$0x2], $0x40, s17, s14, $0xb8;
	[tilespmem:$0x1E1A0] =	vst v63  }
0x3a: {  	_ =	swait.ge [sflag:s13], $0x2000  }
0x3b: {  	[sflag:s13] =	ssyncset.done $0x0  }
0x3c: {  	s21 =	sadd.s32 s20, s11;
	[sflag:s13] =	ssyncadd.s32 $0xFFFFE000  }
0x3d: {  	[tilespmem:s4], [sflag:$0x2] =	stream.linear.gather [hbm4b:s21+s4], $0x80, $0x38;
	[tilespmem:$0x1E1A0] =	vst v63  }
0x3e: {  	_ =	swait.ge [sflag:s13], $0x80  }
0x3f: {  	[sflag:s13] =	ssyncset.done $0x0  }
0x40: {  	s20 =	sadd.s32 s20, s10;
	[sflag:s13] =	ssyncadd.s32 $0xFFFFFF80  }
0x41: {  	[tilespmem:s14], [sflag:$0x2] =	stream.linear.gather [hbm4b:s20+s4], $0x80, $0x38;
	[tilespmem:$0x1E1A0] =	vst v63  }
0x42: {  	_ =	swait.ge [sflag:s13], $0x80  }
0x43: {  	[sflag:s13] =	ssyncset.done $0x0  }
0x44: {  	[sflag:s13] =	ssyncadd.s32 $0xFFFFFF80  }
0x45: {  	v4 =	vld [tilespmem:$0x70]  }
0x46: {  	v5 =	vld [tilespmem:$0x60]  }
0x47: {  	v6 =	vld [tilespmem:$0x10]  }
0x48: {  	v7 =	vld [tilespmem:$0x0]  }
0x49: {  	v8 =	vld [tilespmem:$0x20]  }
0x4a: {  	v9 =	vld [tilespmem:$0x30];
	vm0 =	vge.s32 v4, v0;
	vm1 =	vlt.s32 v4, v2;
	v10 =	vsub.s32 v4, v0  }
0x4b: {  	v11 =	vld [tilespmem:$0x40];
	vm2 =	vge.s32 v5, v0;
	vm3 =	vlt.s32 v5, v2;
	v5 =	vsub.s32 v5, v0  }
0x4c: {  	vm0 =	vmand vm0, vm1;
	v12 =	vsub.s32 v6, v0;
	v4 =	vld [tilespmem:$0x50];
	vm2 =	vmand vm2, vm3  }
0x4d: {  	vm3 =	vge.s32 v6, v0;
	vm1 =	vlt.s32 v7, v2;
	v5 =	vnsel vm2, $0x7000, v5  }
0x4e: {  	vm4 =	vlt.s32 v6, v2;
	vm2 =	vge.s32 v7, v0;
	v7 =	vsub.s32 v7, v0;
	[tilespmem:$0x160] =	vst v5  }
0x4f: {  	v10 =	vnsel vm0, $0x7000, v10;
	vm1 =	vmand vm2, vm1;
	v5 =	vsub.s32 v8, v0  }
.Ltmp0:
0x50: {  	vm2 =	vmand vm3, vm4;
	v7 =	vnsel vm1, $0x7000, v7;
	v6 =	vsub.s32 v11, v0;
	[tilespmem:$0x170] =	vst v10;
	(pc) =	sbr.rel @p0 .LBB2_2-.Ltmp0, $4  }
0x51: {  	vm0 =	vge.s32 v8, v0;
	vm3 =	vge.s32 v9, v0;
	[tilespmem:$0x100] =	vst v7;
	vm1 =	vge.s32 v4, v0  }
0x52: {  	vm5 =	vlt.s32 v9, v2;
	vm6 =	vge.s32 v11, v0;
	v7 =	vnsel vm2, $0x7000, v12  }
0x53: {  	vm7 =	vlt.s32 v11, v2;
	vm4 =	vlt.s32 v4, v2;
	[tilespmem:$0x110] =	vst v7;
	v7 =	vsub.s32 v9, v0  }
0x54: {  	vm5 =	vmand vm3, vm5;
	vm2 =	vlt.s32 v8, v2;
	vm3 =	vmand vm6, vm7  }
0x55: {  	v7 =	vnsel vm5, $0x7000, v7  }
0x56: {  	vm1 =	vmand vm1, vm4;
	v4 =	vsub.s32 v4, v0;
	v6 =	vnsel vm3, $0x7000, v6;
	[tilespmem:$0x130] =	vst v7  }
0x57: {  	vm0 =	vmand vm0, vm2;
	v4 =	vnsel vm1, $0x7000, v4;
	[tilespmem:$0x140] =	vst v6  }
0x58: {  	[tilespmem:$0x150] =	vst v4;
	v4 =	vnsel vm0, $0x7000, v5  }
0x59: {  	[tilespmem:$0x120] =	vst v4  }
0x5a: {  	[tilespmem:s15], [sflag:$0x1] =	stream.indirect.gather [hbm4b:s5+s14], $0x40, s14, s14, $0xb8;
	[tilespmem:$0x1E1A0] =	vst v63  }
0x5b: {  	_ =	swait.ge [sflag:s16], $0x2000  }
0x5c: {  	[sflag:s16] =	ssyncset.done $0x0  }
0x5d: {  	[sflag:s16] =	ssyncadd.s32 $0xFFFFE000  }
0x5e: {  	[spmem:s3] =	stream.indirect.scatter.add.f32 [tilespmem:s15], [sflag:$0x2], $0x40, s17, s14, $0xb8;
	[tilespmem:$0x1E1A0] =	vst v63  }
0x5f: {  	_ =	swait.ge [sflag:s13], $0x2000  }
0x60: {  	[sflag:s13] =	ssyncset.done $0x0  }
0x61: {  	[sflag:s13] =	ssyncadd.s32 $0xFFFFE000  }
0x62: {  	[bflag:$0x0] =	sbarrier.arrive $0xFFFF  }
0x63: {  	[hbm:s7], [sflag:s6] =	dma.local [spmem:s12], $0x3800  }
0x64: {  	_ =	swait.ge [sflag:s13], $0x3800  }
0x65: {  	[sflag:s13] =	ssyncset.done $0x0  }
0x66: {  	[sflag:s13] =	ssyncadd.s32 $0xFFFFC800  }
0x67: {  	[bflag:$0x0] =	sbarrier.arrive $0xFFFF  }
0x68: {  	[spmem:s12], [sflag:s6] =	dma.local [hbm:s2], $0x3800  }
0x69: {  	_ =	swait.ge [sflag:s13], $0x3800  }
0x6a: {  	[sflag:s13] =	ssyncset.done $0x0  }
0x6b: {  	[sflag:s13] =	ssyncadd.s32 $0xFFFFC800  }
0x6c: {  	s19 =	sadd.s32 $0x0, s11;
	[bflag:$0x0] =	sbarrier.arrive $0xFFFF  }
0x6d: {  	[tilespmem:s4], [sflag:$0x2] =	stream.linear.gather [hbm4b:s19+s4], $0x80, $0x38;
	[tilespmem:$0x1E1A0] =	vst v63  }
0x6e: {  	_ =	swait.ge [sflag:s13], $0x80  }
0x6f: {  	[sflag:s13] =	ssyncset.done $0x0  }
0x70: {  	s31 =	sadd.s32 $0x0, s10;
	[sflag:s13] =	ssyncadd.s32 $0xFFFFFF80  }
0x71: {  	[tilespmem:s14], [sflag:$0x2] =	stream.linear.gather [hbm4b:s31+s4], $0x80, $0x38;
	[tilespmem:$0x1E1A0] =	vst v63  }
0x72: {  	_ =	swait.ge [sflag:s13], $0x80  }
0x73: {  	[sflag:s13] =	ssyncset.done $0x0  }
0x74: {  	[sflag:s13] =	ssyncadd.s32 $0xFFFFFF80  }
0x75: {  	v4 =	vld [tilespmem:$0x70]  }
0x76: {  	v5 =	vld [tilespmem:$0x60]  }
0x77: {  	v6 =	vld [tilespmem:$0x10]  }
0x78: {  	v9 =	vld [tilespmem:$0x30]  }
0x79: {  	v11 =	vld [tilespmem:$0x40]  }
0x7a: {  	v7 =	vld [tilespmem:$0x0]  }
0x7b: {  	vm0 =	vge.s32 v4, v1;
	vm1 =	vlt.s32 v4, v3;
	v10 =	vsub.s32 v4, v1  }
0x7c: {  	v8 =	vld [tilespmem:$0x20];
	vm2 =	vge.s32 v5, v1;
	vm3 =	vlt.s32 v5, v3;
	v5 =	vsub.s32 v5, v1  }
0x7d: {  	v12 =	vsub.s32 v6, v1;
	vm4 =	vlt.s32 v6, v3;
	vm5 =	vlt.s32 v9, v3  }
0x7e: {  	vm6 =	vge.s32 v11, v1;
	vm7 =	vlt.s32 v11, v3;
	vm2 =	vmand vm2, vm3  }
0x7f: {  	vm0 =	vmand vm0, vm1;
	vm1 =	vlt.s32 v7, v3;
	vm3 =	vge.s32 v6, v1  }
0x80: {  	v4 =	vld [tilespmem:$0x50];
	v6 =	vsub.s32 v11, v1;
	v13 =	vnsel vm2, $0x7000, v5;
	vm2 =	vge.s32 v7, v1  }
0x81: {  	v7 =	vsub.s32 v7, v1;
	v5 =	vsub.s32 v8, v1;
	v10 =	vnsel vm0, $0x7000, v10  }
0x82: {  	vm0 =	vge.s32 v8, v1;
	vm1 =	vmand vm2, vm1;
	vm2 =	vmand vm3, vm4;
	[tilespmem:$0x160] =	vst v13  }
0x83: {  	vm3 =	vge.s32 v9, v1;
	[tilespmem:$0x170] =	vst v10;
	v7 =	vnsel vm1, $0x7000, v7;
	v63 =	vnsel vm2, $0x7000, v12  }
0x84: {  	vm2 =	vlt.s32 v8, v3;
	vm5 =	vmand vm3, vm5;
	vm3 =	vmand vm6, vm7;
	[tilespmem:$0x100] =	vst v7  }
0x85: {  	s19 =	simm.s32 $0x10;
	vm1 =	vge.s32 v4, v1;
	v7 =	vsub.s32 v9, v1;
	vm4 =	vlt.s32 v4, v3;
	[tilespmem:$0x110] =	vst v63  }
.LBB2_4:
0x86: {  	p0 =	sne.s32 s19, $0x30D0;
	v7 =	vnsel vm5, $0x7000, v7;
	vm1 =	vmand vm1, vm4;
	v4 =	vsub.s32 v4, v1;
	s20 =	smov.u32 s19;
	s19 =	sadd.s32 $0x10, s19  }
0x87: {  	[tilespmem:$0x130] =	vst v7;
	v4 =	vnsel vm1, $0x7000, v4  }
0x88: {  	vm0 =	vmand vm0, vm2;
	v6 =	vnsel vm3, $0x7000, v6;
	[tilespmem:$0x150] =	vst v4  }
0x89: {  	v4 =	vnsel vm0, $0x7000, v5;
	[tilespmem:$0x140] =	vst v6  }
0x8a: {  	[tilespmem:$0x120] =	vst v4  }
0x8b: {  	[tilespmem:s15], [sflag:$0x1] =	stream.indirect.gather [hbm4b:s5+s14], $0x40, s14, s14, $0xb8;
	[tilespmem:$0x1E1A0] =	vst v63  }
0x8c: {  	_ =	swait.ge [sflag:s16], $0x2000  }
0x8d: {  	[sflag:s16] =	ssyncset.done $0x0  }
0x8e: {  	[sflag:s16] =	ssyncadd.s32 $0xFFFFE000  }
0x8f: {  	[spmem:s3] =	stream.indirect.scatter.add.f32 [tilespmem:s15], [sflag:$0x2], $0x40, s17, s14, $0xb8;
	[tilespmem:$0x1E1A0] =	vst v63  }
0x90: {  	_ =	swait.ge [sflag:s13], $0x2000  }
0x91: {  	[sflag:s13] =	ssyncset.done $0x0  }
0x92: {  	s21 =	sadd.s32 s20, s11;
	[sflag:s13] =	ssyncadd.s32 $0xFFFFE000  }
0x93: {  	[tilespmem:s4], [sflag:$0x2] =	stream.linear.gather [hbm4b:s21+s4], $0x80, $0x38;
	[tilespmem:$0x1E1A0] =	vst v63  }
0x94: {  	_ =	swait.ge [sflag:s13], $0x80  }
0x95: {  	[sflag:s13] =	ssyncset.done $0x0  }
0x96: {  	s20 =	sadd.s32 s20, s10;
	[sflag:s13] =	ssyncadd.s32 $0xFFFFFF80  }
0x97: {  	[tilespmem:s14], [sflag:$0x2] =	stream.linear.gather [hbm4b:s20+s4], $0x80, $0x38;
	[tilespmem:$0x1E1A0] =	vst v63  }
0x98: {  	_ =	swait.ge [sflag:s13], $0x80  }
0x99: {  	[sflag:s13] =	ssyncset.done $0x0  }
0x9a: {  	[sflag:s13] =	ssyncadd.s32 $0xFFFFFF80  }
0x9b: {  	v4 =	vld [tilespmem:$0x70]  }
0x9c: {  	v5 =	vld [tilespmem:$0x60]  }
0x9d: {  	v6 =	vld [tilespmem:$0x10]  }
0x9e: {  	v7 =	vld [tilespmem:$0x0]  }
0x9f: {  	v8 =	vld [tilespmem:$0x20]  }
0xa0: {  	v9 =	vld [tilespmem:$0x30];
	vm0 =	vge.s32 v4, v1;
	vm1 =	vlt.s32 v4, v3;
	v10 =	vsub.s32 v4, v1  }
0xa1: {  	v11 =	vld [tilespmem:$0x40];
	vm2 =	vge.s32 v5, v1;
	vm3 =	vlt.s32 v5, v3;
	v5 =	vsub.s32 v5, v1  }
0xa2: {  	vm0 =	vmand vm0, vm1;
	v12 =	vsub.s32 v6, v1;
	v4 =	vld [tilespmem:$0x50];
	vm2 =	vmand vm2, vm3  }
0xa3: {  	vm3 =	vge.s32 v6, v1;
	vm1 =	vlt.s32 v7, v3;
	v5 =	vnsel vm2, $0x7000, v5  }
0xa4: {  	vm4 =	vlt.s32 v6, v3;
	vm2 =	vge.s32 v7, v1;
	v7 =	vsub.s32 v7, v1;
	[tilespmem:$0x160] =	vst v5  }
0xa5: {  	v10 =	vnsel vm0, $0x7000, v10;
	vm1 =	vmand vm2, vm1;
	v5 =	vsub.s32 v8, v1  }
.Ltmp1:
0xa6: {  	vm2 =	vmand vm3, vm4;
	v7 =	vnsel vm1, $0x7000, v7;
	v6 =	vsub.s32 v11, v1;
	[tilespmem:$0x170] =	vst v10;
	(pc) =	sbr.rel @p0 .LBB2_4-.Ltmp1, $4  }
0xa7: {  	vm0 =	vge.s32 v8, v1;
	vm3 =	vge.s32 v9, v1;
	[tilespmem:$0x100] =	vst v7;
	vm1 =	vge.s32 v4, v1  }
0xa8: {  	vm5 =	vlt.s32 v9, v3;
	vm6 =	vge.s32 v11, v1;
	v7 =	vnsel vm2, $0x7000, v12  }
0xa9: {  	vm7 =	vlt.s32 v11, v3;
	vm4 =	vlt.s32 v4, v3;
	[tilespmem:$0x110] =	vst v7;
	v7 =	vsub.s32 v9, v1  }
0xaa: {  	vm5 =	vmand vm3, vm5;
	vm2 =	vlt.s32 v8, v3;
	vm3 =	vmand vm6, vm7  }
0xab: {  	v7 =	vnsel vm5, $0x7000, v7  }
0xac: {  	vm1 =	vmand vm1, vm4;
	v4 =	vsub.s32 v4, v1;
	v6 =	vnsel vm3, $0x7000, v6;
	[tilespmem:$0x130] =	vst v7  }
0xad: {  	vm0 =	vmand vm0, vm2;
	v4 =	vnsel vm1, $0x7000, v4;
	[tilespmem:$0x140] =	vst v6  }
0xae: {  	[tilespmem:$0x150] =	vst v4;
	v4 =	vnsel vm0, $0x7000, v5  }
0xaf: {  	[tilespmem:$0x120] =	vst v4  }
0xb0: {  	[tilespmem:s15], [sflag:$0x1] =	stream.indirect.gather [hbm4b:s5+s14], $0x40, s14, s14, $0xb8;
	[tilespmem:$0x1E1A0] =	vst v63  }
0xb1: {  	_ =	swait.ge [sflag:s16], $0x2000  }
0xb2: {  	[sflag:s16] =	ssyncset.done $0x0  }
0xb3: {  	[sflag:s16] =	ssyncadd.s32 $0xFFFFE000  }
0xb4: {  	[spmem:s3] =	stream.indirect.scatter.add.f32 [tilespmem:s15], [sflag:$0x2], $0x40, s17, s14, $0xb8;
	[tilespmem:$0x1E1A0] =	vst v63  }
0xb5: {  	_ =	swait.ge [sflag:s13], $0x2000  }
0xb6: {  	[sflag:s13] =	ssyncset.done $0x0  }
0xb7: {  	s18 =	sadd.s32 $0x1, s18;
	[sflag:s13] =	ssyncadd.s32 $0xFFFFE000  }
0xb8: {  	p0 =	sne.s32 s18, s9;
	[bflag:$0x0] =	sbarrier.arrive $0xFFFF  }
0xb9: {  	[hbm:s8], [sflag:s6] =	dma.local [spmem:s12], $0x3800  }
.Ltmp2:
0xba: {  	_ =	swait.ge [sflag:s13], $0x3800;
	(pc) =	sbr.rel @p0 .LBB2_1-.Ltmp2, $3  }
0xbb: {  	[sflag:s13] =	ssyncset.done $0x0  }
0xbc: {  	[sflag:s13] =	ssyncadd.s32 $0xFFFFC800  }
0xbd: {  	[bflag:$0x0] =	sbarrier.arrive $0xFFFF;
	_ =	sdelay $0x1  }
0xbe: {  	_ =	sfence.sel $0x180000  }
0xbf: {  	[bflag:$0x0] =	sbarrier.arrive $0xFFFF  }
0xc0: {  	p0 =	sne.s32 s1, $0x0;
	_ =	strace $0x9000004D  }
0xc1: {  	s0 =	sadd.s32 @!p0 $0x100000, s0;
	[bflag:$0x2] =	sbarrier.arrive $0xFFFF  }
0xc2: {  	[sflag:s0] =	ssyncadd.tile.s32 @!p0 $0x1;
	_ =	shalt  }
.Lfunc_end2:
_tile_overlayer_lowered:
.L_overlay_start_2:
0xc3: {  	(tag) =	ssettag $0x2  }
0xc4: {  	s0 =	rddreg [dreg:$0x0];
	s2 =	stileid.u32  }
0xc5: {  	s1 =	rddreg [dreg:$0x1];
	p0 =	sne.s32 s2, $0x0  }
0xc6: {  	s3 =	rddreg [dreg:$0x2];
	[bflag:$0x3] =	sbarrier.arrive $0xFFFF;
	s2 =	simm.s32 @!p0 $0x1C02  }
0xc7: {  	[timem:s3], [sflag:s2] =	dma.local @!p0 [hbm:s0], s1  }
0xc8: {  	s0 =	simm.s32 @!p0 $0x2  }
0xc9: {  	_ =	swait.ge @!p0 [sflag:s0], s1  }
0xca: {  	s1 =	ssub.s32 @!p0 $0x0, s1;
	[sflag:s0] =	ssyncset.done @!p0 $0x0  }
0xcb: {  	[sflag:s0] =	ssyncadd.s32 @!p0 s1  }
0xcc: {  	[bflag:$0x3] =	sbarrier.arrive $0xFFFF  }
0xcd: {  	_ =	shalt  }

// kernel: kernel.15.cloned.1.call-start
scs
__scs_entry_jumppad:
0x0: {  	(pc) =	sbr.rel $0x88, $3  }
0x1: {  	(tag) =	ssettag $0x0;
	lr =	simm.s32 $0x1  }
0x2: {  	[smem:$0x3F9D] =	sst lr;
	_ =	strace $0xD0000000  }
0x3: {  	_ = 	snop  }
0x4: {  	_ = 	snop  }
0x5: {  	_ = 	snop  }
0x6: {  	_ = 	snop  }
0x7: {  	_ = 	snop  }
__scs_overlays_trampoline_lowered:
0x8: {  	[smem:$0x3FAC] =	sst s0  }
0x9: {  	[smem:$0x3FAD] =	sst s1  }
0xa: {  	[smem:$0x3FAE] =	sst s2  }
0xb: {  	[smem:$0x3FAF] =	sst s3  }
0xc: {  	[smem:$0x3FB0] =	sst s4  }
0xd: {  	[smem:$0x3FB1] =	sst s5  }
0xe: {  	[smem:$0x3FB2] =	sst s6  }
0xf: {  	[smem:$0x3FB3] =	sst s7  }
0x10: {  	[smem:$0x3FB4] =	sst s8  }
0x11: {  	[smem:$0x3FB5] =	sst s9;
	s0 =	simm.s32 @!p0 $0x0  }
0x12: {  	s1 =	sld [smem:$0x3F9B];
	s0 =	simm.s32 @p0 $0x1  }
0x13: {  	[smem:$0x3FB6] =	sst s0;
	s0 =	simm.s32 @!p1 $0x0  }
0x14: {  	s2 =	sld [smem:$0x3F9A];
	s0 =	simm.s32 @p1 $0x1  }
0x15: {  	[smem:$0x3FB7] =	sst s0;
	s0 =	simm.s32 @!p2 $0x0  }
0x16: {  	s3 =	sld [smem:$0x3FDB];
	s0 =	simm.s32 @p2 $0x1  }
0x17: {  	s4 =	simm.s32 $0x1BF5;
	[smem:$0x3FB9] =	sst s0  }
0x18: {  	s0 =	sld [smem:$0x3F9C];
	_ =	swait.ge [sflag:s4], $0x0  }
0x19: {  	s7 =	sld [smem:$0x3F9D]  }
0x1a: {  	s8 =	sadd.s32 $0xFFFFE003, lr  }
0x1b: {  	s9 =	sadd.s32 $0xFFFFFEF7, lr;
	s5 =	simm.s32 $0xFFFFFFFF;
	p2 =	slt.u32 s8, $0xFFFFF086  }
0x1c: {  	p1 =	slt.u32 s9, $0xF7A;
	s5 =	simm.s32 @!p2 $0x0  }
0x1d: {  	s5 =	simm.s32 @p1 $0x1;
	p0 =	seq.s32 s7, s2  }
0x1e: {  	s7 =	smul.u32 @!p0 $0xF7A, s2;
	p2 =	seq.s32 @!p0 s5, $0x0  }
0x1f: {  	s9 =	smul.u32 $0xF7A, s1;
	s8 =	simm.s32 @!p0 $0x1BF5;
	p2 =	por !p2, p0  }
0x20: {  	[sflag:s8] =	ssyncset.s32 @!p0 $0xFFFFF086;
	s6 =	sadd.s32 @!p0 s3, s7;
	s7 =	simm.s32 @!p0 $0x108  }
0x21: {  	s3 =	sadd.s32 s3, s9;
	s6 =	sadd.s32 @!p0 $0x88, s6;
	s7 =	simm.s32 @p2 $0x1082  }
0x22: {  	[simem:s7], [sflag:s8] =	dma.local @!p0 [hbm:s6], $0xF7A  }
0x23: {  	s9 =	sor.u32 $0xD0000000, s2;
	s6 =	simm.s32 $0x108;
	_ =	swait.ge @!p0 [sflag:s8], $0x0  }
0x24: {  	s3 =	sadd.s32 $0x88, s3;
	s6 =	simm.s32 @!p1 $0x1082;
	[sflag:s4] =	ssyncset.s32 $0xFFFFF086  }
0x25: {  	[simem:s6], [sflag:s4] =	dma.local [hbm:s3], $0xF7A  }
0x26: {  	[smem:$0x3F9D] =	sst s1;
	(tag) =	ssettag s2;
	_ =	strace s9  }
0x27: {  	s1 =	sld [smem:$0x3FAD]  }
0x28: {  	s2 =	sld [smem:$0x3FAE]  }
0x29: {  	s4 =	sld [smem:$0x3FB0]  }
0x2a: {  	p0 =	seq.s32 s5, $0x0;
	s5 =	sld [smem:$0x3FB1]  }
0x2b: {  	s6 =	sld [smem:$0x3FB2]  }
0x2c: {  	s7 =	sld [smem:$0x3FB3]  }
0x2d: {  	s3 =	simm.s32 $0x108;
	s8 =	sld [smem:$0x3FB4]  }
0x2e: {  	s3 =	simm.s32 @!p0 $0x1082;
	s9 =	sld [smem:$0x3FB5]  }
0x2f: {  	lr =	sadd.s32 s0, s3;
	s0 =	sld [smem:$0x3FAC]  }
0x30: {  	s3 =	sld [smem:$0x3FAF]  }
0x31: {  	[smem:$0x3FB8] =	sst s10  }
0x32: {  	s10 =	sld [smem:$0x3FB6];
	_ =	sdelay $0x3  }
0x33: {  	p0 =	seq.s32 s10, $0x1;
	s10 =	sld [smem:$0x3FB8];
	_ =	sdelay $0x3  }
0x34: {  	[smem:$0x3FB8] =	sst s10  }
0x35: {  	s10 =	sld [smem:$0x3FB7];
	_ =	sdelay $0x3  }
0x36: {  	p1 =	seq.s32 s10, $0x1;
	s10 =	sld [smem:$0x3FB8];
	_ =	sdelay $0x3  }
0x37: {  	[smem:$0x3FB8] =	sst s10  }
0x38: {  	s10 =	sld [smem:$0x3FB9]  }
0x39: {  	_ = 	snop;
	(pc) =	sbr.ind lr, $3  }
0x3a: {  	_ = 	snop  }
0x3b: {  	_ = 	snop  }
0x3c: {  	p2 =	seq.s32 s10, $0x1;
	s10 =	sld [smem:$0x3FB8]  }
0x3d: {  	_ =	shalt  }
0x3e: {  	_ =	shalt  }
0x3f: {  	_ =	shalt  }
0x40: {  	_ =	shalt  }
0x41: {  	_ =	shalt  }
0x42: {  	_ =	shalt  }
0x43: {  	_ =	shalt  }
0x44: {  	_ =	shalt  }
0x45: {  	_ =	shalt  }
0x46: {  	_ =	shalt  }
0x47: {  	_ =	shalt  }
0x48: {  	_ =	shalt  }
0x49: {  	_ =	shalt  }
0x4a: {  	_ =	shalt  }
0x4b: {  	_ =	shalt  }
0x4c: {  	_ =	shalt  }
0x4d: {  	_ =	shalt  }
0x4e: {  	_ =	shalt  }
0x4f: {  	_ =	shalt  }
0x50: {  	_ =	shalt  }
0x51: {  	_ =	shalt  }
0x52: {  	_ =	shalt  }
0x53: {  	_ =	shalt  }
0x54: {  	_ =	shalt  }
0x55: {  	_ =	shalt  }
0x56: {  	_ =	shalt  }
0x57: {  	_ =	shalt  }
0x58: {  	_ =	shalt  }
0x59: {  	_ =	shalt  }
0x5a: {  	_ =	shalt  }
0x5b: {  	_ =	shalt  }
0x5c: {  	_ =	shalt  }
0x5d: {  	_ =	shalt  }
0x5e: {  	_ =	shalt  }
0x5f: {  	_ =	shalt  }
0x60: {  	_ =	shalt  }
0x61: {  	_ =	shalt  }
0x62: {  	_ =	shalt  }
0x63: {  	_ =	shalt  }
0x64: {  	_ =	shalt  }
0x65: {  	_ =	shalt  }
0x66: {  	_ =	shalt  }
0x67: {  	_ =	shalt  }
0x68: {  	_ =	shalt  }
0x69: {  	_ =	shalt  }
0x6a: {  	_ =	shalt  }
0x6b: {  	_ =	shalt  }
0x6c: {  	_ =	shalt  }
0x6d: {  	_ =	shalt  }
0x6e: {  	_ =	shalt  }
0x6f: {  	_ =	shalt  }
0x70: {  	_ =	shalt  }
0x71: {  	_ =	shalt  }
0x72: {  	_ =	shalt  }
0x73: {  	_ =	shalt  }
0x74: {  	_ =	shalt  }
0x75: {  	_ =	shalt  }
0x76: {  	_ =	shalt  }
0x77: {  	_ =	shalt  }
0x78: {  	_ =	shalt  }
0x79: {  	_ =	shalt  }
0x7a: {  	_ =	shalt  }
0x7b: {  	_ =	shalt  }
0x7c: {  	_ =	shalt  }
0x7d: {  	_ =	shalt  }
0x7e: {  	_ =	shalt  }
0x7f: {  	_ =	shalt  }
0x80: {  	_ =	shalt  }
0x81: {  	_ =	shalt  }
0x82: {  	_ =	shalt  }
0x83: {  	_ =	shalt  }
0x84: {  	_ =	shalt  }
0x85: {  	_ =	shalt  }
0x86: {  	_ =	shalt  }
0x87: {  	_ =	shalt  }
.Lfunc_end0:
.L_simem_size_0:
called_computation.3_lowered:
.L_overlay_start_0:
0x88: {  	s2 =	sld [smem:$0x3FD9]  }
0x89: {  	s3 =	sld [smem:$0x3FFE];
	_ =	sdelay $0x1  }
0x8a: {  	s1 =	srdreg.scid  }
0x8b: {  	s0 =	sand.u32 $0x1, s1  }
0x8c: {  	s14 =	sshll.u32 s0, $0xA;
	s2 =	sadd.s32 s3, s2  }
0x8d: {  	s2 =	sadd.s32 s2, s14  }
0x8e: {  	[smem:$0x3FC4] =	sst s2  }
0x8f: {  	_ = 	snop  }
0x90: {  	s2 =	sld [smem:$0x3FD0];
	_ =	sdelay $0x2  }
0x91: {  	s15 =	simm.s32 $0xA;
	s4 =	simm.s32 $0x10  }
0x92: {  	[smem:s4], [sflag:s15] =	dma.local [hbm:s2], $0x1  }
0x93: {  	_ =	swait.eq [sflag:s15], $0x1  }
0x94: {  	[sflag:s15] =	ssyncset.done $0x0  }
0x95: {  	s16 =	sld [smem:$0x10];
	[sflag:s15] =	ssyncadd.s32 $0xFFFFFFFF  }
0x96: {  	s17 =	sld [smem:$0x11];
	(tm) =	ssettm $0x1  }
0x97: {  	s18 =	sld [smem:$0x3FFB];
	_ =	sdelay $0x3  }
0x98: {  	_ =	strace s18  }
0x99: {  	s4 =	sld [smem:$0x3FFC];
	_ =	sdelay $0x3  }
0x9a: {  	_ =	strace s4  }
0x9b: {  	s4 =	sld [smem:$0x3FFD];
	_ =	sdelay $0x3  }
0x9c: {  	_ =	strace s4  }
0x9d: {  	_ =	strace $0x8FFFFFFF  }
0x9e: {  	s19 =	sld [smem:$0x3FDB];
	_ =	sdelay $0x1  }
0x9f: {  	s5 =	simm.s32 $_scs_section_size  }
0xa0: {  	s6 =	simm.s32 $_size__tile_overlayer_lowered;
	s7 =	simm.s32 $_tile_overlayer_lowered  }
0xa1: {  	s22 =	simm.s32 $0x1BFF;
	s21 =	sshll.u32 s7, $0x1;
	s4 =	sadd.s32 s5, s19  }
0xa2: {  	s8 =	simm.s32 $0x0;
	s20 =	sshll.u32 s6, $0x1;
	s6 =	sadd.s32 s21, s4  }
0xa3: {  	[timem:s8], [sflag:s22] =	dma.local [hbm:s6], s20  }
0xa4: {  	_ =	swait.ge [sflag:s22], s20  }
0xa5: {  	s5 =	ssub.s32 $0x0, s20;
	[sflag:s22] =	ssyncset.done $0x0  }
0xa6: {  	[sflag:s22] =	ssyncadd.s32 s5;
	_ =	sdelay $0x1  }
0xa7: {  	s23 =	simm.s32 $0x1B8B  }
0xa8: {  	_ =	swait.ge [sflag:s23], $0x1  }
0xa9: {  	[sflag:s23] =	ssyncset.done $0x0  }
0xaa: {  	s25 =	simm.s32 $0x1B8E;
	s24 =	sld [smem:$0x3FFE];
	[sflag:s23] =	ssyncadd.s32 $0xFFFFFFFF  }
0xab: {  	s26 =	simm.s32 $execute0_lowered;
	[smem:$0x3FD2] =	sst s25  }
0xac: {  	s6 =	sshll.u32 s26, $0x1;
	_ =	strace $0x8000004F;
	[dreg:$0x1] =	wrdreg $0xFFFFFFFF  }
0xad: {  	s28 =	simm.s32 $_size_execute0_lowered;
	s4 =	sadd.s32 s4, s6;
	[dreg:$0x0] =	wrdreg $0x0  }
0xae: {  	s6 =	sshll.u32 s28, $0x1;
	[dreg:$0x2] =	wrdreg s4  }
0xaf: {  	[dreg:$0x3] =	wrdreg s6  }
0xb0: {  	[dreg:$0x4] =	wrdreg $0xC0  }
0xb1: {  	_ =	task [dreg:s8], $0x5FFFF  }
0xb2: {  	[dreg:$0x1] =	wrdreg $0xFFFFFFFF  }
0xb3: {  	[dreg:$0x0] =	wrdreg $0x60  }
0xb4: {  	[dreg:$0x2] =	wrdreg s24  }
0xb5: {  	[dreg:$0x3] =	wrdreg s16  }
0xb6: {  	[dreg:$0x4] =	wrdreg s17  }
0xb7: {  	[dreg:$0x5] =	wrdreg $0x21800  }
0xb8: {  	[dreg:$0x6] =	wrdreg $0x9  }
0xb9: {  	_ =	task.clear_ibuf [dreg:s8], $0x7FFFF;
	_ =	strace $0x9000004F  }
0xba: {  	s29 =	simm.s32 $0x9;
	_ =	strace $0x80000051  }
0xbb: {  	_ =	swait.ge [sflag:s29], $0x1  }
0xbc: {  	[sflag:s29] =	ssyncadd.s32 $0xFFFFFFFF  }
0xbd: {  	_ =	strace $0x90000051  }
0xbe: {  	_ =	sfence  }
0xbf: {  	s30 =	sld [smem:$0x0];
	_ =	sdelay $0x2  }
0xc0: {  	s31 =	sshll.u32 s1, $0xD;
	s1 =	sshrl.u32 s1, $0x2  }
0xc1: {  	s3 =	sand.u32 $0x4000, s31;
	s1 =	sadd.s32 s1, s30  }
0xc2: {  	s0 =	sor.u32 s3, s0;
	s1 =	sshll.u32 s1, $0x11  }
0xc3: {  	s0 =	sor.u32 s1, s0  }
0xc4: {  	s0 =	sadd.s32 $0x8F2B, s0  }
0xc5: {  	[sflag:s0] =	ssyncadd.remote.s32 $0x1  }
0xc6: {  	_ =	sfence.sel $0xFFFF  }
0xc7: {  	[dreg:$0x0] =	wrdreg $0xFFFFFFFF;
	(pc) =	sbr.abs _section_cstart, $3  }
0xc8: {  	[dreg:$0x1] =	wrdreg $0xFFFFFFFF  }
0xc9: {  	_ =	task.clear_ibuf [dreg:s8], $0x2FFFF;
	_ =	strace $0x9FFFFFFF  }
0xca: {  	(tm) =	ssettm $0x7FFFFFFF  }
0xcb: {  	_ =	shalt  }
tec
execute0_lowered:
.L_overlay_start_1:
0x0: {  	(tag) =	ssettag $0x1  }
0x1: {  	s6 =	rddreg [dreg:$0x0]  }
0x2: {  	s10 =	rddreg [dreg:$0x1]  }
0x3: {  	s2 =	rddreg [dreg:$0x2]  }
0x4: {  	s3 =	rddreg [dreg:$0x3]  }
0x5: {  	s0 =	rddreg [dreg:$0x4];
	s4 =	simm.s32 $0x0  }
0x6: {  	s1 =	stileid.u32;
	s7 =	srdreg.scid;
	s18 =	simm.s32 $0x0  }
0x7: {  	[smem:$0x7FF] =	sst s4;
	s11 =	smul.u32 $0x30E0, s1;
	s5 =	sadd.s32 $0x1BC800, s6  }
0x8: {  	s7 =	sand.u32 $0x1, s7;
	s8 =	smul.u32 $0x70000, s1;
	s9 =	sadd.s32 $0x45C800, s6  }
0x9: {  	s14 =	smul.u32 $0x700, s1;
	s29 =	sshll.u32 s1, $0x6;
	_ =	strace $0x80000050  }
0xa: {  	s26 =	ssub.s32 $0x2, s7;
	s13 =	smul.u32 $0x7000, s7;
	s12 =	sadd.s32 s11, s6  }
0xb: {  	s28 =	sshrl.u32 s26, $0x1;
	s8 =	sshrl.u32 s8, $0x2;
	s6 =	sor.u32 $0x1C02, s29  }
0xc: {  	s10 =	sadd.s32 s11, s10;
	s15 =	ssub.s32 s26, s28;
	s16 =	sadd.s32 s8, s3  }
0xd: {  	s17 =	sadd.s32 $0xE000, s13;
	s30 =	sadd.s32 s14, s13;
	s11 =	sadd.s32 $0x3000, s12  }
0xe: {  	v0 =	vmov s13;
	s13 =	simm.s32 $0x2;
	s31 =	sadd.s32 s14, s17;
	s7 =	sshll.u32 s30, $0x3  }
0xf: {  	s12 =	sshrl.u32 s16, $0x3;
	s14 =	simm.s32 $0x80;
	s16 =	simm.s32 $0x1  }
0x10: {  	v1 =	vmov s17;
	s17 =	simm.s32 $0x100;
	s8 =	sshll.u32 s31, $0x3;
	s7 =	sadd.s32 s9, s7  }
0x11: {  	v2 =	vadd.s32 $0x7000, v0;
	v3 =	vadd.s32 $0x7000, v1;
	s8 =	sadd.s32 s9, s8;
	s9 =	smax.u32 s15, $0x1;
	s15 =	simm.s32 $0x180  }
.LBB2_1:
0x12: {  	[spmem:s12], [sflag:s6] =	dma.local [hbm:s2], $0x3800  }
0x13: {  	_ =	swait.ge [sflag:s13], $0x3800  }
0x14: {  	[sflag:s13] =	ssyncset.done $0x0  }
0x15: {  	[sflag:s13] =	ssyncadd.s32 $0xFFFFC800  }
0x16: {  	s19 =	sadd.s32 $0x0, s11;
	[bflag:$0x0] =	sbarrier.arrive $0xFFFF  }
0x17: {  	[tilespmem:s4], [sflag:$0x2] =	stream.linear.gather [hbm4b:s19+s4], $0x80, $0x38;
	[tilespmem:$0x1E1A0] =	vst v63  }
0x18: {  	_ =	swait.ge [sflag:s13], $0x80  }
0x19: {  	[sflag:s13] =	ssyncset.done $0x0  }
0x1a: {  	s31 =	sadd.s32 $0x0, s10;
	[sflag:s13] =	ssyncadd.s32 $0xFFFFFF80  }
0x1b: {  	[tilespmem:s14], [sflag:$0x2] =	stream.linear.gather [hbm4b:s31+s4], $0x80, $0x38;
	[tilespmem:$0x1E1A0] =	vst v63  }
0x1c: {  	_ =	swait.ge [sflag:s13], $0x80  }
0x1d: {  	[sflag:s13] =	ssyncset.done $0x0  }
0x1e: {  	[sflag:s13] =	ssyncadd.s32 $0xFFFFFF80  }
0x1f: {  	v4 =	vld [tilespmem:$0x70]  }
0x20: {  	v5 =	vld [tilespmem:$0x60]  }
0x21: {  	v6 =	vld [tilespmem:$0x10]  }
0x22: {  	v9 =	vld [tilespmem:$0x30]  }
0x23: {  	v11 =	vld [tilespmem:$0x40]  }
0x24: {  	v7 =	vld [tilespmem:$0x0]  }
0x25: {  	vm0 =	vge.s32 v4, v0;
	vm1 =	vlt.s32 v4, v2;
	v10 =	vsub.s32 v4, v0  }
0x26: {  	v8 =	vld [tilespmem:$0x20];
	vm2 =	vge.s32 v5, v0;
	vm3 =	vlt.s32 v5, v2;
	v5 =	vsub.s32 v5, v0  }
0x27: {  	v12 =	vsub.s32 v6, v0;
	vm4 =	vlt.s32 v6, v2;
	vm5 =	vlt.s32 v9, v2  }
0x28: {  	vm6 =	vge.s32 v11, v0;
	vm7 =	vlt.s32 v11, v2;
	vm2 =	vmand vm2, vm3  }
0x29: {  	vm0 =	vmand vm0, vm1;
	vm1 =	vlt.s32 v7, v2;
	vm3 =	vge.s32 v6, v0  }
0x2a: {  	v4 =	vld [tilespmem:$0x50];
	v6 =	vsub.s32 v11, v0;
	v13 =	vnsel vm2, $0x7000, v5;
	vm2 =	vge.s32 v7, v0  }
0x2b: {  	v7 =	vsub.s32 v7, v0;
	v5 =	vsub.s32 v8, v0;
	v10 =	vnsel vm0, $0x7000, v10  }
0x2c: {  	vm0 =	vge.s32 v8, v0;
	vm1 =	vmand vm2, vm1;
	vm2 =	vmand vm3, vm4;
	[tilespmem:$0x160] =	vst v13  }
0x2d: {  	vm3 =	vge.s32 v9, v0;
	[tilespmem:$0x170] =	vst v10;
	v7 =	vnsel vm1, $0x7000, v7;
	v63 =	vnsel vm2, $0x7000, v12  }
0x2e: {  	vm2 =	vlt.s32 v8, v2;
	vm5 =	vmand vm3, vm5;
	vm3 =	vmand vm6, vm7;
	[tilespmem:$0x100] =	vst v7  }
0x2f: {  	s19 =	simm.s32 $0x10;
	vm1 =	vge.s32 v4, v0;
	v7 =	vsub.s32 v9, v0;
	vm4 =	vlt.s32 v4, v2;
	[tilespmem:$0x110] =	vst v63  }
.LBB2_2:
0x30: {  	p0 =	sne.s32 s19, $0x30D0;
	v7 =	vnsel vm5, $0x7000, v7;
	vm1 =	vmand vm1, vm4;
	v4 =	vsub.s32 v4, v0;
	s20 =	smov.u32 s19;
	s19 =	sadd.s32 $0x10, s19  }
0x31: {  	[tilespmem:$0x130] =	vst v7;
	v4 =	vnsel vm1, $0x7000, v4  }
0x32: {  	vm0 =	vmand vm0, vm2;
	v6 =	vnsel vm3, $0x7000, v6;
	[tilespmem:$0x150] =	vst v4  }
0x33: {  	v4 =	vnsel vm0, $0x7000, v5;
	[tilespmem:$0x140] =	vst v6  }
0x34: {  	[tilespmem:$0x120] =	vst v4  }
0x35: {  	[tilespmem:s15], [sflag:$0x1] =	stream.indirect.gather [hbm4b:s5+s14], $0x40, s14, s14, $0xb8;
	[tilespmem:$0x1E1A0] =	vst v63  }
0x36: {  	_ =	swait.ge [sflag:s16], $0x2000  }
0x37: {  	[sflag:s16] =	ssyncset.done $0x0  }
0x38: {  	[sflag:s16] =	ssyncadd.s32 $0xFFFFE000  }
0x39: {  	[spmem:s3] =	stream.indirect.scatter.add.f32 [tilespmem:s15], [sflag:$0x2], $0x40, s17, s14, $0xb8;
	[tilespmem:$0x1E1A0] =	vst v63  }
0x3a: {  	_ =	swait.ge [sflag:s13], $0x2000  }
0x3b: {  	[sflag:s13] =	ssyncset.done $0x0  }
0x3c: {  	s21 =	sadd.s32 s20, s11;
	[sflag:s13] =	ssyncadd.s32 $0xFFFFE000  }
0x3d: {  	[tilespmem:s4], [sflag:$0x2] =	stream.linear.gather [hbm4b:s21+s4], $0x80, $0x38;
	[tilespmem:$0x1E1A0] =	vst v63  }
0x3e: {  	_ =	swait.ge [sflag:s13], $0x80  }
0x3f: {  	[sflag:s13] =	ssyncset.done $0x0  }
0x40: {  	s20 =	sadd.s32 s20, s10;
	[sflag:s13] =	ssyncadd.s32 $0xFFFFFF80  }
0x41: {  	[tilespmem:s14], [sflag:$0x2] =	stream.linear.gather [hbm4b:s20+s4], $0x80, $0x38;
	[tilespmem:$0x1E1A0] =	vst v63  }
0x42: {  	_ =	swait.ge [sflag:s13], $0x80  }
0x43: {  	[sflag:s13] =	ssyncset.done $0x0  }
0x44: {  	[sflag:s13] =	ssyncadd.s32 $0xFFFFFF80  }
0x45: {  	v4 =	vld [tilespmem:$0x70]  }
0x46: {  	v5 =	vld [tilespmem:$0x60]  }
0x47: {  	v6 =	vld [tilespmem:$0x10]  }
0x48: {  	v7 =	vld [tilespmem:$0x0]  }
0x49: {  	v8 =	vld [tilespmem:$0x20]  }
0x4a: {  	v9 =	vld [tilespmem:$0x30];
	vm0 =	vge.s32 v4, v0;
	vm1 =	vlt.s32 v4, v2;
	v10 =	vsub.s32 v4, v0  }
0x4b: {  	v11 =	vld [tilespmem:$0x40];
	vm2 =	vge.s32 v5, v0;
	vm3 =	vlt.s32 v5, v2;
	v5 =	vsub.s32 v5, v0  }
0x4c: {  	vm0 =	vmand vm0, vm1;
	v12 =	vsub.s32 v6, v0;
	v4 =	vld [tilespmem:$0x50];
	vm2 =	vmand vm2, vm3  }
0x4d: {  	vm3 =	vge.s32 v6, v0;
	vm1 =	vlt.s32 v7, v2;
	v5 =	vnsel vm2, $0x7000, v5  }
0x4e: {  	vm4 =	vlt.s32 v6, v2;
	vm2 =	vge.s32 v7, v0;
	v7 =	vsub.s32 v7, v0;
	[tilespmem:$0x160] =	vst v5  }
0x4f: {  	v10 =	vnsel vm0, $0x7000, v10;
	vm1 =	vmand vm2, vm1;
	v5 =	vsub.s32 v8, v0  }
.Ltmp0:
0x50: {  	vm2 =	vmand vm3, vm4;
	v7 =	vnsel vm1, $0x7000, v7;
	v6 =	vsub.s32 v11, v0;
	[tilespmem:$0x170] =	vst v10;
	(pc) =	sbr.rel @p0 .LBB2_2-.Ltmp0, $4  }
0x51: {  	vm0 =	vge.s32 v8, v0;
	vm3 =	vge.s32 v9, v0;
	[tilespmem:$0x100] =	vst v7;
	vm1 =	vge.s32 v4, v0  }
0x52: {  	vm5 =	vlt.s32 v9, v2;
	vm6 =	vge.s32 v11, v0;
	v7 =	vnsel vm2, $0x7000, v12  }
0x53: {  	vm7 =	vlt.s32 v11, v2;
	vm4 =	vlt.s32 v4, v2;
	[tilespmem:$0x110] =	vst v7;
	v7 =	vsub.s32 v9, v0  }
0x54: {  	vm5 =	vmand vm3, vm5;
	vm2 =	vlt.s32 v8, v2;
	vm3 =	vmand vm6, vm7  }
0x55: {  	v7 =	vnsel vm5, $0x7000, v7  }
0x56: {  	vm1 =	vmand vm1, vm4;
	v4 =	vsub.s32 v4, v0;
	v6 =	vnsel vm3, $0x7000, v6;
	[tilespmem:$0x130] =	vst v7  }
0x57: {  	vm0 =	vmand vm0, vm2;
	v4 =	vnsel vm1, $0x7000, v4;
	[tilespmem:$0x140] =	vst v6  }
0x58: {  	[tilespmem:$0x150] =	vst v4;
	v4 =	vnsel vm0, $0x7000, v5  }
0x59: {  	[tilespmem:$0x120] =	vst v4  }
0x5a: {  	[tilespmem:s15], [sflag:$0x1] =	stream.indirect.gather [hbm4b:s5+s14], $0x40, s14, s14, $0xb8;
	[tilespmem:$0x1E1A0] =	vst v63  }
0x5b: {  	_ =	swait.ge [sflag:s16], $0x2000  }
0x5c: {  	[sflag:s16] =	ssyncset.done $0x0  }
0x5d: {  	[sflag:s16] =	ssyncadd.s32 $0xFFFFE000  }
0x5e: {  	[spmem:s3] =	stream.indirect.scatter.add.f32 [tilespmem:s15], [sflag:$0x2], $0x40, s17, s14, $0xb8;
	[tilespmem:$0x1E1A0] =	vst v63  }
0x5f: {  	_ =	swait.ge [sflag:s13], $0x2000  }
0x60: {  	[sflag:s13] =	ssyncset.done $0x0  }
0x61: {  	[sflag:s13] =	ssyncadd.s32 $0xFFFFE000  }
0x62: {  	[bflag:$0x0] =	sbarrier.arrive $0xFFFF  }
0x63: {  	[hbm:s7], [sflag:s6] =	dma.local [spmem:s12], $0x3800  }
0x64: {  	_ =	swait.ge [sflag:s13], $0x3800  }
0x65: {  	[sflag:s13] =	ssyncset.done $0x0  }
0x66: {  	[sflag:s13] =	ssyncadd.s32 $0xFFFFC800  }
0x67: {  	[bflag:$0x0] =	sbarrier.arrive $0xFFFF  }
0x68: {  	[spmem:s12], [sflag:s6] =	dma.local [hbm:s2], $0x3800  }
0x69: {  	_ =	swait.ge [sflag:s13], $0x3800  }
0x6a: {  	[sflag:s13] =	ssyncset.done $0x0  }
0x6b: {  	[sflag:s13] =	ssyncadd.s32 $0xFFFFC800  }
0x6c: {  	s19 =	sadd.s32 $0x0, s11;
	[bflag:$0x0] =	sbarrier.arrive $0xFFFF  }
0x6d: {  	[tilespmem:s4], [sflag:$0x2] =	stream.linear.gather [hbm4b:s19+s4], $0x80, $0x38;
	[tilespmem:$0x1E1A0] =	vst v63  }
0x6e: {  	_ =	swait.ge [sflag:s13], $0x80  }
0x6f: {  	[sflag:s13] =	ssyncset.done $0x0  }
0x70: {  	s31 =	sadd.s32 $0x0, s10;
	[sflag:s13] =	ssyncadd.s32 $0xFFFFFF80  }
0x71: {  	[tilespmem:s14], [sflag:$0x2] =	stream.linear.gather [hbm4b:s31+s4], $0x80, $0x38;
	[tilespmem:$0x1E1A0] =	vst v63  }
0x72: {  	_ =	swait.ge [sflag:s13], $0x80  }
0x73: {  	[sflag:s13] =	ssyncset.done $0x0  }
0x74: {  	[sflag:s13] =	ssyncadd.s32 $0xFFFFFF80  }
0x75: {  	v4 =	vld [tilespmem:$0x70]  }
0x76: {  	v5 =	vld [tilespmem:$0x60]  }
0x77: {  	v6 =	vld [tilespmem:$0x10]  }
0x78: {  	v9 =	vld [tilespmem:$0x30]  }
0x79: {  	v11 =	vld [tilespmem:$0x40]  }
0x7a: {  	v7 =	vld [tilespmem:$0x0]  }
0x7b: {  	vm0 =	vge.s32 v4, v1;
	vm1 =	vlt.s32 v4, v3;
	v10 =	vsub.s32 v4, v1  }
0x7c: {  	v8 =	vld [tilespmem:$0x20];
	vm2 =	vge.s32 v5, v1;
	vm3 =	vlt.s32 v5, v3;
	v5 =	vsub.s32 v5, v1  }
0x7d: {  	v12 =	vsub.s32 v6, v1;
	vm4 =	vlt.s32 v6, v3;
	vm5 =	vlt.s32 v9, v3  }
0x7e: {  	vm6 =	vge.s32 v11, v1;
	vm7 =	vlt.s32 v11, v3;
	vm2 =	vmand vm2, vm3  }
0x7f: {  	vm0 =	vmand vm0, vm1;
	vm1 =	vlt.s32 v7, v3;
	vm3 =	vge.s32 v6, v1  }
0x80: {  	v4 =	vld [tilespmem:$0x50];
	v6 =	vsub.s32 v11, v1;
	v13 =	vnsel vm2, $0x7000, v5;
	vm2 =	vge.s32 v7, v1  }
0x81: {  	v7 =	vsub.s32 v7, v1;
	v5 =	vsub.s32 v8, v1;
	v10 =	vnsel vm0, $0x7000, v10  }
0x82: {  	vm0 =	vge.s32 v8, v1;
	vm1 =	vmand vm2, vm1;
	vm2 =	vmand vm3, vm4;
	[tilespmem:$0x160] =	vst v13  }
0x83: {  	vm3 =	vge.s32 v9, v1;
	[tilespmem:$0x170] =	vst v10;
	v7 =	vnsel vm1, $0x7000, v7;
	v63 =	vnsel vm2, $0x7000, v12  }
0x84: {  	vm2 =	vlt.s32 v8, v3;
	vm5 =	vmand vm3, vm5;
	vm3 =	vmand vm6, vm7;
	[tilespmem:$0x100] =	vst v7  }
0x85: {  	s19 =	simm.s32 $0x10;
	vm1 =	vge.s32 v4, v1;
	v7 =	vsub.s32 v9, v1;
	vm4 =	vlt.s32 v4, v3;
	[tilespmem:$0x110] =	vst v63  }
.LBB2_4:
0x86: {  	p0 =	sne.s32 s19, $0x30D0;
	v7 =	vnsel vm5, $0x7000, v7;
	vm1 =	vmand vm1, vm4;
	v4 =	vsub.s32 v4, v1;
	s20 =	smov.u32 s19;
	s19 =	sadd.s32 $0x10, s19  }
0x87: {  	[tilespmem:$0x130] =	vst v7;
	v4 =	vnsel vm1, $0x7000, v4  }
0x88: {  	vm0 =	vmand vm0, vm2;
	v6 =	vnsel vm3, $0x7000, v6;
	[tilespmem:$0x150] =	vst v4  }
0x89: {  	v4 =	vnsel vm0, $0x7000, v5;
	[tilespmem:$0x140] =	vst v6  }
0x8a: {  	[tilespmem:$0x120] =	vst v4  }
0x8b: {  	[tilespmem:s15], [sflag:$0x1] =	stream.indirect.gather [hbm4b:s5+s14], $0x40, s14, s14, $0xb8;
	[tilespmem:$0x1E1A0] =	vst v63  }
0x8c: {  	_ =	swait.ge [sflag:s16], $0x2000  }
0x8d: {  	[sflag:s16] =	ssyncset.done $0x0  }
0x8e: {  	[sflag:s16] =	ssyncadd.s32 $0xFFFFE000  }
0x8f: {  	[spmem:s3] =	stream.indirect.scatter.add.f32 [tilespmem:s15], [sflag:$0x2], $0x40, s17, s14, $0xb8;
	[tilespmem:$0x1E1A0] =	vst v63  }
0x90: {  	_ =	swait.ge [sflag:s13], $0x2000  }
0x91: {  	[sflag:s13] =	ssyncset.done $0x0  }
0x92: {  	s21 =	sadd.s32 s20, s11;
	[sflag:s13] =	ssyncadd.s32 $0xFFFFE000  }
0x93: {  	[tilespmem:s4], [sflag:$0x2] =	stream.linear.gather [hbm4b:s21+s4], $0x80, $0x38;
	[tilespmem:$0x1E1A0] =	vst v63  }
0x94: {  	_ =	swait.ge [sflag:s13], $0x80  }
0x95: {  	[sflag:s13] =	ssyncset.done $0x0  }
0x96: {  	s20 =	sadd.s32 s20, s10;
	[sflag:s13] =	ssyncadd.s32 $0xFFFFFF80  }
0x97: {  	[tilespmem:s14], [sflag:$0x2] =	stream.linear.gather [hbm4b:s20+s4], $0x80, $0x38;
	[tilespmem:$0x1E1A0] =	vst v63  }
0x98: {  	_ =	swait.ge [sflag:s13], $0x80  }
0x99: {  	[sflag:s13] =	ssyncset.done $0x0  }
0x9a: {  	[sflag:s13] =	ssyncadd.s32 $0xFFFFFF80  }
0x9b: {  	v4 =	vld [tilespmem:$0x70]  }
0x9c: {  	v5 =	vld [tilespmem:$0x60]  }
0x9d: {  	v6 =	vld [tilespmem:$0x10]  }
0x9e: {  	v7 =	vld [tilespmem:$0x0]  }
0x9f: {  	v8 =	vld [tilespmem:$0x20]  }
0xa0: {  	v9 =	vld [tilespmem:$0x30];
	vm0 =	vge.s32 v4, v1;
	vm1 =	vlt.s32 v4, v3;
	v10 =	vsub.s32 v4, v1  }
0xa1: {  	v11 =	vld [tilespmem:$0x40];
	vm2 =	vge.s32 v5, v1;
	vm3 =	vlt.s32 v5, v3;
	v5 =	vsub.s32 v5, v1  }
0xa2: {  	vm0 =	vmand vm0, vm1;
	v12 =	vsub.s32 v6, v1;
	v4 =	vld [tilespmem:$0x50];
	vm2 =	vmand vm2, vm3  }
0xa3: {  	vm3 =	vge.s32 v6, v1;
	vm1 =	vlt.s32 v7, v3;
	v5 =	vnsel vm2, $0x7000, v5  }
0xa4: {  	vm4 =	vlt.s32 v6, v3;
	vm2 =	vge.s32 v7, v1;
	v7 =	vsub.s32 v7, v1;
	[tilespmem:$0x160] =	vst v5  }
0xa5: {  	v10 =	vnsel vm0, $0x7000, v10;
	vm1 =	vmand vm2, vm1;
	v5 =	vsub.s32 v8, v1  }
.Ltmp1:
0xa6: {  	vm2 =	vmand vm3, vm4;
	v7 =	vnsel vm1, $0x7000, v7;
	v6 =	vsub.s32 v11, v1;
	[tilespmem:$0x170] =	vst v10;
	(pc) =	sbr.rel @p0 .LBB2_4-.Ltmp1, $4  }
0xa7: {  	vm0 =	vge.s32 v8, v1;
	vm3 =	vge.s32 v9, v1;
	[tilespmem:$0x100] =	vst v7;
	vm1 =	vge.s32 v4, v1  }
0xa8: {  	vm5 =	vlt.s32 v9, v3;
	vm6 =	vge.s32 v11, v1;
	v7 =	vnsel vm2, $0x7000, v12  }
0xa9: {  	vm7 =	vlt.s32 v11, v3;
	vm4 =	vlt.s32 v4, v3;
	[tilespmem:$0x110] =	vst v7;
	v7 =	vsub.s32 v9, v1  }
0xaa: {  	vm5 =	vmand vm3, vm5;
	vm2 =	vlt.s32 v8, v3;
	vm3 =	vmand vm6, vm7  }
0xab: {  	v7 =	vnsel vm5, $0x7000, v7  }
0xac: {  	vm1 =	vmand vm1, vm4;
	v4 =	vsub.s32 v4, v1;
	v6 =	vnsel vm3, $0x7000, v6;
	[tilespmem:$0x130] =	vst v7  }
0xad: {  	vm0 =	vmand vm0, vm2;
	v4 =	vnsel vm1, $0x7000, v4;
	[tilespmem:$0x140] =	vst v6  }
0xae: {  	[tilespmem:$0x150] =	vst v4;
	v4 =	vnsel vm0, $0x7000, v5  }
0xaf: {  	[tilespmem:$0x120] =	vst v4  }
0xb0: {  	[tilespmem:s15], [sflag:$0x1] =	stream.indirect.gather [hbm4b:s5+s14], $0x40, s14, s14, $0xb8;
	[tilespmem:$0x1E1A0] =	vst v63  }
0xb1: {  	_ =	swait.ge [sflag:s16], $0x2000  }
0xb2: {  	[sflag:s16] =	ssyncset.done $0x0  }
0xb3: {  	[sflag:s16] =	ssyncadd.s32 $0xFFFFE000  }
0xb4: {  	[spmem:s3] =	stream.indirect.scatter.add.f32 [tilespmem:s15], [sflag:$0x2], $0x40, s17, s14, $0xb8;
	[tilespmem:$0x1E1A0] =	vst v63  }
0xb5: {  	_ =	swait.ge [sflag:s13], $0x2000  }
0xb6: {  	[sflag:s13] =	ssyncset.done $0x0  }
0xb7: {  	s18 =	sadd.s32 $0x1, s18;
	[sflag:s13] =	ssyncadd.s32 $0xFFFFE000  }
0xb8: {  	p0 =	sne.s32 s18, s9;
	[bflag:$0x0] =	sbarrier.arrive $0xFFFF  }
0xb9: {  	[hbm:s8], [sflag:s6] =	dma.local [spmem:s12], $0x3800  }
.Ltmp2:
0xba: {  	_ =	swait.ge [sflag:s13], $0x3800;
	(pc) =	sbr.rel @p0 .LBB2_1-.Ltmp2, $3  }
0xbb: {  	[sflag:s13] =	ssyncset.done $0x0  }
0xbc: {  	[sflag:s13] =	ssyncadd.s32 $0xFFFFC800  }
0xbd: {  	[bflag:$0x0] =	sbarrier.arrive $0xFFFF;
	_ =	sdelay $0x1  }
0xbe: {  	_ =	sfence.sel $0x180000  }
0xbf: {  	[bflag:$0x0] =	sbarrier.arrive $0xFFFF  }
0xc0: {  	p0 =	sne.s32 s1, $0x0;
	_ =	strace $0x90000050  }
0xc1: {  	s0 =	sadd.s32 @!p0 $0x100000, s0;
	[bflag:$0x2] =	sbarrier.arrive $0xFFFF  }
0xc2: {  	[sflag:s0] =	ssyncadd.tile.s32 @!p0 $0x1;
	_ =	shalt  }
.Lfunc_end2:
_tile_overlayer_lowered:
.L_overlay_start_2:
0xc3: {  	(tag) =	ssettag $0x2  }
0xc4: {  	s0 =	rddreg [dreg:$0x0];
	s2 =	stileid.u32  }
0xc5: {  	s1 =	rddreg [dreg:$0x1];
	p0 =	sne.s32 s2, $0x0  }
0xc6: {  	s3 =	rddreg [dreg:$0x2];
	[bflag:$0x3] =	sbarrier.arrive $0xFFFF;
	s2 =	simm.s32 @!p0 $0x1C02  }
0xc7: {  	[timem:s3], [sflag:s2] =	dma.local @!p0 [hbm:s0], s1  }
0xc8: {  	s0 =	simm.s32 @!p0 $0x2  }
0xc9: {  	_ =	swait.ge @!p0 [sflag:s0], s1  }
0xca: {  	s1 =	ssub.s32 @!p0 $0x0, s1;
	[sflag:s0] =	ssyncset.done @!p0 $0x0  }
0xcb: {  	[sflag:s0] =	ssyncadd.s32 @!p0 s1  }
0xcc: {  	[bflag:$0x3] =	sbarrier.arrive $0xFFFF  }
0xcd: {  	_ =	shalt  }

// kernel: kernel.6.cloned.1.call-start
scs
__scs_entry_jumppad:
0x0: {  	(pc) =	sbr.rel $0x88, $3  }
0x1: {  	(tag) =	ssettag $0x0;
	lr =	simm.s32 $0x1  }
0x2: {  	[smem:$0x3F9D] =	sst lr;
	_ =	strace $0xD0000000  }
0x3: {  	_ = 	snop  }
0x4: {  	_ = 	snop  }
0x5: {  	_ = 	snop  }
0x6: {  	_ = 	snop  }
0x7: {  	_ = 	snop  }
__scs_overlays_trampoline_lowered:
0x8: {  	[smem:$0x3FAC] =	sst s0  }
0x9: {  	[smem:$0x3FAD] =	sst s1  }
0xa: {  	[smem:$0x3FAE] =	sst s2  }
0xb: {  	[smem:$0x3FAF] =	sst s3  }
0xc: {  	[smem:$0x3FB0] =	sst s4  }
0xd: {  	[smem:$0x3FB1] =	sst s5  }
0xe: {  	[smem:$0x3FB2] =	sst s6  }
0xf: {  	[smem:$0x3FB3] =	sst s7  }
0x10: {  	[smem:$0x3FB4] =	sst s8  }
0x11: {  	[smem:$0x3FB5] =	sst s9;
	s0 =	simm.s32 @!p0 $0x0  }
0x12: {  	s1 =	sld [smem:$0x3F9B];
	s0 =	simm.s32 @p0 $0x1  }
0x13: {  	[smem:$0x3FB6] =	sst s0;
	s0 =	simm.s32 @!p1 $0x0  }
0x14: {  	s2 =	sld [smem:$0x3F9A];
	s0 =	simm.s32 @p1 $0x1  }
0x15: {  	[smem:$0x3FB7] =	sst s0;
	s0 =	simm.s32 @!p2 $0x0  }
0x16: {  	s3 =	sld [smem:$0x3FDB];
	s0 =	simm.s32 @p2 $0x1  }
0x17: {  	s4 =	simm.s32 $0x1BF5;
	[smem:$0x3FB9] =	sst s0  }
0x18: {  	s0 =	sld [smem:$0x3F9C];
	_ =	swait.ge [sflag:s4], $0x0  }
0x19: {  	s7 =	sld [smem:$0x3F9D]  }
0x1a: {  	s8 =	sadd.s32 $0xFFFFE003, lr  }
0x1b: {  	s9 =	sadd.s32 $0xFFFFFEF7, lr;
	s5 =	simm.s32 $0xFFFFFFFF;
	p2 =	slt.u32 s8, $0xFFFFF086  }
0x1c: {  	p1 =	slt.u32 s9, $0xF7A;
	s5 =	simm.s32 @!p2 $0x0  }
0x1d: {  	s5 =	simm.s32 @p1 $0x1;
	p0 =	seq.s32 s7, s2  }
0x1e: {  	s7 =	smul.u32 @!p0 $0xF7A, s2;
	p2 =	seq.s32 @!p0 s5, $0x0  }
0x1f: {  	s9 =	smul.u32 $0xF7A, s1;
	s8 =	simm.s32 @!p0 $0x1BF5;
	p2 =	por !p2, p0  }
0x20: {  	[sflag:s8] =	ssyncset.s32 @!p0 $0xFFFFF086;
	s6 =	sadd.s32 @!p0 s3, s7;
	s7 =	simm.s32 @!p0 $0x108  }
0x21: {  	s3 =	sadd.s32 s3, s9;
	s6 =	sadd.s32 @!p0 $0x88, s6;
	s7 =	simm.s32 @p2 $0x1082  }
0x22: {  	[simem:s7], [sflag:s8] =	dma.local @!p0 [hbm:s6], $0xF7A  }
0x23: {  	s9 =	sor.u32 $0xD0000000, s2;
	s6 =	simm.s32 $0x108;
	_ =	swait.ge @!p0 [sflag:s8], $0x0  }
0x24: {  	s3 =	sadd.s32 $0x88, s3;
	s6 =	simm.s32 @!p1 $0x1082;
	[sflag:s4] =	ssyncset.s32 $0xFFFFF086  }
0x25: {  	[simem:s6], [sflag:s4] =	dma.local [hbm:s3], $0xF7A  }
0x26: {  	[smem:$0x3F9D] =	sst s1;
	(tag) =	ssettag s2;
	_ =	strace s9  }
0x27: {  	s1 =	sld [smem:$0x3FAD]  }
0x28: {  	s2 =	sld [smem:$0x3FAE]  }
0x29: {  	s4 =	sld [smem:$0x3FB0]  }
0x2a: {  	p0 =	seq.s32 s5, $0x0;
	s5 =	sld [smem:$0x3FB1]  }
0x2b: {  	s6 =	sld [smem:$0x3FB2]  }
0x2c: {  	s7 =	sld [smem:$0x3FB3]  }
0x2d: {  	s3 =	simm.s32 $0x108;
	s8 =	sld [smem:$0x3FB4]  }
0x2e: {  	s3 =	simm.s32 @!p0 $0x1082;
	s9 =	sld [smem:$0x3FB5]  }
0x2f: {  	lr =	sadd.s32 s0, s3;
	s0 =	sld [smem:$0x3FAC]  }
0x30: {  	s3 =	sld [smem:$0x3FAF]  }
0x31: {  	[smem:$0x3FB8] =	sst s10  }
0x32: {  	s10 =	sld [smem:$0x3FB6];
	_ =	sdelay $0x3  }
0x33: {  	p0 =	seq.s32 s10, $0x1;
	s10 =	sld [smem:$0x3FB8];
	_ =	sdelay $0x3  }
0x34: {  	[smem:$0x3FB8] =	sst s10  }
0x35: {  	s10 =	sld [smem:$0x3FB7];
	_ =	sdelay $0x3  }
0x36: {  	p1 =	seq.s32 s10, $0x1;
	s10 =	sld [smem:$0x3FB8];
	_ =	sdelay $0x3  }
0x37: {  	[smem:$0x3FB8] =	sst s10  }
0x38: {  	s10 =	sld [smem:$0x3FB9]  }
0x39: {  	_ = 	snop;
	(pc) =	sbr.ind lr, $3  }
0x3a: {  	_ = 	snop  }
0x3b: {  	_ = 	snop  }
0x3c: {  	p2 =	seq.s32 s10, $0x1;
	s10 =	sld [smem:$0x3FB8]  }
0x3d: {  	_ =	shalt  }
0x3e: {  	_ =	shalt  }
0x3f: {  	_ =	shalt  }
0x40: {  	_ =	shalt  }
0x41: {  	_ =	shalt  }
0x42: {  	_ =	shalt  }
0x43: {  	_ =	shalt  }
0x44: {  	_ =	shalt  }
0x45: {  	_ =	shalt  }
0x46: {  	_ =	shalt  }
0x47: {  	_ =	shalt  }
0x48: {  	_ =	shalt  }
0x49: {  	_ =	shalt  }
0x4a: {  	_ =	shalt  }
0x4b: {  	_ =	shalt  }
0x4c: {  	_ =	shalt  }
0x4d: {  	_ =	shalt  }
0x4e: {  	_ =	shalt  }
0x4f: {  	_ =	shalt  }
0x50: {  	_ =	shalt  }
0x51: {  	_ =	shalt  }
0x52: {  	_ =	shalt  }
0x53: {  	_ =	shalt  }
0x54: {  	_ =	shalt  }
0x55: {  	_ =	shalt  }
0x56: {  	_ =	shalt  }
0x57: {  	_ =	shalt  }
0x58: {  	_ =	shalt  }
0x59: {  	_ =	shalt  }
0x5a: {  	_ =	shalt  }
0x5b: {  	_ =	shalt  }
0x5c: {  	_ =	shalt  }
0x5d: {  	_ =	shalt  }
0x5e: {  	_ =	shalt  }
0x5f: {  	_ =	shalt  }
0x60: {  	_ =	shalt  }
0x61: {  	_ =	shalt  }
0x62: {  	_ =	shalt  }
0x63: {  	_ =	shalt  }
0x64: {  	_ =	shalt  }
0x65: {  	_ =	shalt  }
0x66: {  	_ =	shalt  }
0x67: {  	_ =	shalt  }
0x68: {  	_ =	shalt  }
0x69: {  	_ =	shalt  }
0x6a: {  	_ =	shalt  }
0x6b: {  	_ =	shalt  }
0x6c: {  	_ =	shalt  }
0x6d: {  	_ =	shalt  }
0x6e: {  	_ =	shalt  }
0x6f: {  	_ =	shalt  }
0x70: {  	_ =	shalt  }
0x71: {  	_ =	shalt  }
0x72: {  	_ =	shalt  }
0x73: {  	_ =	shalt  }
0x74: {  	_ =	shalt  }
0x75: {  	_ =	shalt  }
0x76: {  	_ =	shalt  }
0x77: {  	_ =	shalt  }
0x78: {  	_ =	shalt  }
0x79: {  	_ =	shalt  }
0x7a: {  	_ =	shalt  }
0x7b: {  	_ =	shalt  }
0x7c: {  	_ =	shalt  }
0x7d: {  	_ =	shalt  }
0x7e: {  	_ =	shalt  }
0x7f: {  	_ =	shalt  }
0x80: {  	_ =	shalt  }
0x81: {  	_ =	shalt  }
0x82: {  	_ =	shalt  }
0x83: {  	_ =	shalt  }
0x84: {  	_ =	shalt  }
0x85: {  	_ =	shalt  }
0x86: {  	_ =	shalt  }
0x87: {  	_ =	shalt  }
.Lfunc_end0:
.L_simem_size_0:
called_computation_lowered:
.L_overlay_start_0:
0x88: {  	s2 =	sld [smem:$0x3FD9]  }
0x89: {  	s3 =	sld [smem:$0x3FFE];
	_ =	sdelay $0x1  }
0x8a: {  	s1 =	srdreg.scid  }
0x8b: {  	s0 =	sand.u32 $0x1, s1  }
0x8c: {  	s14 =	sshll.u32 s0, $0xA;
	s2 =	sadd.s32 s3, s2  }
0x8d: {  	s2 =	sadd.s32 s2, s14  }
0x8e: {  	[smem:$0x3FC4] =	sst s2  }
0x8f: {  	_ = 	snop  }
0x90: {  	s2 =	sld [smem:$0x3FD0];
	_ =	sdelay $0x2  }
0x91: {  	s15 =	simm.s32 $0xA;
	s4 =	simm.s32 $0x10  }
0x92: {  	[smem:s4], [sflag:s15] =	dma.local [hbm:s2], $0x1  }
0x93: {  	_ =	swait.eq [sflag:s15], $0x1  }
0x94: {  	[sflag:s15] =	ssyncset.done $0x0  }
0x95: {  	[sflag:s15] =	ssyncadd.s32 $0xFFFFFFFF  }
0x96: {  	s16 =	sld [smem:$0x11];
	(tm) =	ssettm $0x1  }
0x97: {  	s17 =	sld [smem:$0x3FFB];
	_ =	sdelay $0x3  }
0x98: {  	_ =	strace s17  }
0x99: {  	s3 =	sld [smem:$0x3FFC];
	_ =	sdelay $0x3  }
0x9a: {  	_ =	strace s3  }
0x9b: {  	s3 =	sld [smem:$0x3FFD];
	_ =	sdelay $0x3  }
0x9c: {  	_ =	strace s3  }
0x9d: {  	_ =	strace $0x8FFFFFFF  }
0x9e: {  	s18 =	sld [smem:$0x3FDB];
	_ =	sdelay $0x1  }
0x9f: {  	s19 =	simm.s32 $_scs_section_size  }
0xa0: {  	s5 =	simm.s32 $_size__tile_overlayer_lowered;
	s6 =	simm.s32 $_tile_overlayer_lowered  }
0xa1: {  	s22 =	simm.s32 $0x1BFF;
	s21 =	sshll.u32 s6, $0x1;
	s3 =	sadd.s32 s19, s18  }
0xa2: {  	s7 =	simm.s32 $0x0;
	s20 =	sshll.u32 s5, $0x1;
	s5 =	sadd.s32 s21, s3  }
0xa3: {  	[timem:s7], [sflag:s22] =	dma.local [hbm:s5], s20  }
0xa4: {  	_ =	swait.ge [sflag:s22], s20  }
0xa5: {  	s4 =	ssub.s32 $0x0, s20;
	[sflag:s22] =	ssyncset.done $0x0  }
0xa6: {  	[sflag:s22] =	ssyncadd.s32 s4;
	_ =	sdelay $0x1  }
0xa7: {  	s23 =	simm.s32 $0x1B8B  }
0xa8: {  	_ =	swait.ge [sflag:s23], $0x1  }
0xa9: {  	[sflag:s23] =	ssyncset.done $0x0  }
0xaa: {  	s25 =	simm.s32 $0x1B8E;
	s24 =	sld [smem:$0x3FFE];
	[sflag:s23] =	ssyncadd.s32 $0xFFFFFFFF  }
0xab: {  	s26 =	simm.s32 $execute0_lowered;
	[smem:$0x3FD2] =	sst s25  }
0xac: {  	s5 =	sshll.u32 s26, $0x1;
	_ =	strace $0x80000046;
	[dreg:$0x1] =	wrdreg $0xFFFFFFFF  }
0xad: {  	s28 =	simm.s32 $_size_execute0_lowered;
	s3 =	sadd.s32 s3, s5;
	[dreg:$0x0] =	wrdreg $0x0  }
0xae: {  	s5 =	sshll.u32 s28, $0x1;
	[dreg:$0x2] =	wrdreg s3  }
0xaf: {  	[dreg:$0x3] =	wrdreg s5  }
0xb0: {  	[dreg:$0x4] =	wrdreg $0xC0  }
0xb1: {  	_ =	task [dreg:s7], $0x5FFFF  }
0xb2: {  	[dreg:$0x1] =	wrdreg $0xFFFFFFFF  }
0xb3: {  	[dreg:$0x0] =	wrdreg $0x60  }
0xb4: {  	[dreg:$0x2] =	wrdreg s24  }
0xb5: {  	[dreg:$0x3] =	wrdreg s16  }
0xb6: {  	[dreg:$0x4] =	wrdreg $0x4800  }
0xb7: {  	[dreg:$0x5] =	wrdreg $0x9  }
0xb8: {  	_ =	task.clear_ibuf [dreg:s7], $0x6FFFF;
	_ =	strace $0x90000046  }
0xb9: {  	s29 =	simm.s32 $0x9;
	_ =	strace $0x80000048  }
0xba: {  	_ =	swait.ge [sflag:s29], $0x1  }
0xbb: {  	[sflag:s29] =	ssyncadd.s32 $0xFFFFFFFF  }
0xbc: {  	_ =	strace $0x90000048  }
0xbd: {  	_ =	sfence  }
0xbe: {  	s30 =	sld [smem:$0x0];
	_ =	sdelay $0x2  }
0xbf: {  	s31 =	sshll.u32 s1, $0xD;
	s1 =	sshrl.u32 s1, $0x2  }
0xc0: {  	s3 =	sand.u32 $0x4000, s31;
	s1 =	sadd.s32 s1, s30  }
0xc1: {  	s0 =	sor.u32 s3, s0;
	s1 =	sshll.u32 s1, $0x11  }
0xc2: {  	s0 =	sor.u32 s1, s0  }
0xc3: {  	s0 =	sadd.s32 $0x8F2B, s0  }
0xc4: {  	[sflag:s0] =	ssyncadd.remote.s32 $0x1  }
0xc5: {  	_ =	sfence.sel $0xFFFF  }
0xc6: {  	[dreg:$0x0] =	wrdreg $0xFFFFFFFF;
	(pc) =	sbr.abs _section_cstart, $3  }
0xc7: {  	[dreg:$0x1] =	wrdreg $0xFFFFFFFF  }
0xc8: {  	_ =	task.clear_ibuf [dreg:s7], $0x2FFFF;
	_ =	strace $0x9FFFFFFF  }
0xc9: {  	(tm) =	ssettm $0x7FFFFFFF  }
tec
execute0_lowered:
.L_overlay_start_1:
0x0: {  	(tag) =	ssettag $0x1  }
0x1: {  	s5 =	rddreg [dreg:$0x0]  }
0x2: {  	s1 =	srdreg.scid;
	s6 =	rddreg [dreg:$0x1]  }
0x3: {  	s0 =	stileid.u32;
	s2 =	rddreg [dreg:$0x2]  }
0x4: {  	s3 =	simm.s32 $0x0;
	s13 =	simm.s32 $0x0;
	s4 =	smul.u32 $0x18700, s0  }
0x5: {  	s7 =	sand.u32 $0x1, s1;
	s1 =	rddreg [dreg:$0x3];
	s9 =	smul.u32 $0x38000, s0  }
0x6: {  	[smem:$0x7FF] =	sst s3;
	s11 =	smul.u32 $0x1C00, s0;
	s31 =	sshll.u32 s0, $0x6  }
0x7: {  	s8 =	smul.u32 $0xC380, s7;
	_ =	strace $0x80000047;
	s10 =	ssub.s32 $0x2, s7  }
0x8: {  	s7 =	smul.u32 $0x1C000, s7;
	s12 =	sshrl.u32 s10, $0x1;
	s9 =	sshrl.u32 s9, $0x2  }
0x9: {  	s6 =	sadd.s32 s6, s11;
	s11 =	sor.u32 $0x1C01, s31;
	s4 =	sadd.s32 s8, s4  }
0xa: {  	s10 =	ssub.s32 s10, s12;
	s30 =	sadd.s32 s9, s2;
	s6 =	sadd.s32 s7, s6  }
0xb: {  	s9 =	simm.s32 $0x80;
	s4 =	sshrl.u32 s4, $0x3;
	s7 =	smax.u32 s10, $0x1  }
0xc: {  	s10 =	simm.s32 $0x1;
	s12 =	sshrl.u32 s30, $0x3;
	s29 =	sadd.s32 s4, s5  }
0xd: {  	s4 =	sadd.s32 $0x35A00, s5;
	s5 =	sadd.s32 $0x33E00, s5;
	s8 =	sadd.s32 $0x3000, s29  }
.LBB2_1:
0xe: {  	[tilespmem:s9], [sflag:$0x1] =	stream.linear.gather [hbm4b:s4+s3], $0x400, $0x38;
	[tilespmem:$0xE480] =	vst v63  }
0xf: {  	_ =	swait.ge [sflag:s10], $0x400  }
0x10: {  	[sflag:s10] =	ssyncset.done $0x0  }
0x11: {  	[sflag:s10] =	ssyncadd.s32 $0xFFFFFC00  }
0x12: {  	[spmem:s12], [sflag:s11] =	dma.local [hbm:s5], $0x1C00  }
0x13: {  	_ =	swait.ge [sflag:s10], $0x1C00  }
0x14: {  	[sflag:s10] =	ssyncset.done $0x0  }
0x15: {  	[sflag:s10] =	ssyncadd.s32 $0xFFFFE400  }
0x16: {  	s14 =	sadd.s32 $0x0, s8;
	[bflag:$0x0] =	sbarrier.arrive $0xFFFF  }
0x17: {  	[tilespmem:s3], [sflag:$0x1] =	stream.linear.gather [hbm4b:s14+s3], $0x80, $0x38;
	[tilespmem:$0xE480] =	vst v63  }
0x18: {  	_ =	swait.ge [sflag:s10], $0x80  }
0x19: {  	[sflag:s10] =	ssyncset.done $0x0  }
0x1a: {  	[sflag:s10] =	ssyncadd.s32 $0xFFFFFF80  }
0x1b: {  	[spmem:s2] =	stream.indirect.scatter.add.f32 [tilespmem:s9], [sflag:$0x1], $0x8, s3, s9, $0xb8;
	[tilespmem:$0xE480] =	vst v63  }
0x1c: {  	_ =	swait.ge [sflag:s10], $0x400  }
0x1d: {  	s15 =	simm.s32 $0x20;
	s14 =	simm.s32 $0x10;
	[sflag:s10] =	ssyncset.done $0x0  }
.LBB2_2:
0x1e: {  	s16 =	sadd.s32 s14, s8  }
0x1f: {  	[sflag:s10] =	ssyncadd.s32 $0xFFFFFC00;
	s14 =	smov.u32 s15;
	s17 =	sadd.s32 $0x10, s15  }
0x20: {  	[tilespmem:s3], [sflag:$0x1] =	stream.linear.gather [hbm4b:s16+s3], $0x80, $0x38;
	[tilespmem:$0xE480] =	vst v63  }
0x21: {  	p0 =	sne.s32 s15, $0x1860;
	_ =	swait.ge [sflag:s10], $0x80  }
.Ltmp0:
0x22: {  	[sflag:s10] =	ssyncset.done $0x0;
	(pc) =	sbr.rel @p0 .LBB2_2-.Ltmp0, $4  }
0x23: {  	[sflag:s10] =	ssyncadd.s32 $0xFFFFFF80  }
0x24: {  	[spmem:s2] =	stream.indirect.scatter.add.f32 [tilespmem:s9], [sflag:$0x1], $0x8, s3, s9, $0xb8;
	[tilespmem:$0xE480] =	vst v63  }
0x25: {  	_ =	swait.ge [sflag:s10], $0x400  }
0x26: {  	s15 =	smov.u32 s17;
	[sflag:s10] =	ssyncset.done $0x0  }
0x27: {  	s14 =	sadd.s32 s14, s8;
	[sflag:s10] =	ssyncadd.s32 $0xFFFFFC00  }
0x28: {  	[tilespmem:s3], [sflag:$0x1] =	stream.linear.gather [hbm4b:s14+s3], $0x80, $0x38;
	[tilespmem:$0xE480] =	vst v63  }
0x29: {  	_ =	swait.ge [sflag:s10], $0x80  }
0x2a: {  	[sflag:s10] =	ssyncset.done $0x0  }
0x2b: {  	[sflag:s10] =	ssyncadd.s32 $0xFFFFFF80  }
0x2c: {  	[spmem:s2] =	stream.indirect.scatter.add.f32 [tilespmem:s9], [sflag:$0x1], $0x8, s3, s9, $0xb8;
	[tilespmem:$0xE480] =	vst v63  }
0x2d: {  	_ =	swait.ge [sflag:s10], $0x400  }
0x2e: {  	s13 =	sadd.s32 $0x1, s13;
	[sflag:s10] =	ssyncset.done $0x0  }
0x2f: {  	p0 =	sne.s32 s13, s7;
	[sflag:s10] =	ssyncadd.s32 $0xFFFFFC00  }
.Ltmp1:
0x30: {  	[bflag:$0x0] =	sbarrier.arrive $0xFFFF;
	(pc) =	sbr.rel @p0 .LBB2_1-.Ltmp1, $4  }
0x31: {  	[hbm:s6], [sflag:s11] =	dma.local [spmem:s12], $0x1C00  }
0x32: {  	_ =	swait.ge [sflag:s10], $0x1C00  }
0x33: {  	[sflag:s10] =	ssyncset.done $0x0  }
0x34: {  	[sflag:s10] =	ssyncadd.s32 $0xFFFFE400  }
0x35: {  	_ =	sfence.sel $0x180000  }
0x36: {  	[bflag:$0x0] =	sbarrier.arrive $0xFFFF  }
0x37: {  	p0 =	sne.s32 s0, $0x0;
	_ =	strace $0x90000047  }
0x38: {  	s0 =	sadd.s32 @!p0 $0x100000, s1;
	[bflag:$0x2] =	sbarrier.arrive $0xFFFF  }
0x39: {  	[sflag:s0] =	ssyncadd.tile.s32 @!p0 $0x1;
	_ =	shalt  }
.Lfunc_end2:
_tile_overlayer_lowered:
.L_overlay_start_2:
0x3a: {  	(tag) =	ssettag $0x2  }
0x3b: {  	s0 =	rddreg [dreg:$0x0];
	s2 =	stileid.u32  }
0x3c: {  	s1 =	rddreg [dreg:$0x1];
	p0 =	sne.s32 s2, $0x0  }
0x3d: {  	s3 =	rddreg [dreg:$0x2];
	[bflag:$0x3] =	sbarrier.arrive $0xFFFF;
	s2 =	simm.s32 @!p0 $0x1C01  }
0x3e: {  	[timem:s3], [sflag:s2] =	dma.local @!p0 [hbm:s0], s1  }
0x3f: {  	s0 =	simm.s32 @!p0 $0x1  }
0x40: {  	_ =	swait.ge @!p0 [sflag:s0], s1  }
0x41: {  	s1 =	ssub.s32 @!p0 $0x0, s1;
	[sflag:s0] =	ssyncset.done @!p0 $0x0  }
0x42: {  	[sflag:s0] =	ssyncadd.s32 @!p0 s1  }
0x43: {  	[bflag:$0x3] =	sbarrier.arrive $0xFFFF  }
0x44: {  	_ =	shalt  }

// kernel: kernel.9.cloned.1.call-start
scs
__scs_entry_jumppad:
0x0: {  	(pc) =	sbr.rel $0x88, $3  }
0x1: {  	(tag) =	ssettag $0x0;
	lr =	simm.s32 $0x1  }
0x2: {  	[smem:$0x3F9D] =	sst lr;
	_ =	strace $0xD0000000  }
0x3: {  	_ = 	snop  }
0x4: {  	_ = 	snop  }
0x5: {  	_ = 	snop  }
0x6: {  	_ = 	snop  }
0x7: {  	_ = 	snop  }
__scs_overlays_trampoline_lowered:
0x8: {  	[smem:$0x3FAC] =	sst s0  }
0x9: {  	[smem:$0x3FAD] =	sst s1  }
0xa: {  	[smem:$0x3FAE] =	sst s2  }
0xb: {  	[smem:$0x3FAF] =	sst s3  }
0xc: {  	[smem:$0x3FB0] =	sst s4  }
0xd: {  	[smem:$0x3FB1] =	sst s5  }
0xe: {  	[smem:$0x3FB2] =	sst s6  }
0xf: {  	[smem:$0x3FB3] =	sst s7  }
0x10: {  	[smem:$0x3FB4] =	sst s8  }
0x11: {  	[smem:$0x3FB5] =	sst s9;
	s0 =	simm.s32 @!p0 $0x0  }
0x12: {  	s1 =	sld [smem:$0x3F9B];
	s0 =	simm.s32 @p0 $0x1  }
0x13: {  	[smem:$0x3FB6] =	sst s0;
	s0 =	simm.s32 @!p1 $0x0  }
0x14: {  	s2 =	sld [smem:$0x3F9A];
	s0 =	simm.s32 @p1 $0x1  }
0x15: {  	[smem:$0x3FB7] =	sst s0;
	s0 =	simm.s32 @!p2 $0x0  }
0x16: {  	s3 =	sld [smem:$0x3FDB];
	s0 =	simm.s32 @p2 $0x1  }
0x17: {  	s4 =	simm.s32 $0x1BF5;
	[smem:$0x3FB9] =	sst s0  }
0x18: {  	s0 =	sld [smem:$0x3F9C];
	_ =	swait.ge [sflag:s4], $0x0  }
0x19: {  	s7 =	sld [smem:$0x3F9D]  }
0x1a: {  	s8 =	sadd.s32 $0xFFFFE003, lr  }
0x1b: {  	s9 =	sadd.s32 $0xFFFFFEF7, lr;
	s5 =	simm.s32 $0xFFFFFFFF;
	p2 =	slt.u32 s8, $0xFFFFF086  }
0x1c: {  	p1 =	slt.u32 s9, $0xF7A;
	s5 =	simm.s32 @!p2 $0x0  }
0x1d: {  	s5 =	simm.s32 @p1 $0x1;
	p0 =	seq.s32 s7, s2  }
0x1e: {  	s7 =	smul.u32 @!p0 $0xF7A, s2;
	p2 =	seq.s32 @!p0 s5, $0x0  }
0x1f: {  	s9 =	smul.u32 $0xF7A, s1;
	s8 =	simm.s32 @!p0 $0x1BF5;
	p2 =	por !p2, p0  }
0x20: {  	[sflag:s8] =	ssyncset.s32 @!p0 $0xFFFFF086;
	s6 =	sadd.s32 @!p0 s3, s7;
	s7 =	simm.s32 @!p0 $0x108  }
0x21: {  	s3 =	sadd.s32 s3, s9;
	s6 =	sadd.s32 @!p0 $0x88, s6;
	s7 =	simm.s32 @p2 $0x1082  }
0x22: {  	[simem:s7], [sflag:s8] =	dma.local @!p0 [hbm:s6], $0xF7A  }
0x23: {  	s9 =	sor.u32 $0xD0000000, s2;
	s6 =	simm.s32 $0x108;
	_ =	swait.ge @!p0 [sflag:s8], $0x0  }
0x24: {  	s3 =	sadd.s32 $0x88, s3;
	s6 =	simm.s32 @!p1 $0x1082;
	[sflag:s4] =	ssyncset.s32 $0xFFFFF086  }
0x25: {  	[simem:s6], [sflag:s4] =	dma.local [hbm:s3], $0xF7A  }
0x26: {  	[smem:$0x3F9D] =	sst s1;
	(tag) =	ssettag s2;
	_ =	strace s9  }
0x27: {  	s1 =	sld [smem:$0x3FAD]  }
0x28: {  	s2 =	sld [smem:$0x3FAE]  }
0x29: {  	s4 =	sld [smem:$0x3FB0]  }
0x2a: {  	p0 =	seq.s32 s5, $0x0;
	s5 =	sld [smem:$0x3FB1]  }
0x2b: {  	s6 =	sld [smem:$0x3FB2]  }
0x2c: {  	s7 =	sld [smem:$0x3FB3]  }
0x2d: {  	s3 =	simm.s32 $0x108;
	s8 =	sld [smem:$0x3FB4]  }
0x2e: {  	s3 =	simm.s32 @!p0 $0x1082;
	s9 =	sld [smem:$0x3FB5]  }
0x2f: {  	lr =	sadd.s32 s0, s3;
	s0 =	sld [smem:$0x3FAC]  }
0x30: {  	s3 =	sld [smem:$0x3FAF]  }
0x31: {  	[smem:$0x3FB8] =	sst s10  }
0x32: {  	s10 =	sld [smem:$0x3FB6];
	_ =	sdelay $0x3  }
0x33: {  	p0 =	seq.s32 s10, $0x1;
	s10 =	sld [smem:$0x3FB8];
	_ =	sdelay $0x3  }
0x34: {  	[smem:$0x3FB8] =	sst s10  }
0x35: {  	s10 =	sld [smem:$0x3FB7];
	_ =	sdelay $0x3  }
0x36: {  	p1 =	seq.s32 s10, $0x1;
	s10 =	sld [smem:$0x3FB8];
	_ =	sdelay $0x3  }
0x37: {  	[smem:$0x3FB8] =	sst s10  }
0x38: {  	s10 =	sld [smem:$0x3FB9]  }
0x39: {  	_ = 	snop;
	(pc) =	sbr.ind lr, $3  }
0x3a: {  	_ = 	snop  }
0x3b: {  	_ = 	snop  }
0x3c: {  	p2 =	seq.s32 s10, $0x1;
	s10 =	sld [smem:$0x3FB8]  }
0x3d: {  	_ =	shalt  }
0x3e: {  	_ =	shalt  }
0x3f: {  	_ =	shalt  }
0x40: {  	_ =	shalt  }
0x41: {  	_ =	shalt  }
0x42: {  	_ =	shalt  }
0x43: {  	_ =	shalt  }
0x44: {  	_ =	shalt  }
0x45: {  	_ =	shalt  }
0x46: {  	_ =	shalt  }
0x47: {  	_ =	shalt  }
0x48: {  	_ =	shalt  }
0x49: {  	_ =	shalt  }
0x4a: {  	_ =	shalt  }
0x4b: {  	_ =	shalt  }
0x4c: {  	_ =	shalt  }
0x4d: {  	_ =	shalt  }
0x4e: {  	_ =	shalt  }
0x4f: {  	_ =	shalt  }
0x50: {  	_ =	shalt  }
0x51: {  	_ =	shalt  }
0x52: {  	_ =	shalt  }
0x53: {  	_ =	shalt  }
0x54: {  	_ =	shalt  }
0x55: {  	_ =	shalt  }
0x56: {  	_ =	shalt  }
0x57: {  	_ =	shalt  }
0x58: {  	_ =	shalt  }
0x59: {  	_ =	shalt  }
0x5a: {  	_ =	shalt  }
0x5b: {  	_ =	shalt  }
0x5c: {  	_ =	shalt  }
0x5d: {  	_ =	shalt  }
0x5e: {  	_ =	shalt  }
0x5f: {  	_ =	shalt  }
0x60: {  	_ =	shalt  }
0x61: {  	_ =	shalt  }
0x62: {  	_ =	shalt  }
0x63: {  	_ =	shalt  }
0x64: {  	_ =	shalt  }
0x65: {  	_ =	shalt  }
0x66: {  	_ =	shalt  }
0x67: {  	_ =	shalt  }
0x68: {  	_ =	shalt  }
0x69: {  	_ =	shalt  }
0x6a: {  	_ =	shalt  }
0x6b: {  	_ =	shalt  }
0x6c: {  	_ =	shalt  }
0x6d: {  	_ =	shalt  }
0x6e: {  	_ =	shalt  }
0x6f: {  	_ =	shalt  }
0x70: {  	_ =	shalt  }
0x71: {  	_ =	shalt  }
0x72: {  	_ =	shalt  }
0x73: {  	_ =	shalt  }
0x74: {  	_ =	shalt  }
0x75: {  	_ =	shalt  }
0x76: {  	_ =	shalt  }
0x77: {  	_ =	shalt  }
0x78: {  	_ =	shalt  }
0x79: {  	_ =	shalt  }
0x7a: {  	_ =	shalt  }
0x7b: {  	_ =	shalt  }
0x7c: {  	_ =	shalt  }
0x7d: {  	_ =	shalt  }
0x7e: {  	_ =	shalt  }
0x7f: {  	_ =	shalt  }
0x80: {  	_ =	shalt  }
0x81: {  	_ =	shalt  }
0x82: {  	_ =	shalt  }
0x83: {  	_ =	shalt  }
0x84: {  	_ =	shalt  }
0x85: {  	_ =	shalt  }
0x86: {  	_ =	shalt  }
0x87: {  	_ =	shalt  }
.Lfunc_end0:
.L_simem_size_0:
called_computation.1_lowered:
.L_overlay_start_0:
0x88: {  	s2 =	sld [smem:$0x3FD9]  }
0x89: {  	s3 =	sld [smem:$0x3FFE];
	_ =	sdelay $0x1  }
0x8a: {  	s1 =	srdreg.scid  }
0x8b: {  	s0 =	sand.u32 $0x1, s1  }
0x8c: {  	s14 =	sshll.u32 s0, $0xA;
	s2 =	sadd.s32 s3, s2  }
0x8d: {  	s2 =	sadd.s32 s2, s14  }
0x8e: {  	[smem:$0x3FC4] =	sst s2  }
0x8f: {  	_ = 	snop  }
0x90: {  	s2 =	sld [smem:$0x3FD0];
	_ =	sdelay $0x2  }
0x91: {  	s15 =	simm.s32 $0xA;
	s4 =	simm.s32 $0x10  }
0x92: {  	[smem:s4], [sflag:s15] =	dma.local [hbm:s2], $0x1  }
0x93: {  	_ =	swait.eq [sflag:s15], $0x1  }
0x94: {  	[sflag:s15] =	ssyncset.done $0x0  }
0x95: {  	s16 =	sld [smem:$0x10];
	[sflag:s15] =	ssyncadd.s32 $0xFFFFFFFF  }
0x96: {  	s17 =	sld [smem:$0x11];
	(tm) =	ssettm $0x1  }
0x97: {  	s18 =	sld [smem:$0x3FFB];
	_ =	sdelay $0x3  }
0x98: {  	_ =	strace s18  }
0x99: {  	s4 =	sld [smem:$0x3FFC];
	_ =	sdelay $0x3  }
0x9a: {  	_ =	strace s4  }
0x9b: {  	s4 =	sld [smem:$0x3FFD];
	_ =	sdelay $0x3  }
0x9c: {  	_ =	strace s4  }
0x9d: {  	_ =	strace $0x8FFFFFFF  }
0x9e: {  	s19 =	sld [smem:$0x3FDB];
	_ =	sdelay $0x1  }
0x9f: {  	s5 =	simm.s32 $_scs_section_size  }
0xa0: {  	s6 =	simm.s32 $_size__tile_overlayer_lowered;
	s7 =	simm.s32 $_tile_overlayer_lowered  }
0xa1: {  	s22 =	simm.s32 $0x1BFF;
	s21 =	sshll.u32 s7, $0x1;
	s4 =	sadd.s32 s5, s19  }
0xa2: {  	s8 =	simm.s32 $0x0;
	s20 =	sshll.u32 s6, $0x1;
	s6 =	sadd.s32 s21, s4  }
0xa3: {  	[timem:s8], [sflag:s22] =	dma.local [hbm:s6], s20  }
0xa4: {  	_ =	swait.ge [sflag:s22], s20  }
0xa5: {  	s5 =	ssub.s32 $0x0, s20;
	[sflag:s22] =	ssyncset.done $0x0  }
0xa6: {  	[sflag:s22] =	ssyncadd.s32 s5;
	_ =	sdelay $0x1  }
0xa7: {  	s23 =	simm.s32 $0x1B8B  }
0xa8: {  	_ =	swait.ge [sflag:s23], $0x1  }
0xa9: {  	[sflag:s23] =	ssyncset.done $0x0  }
0xaa: {  	s25 =	simm.s32 $0x1B8E;
	s24 =	sld [smem:$0x3FFE];
	[sflag:s23] =	ssyncadd.s32 $0xFFFFFFFF  }
0xab: {  	s26 =	simm.s32 $execute0_lowered;
	[smem:$0x3FD2] =	sst s25  }
0xac: {  	s6 =	sshll.u32 s26, $0x1;
	_ =	strace $0x80000049;
	[dreg:$0x1] =	wrdreg $0xFFFFFFFF  }
0xad: {  	s28 =	simm.s32 $_size_execute0_lowered;
	s4 =	sadd.s32 s4, s6;
	[dreg:$0x0] =	wrdreg $0x0  }
0xae: {  	s6 =	sshll.u32 s28, $0x1;
	[dreg:$0x2] =	wrdreg s4  }
0xaf: {  	[dreg:$0x3] =	wrdreg s6  }
0xb0: {  	[dreg:$0x4] =	wrdreg $0xC0  }
0xb1: {  	_ =	task [dreg:s8], $0x5FFFF  }
0xb2: {  	[dreg:$0x1] =	wrdreg $0xFFFFFFFF  }
0xb3: {  	[dreg:$0x0] =	wrdreg $0x60  }
0xb4: {  	[dreg:$0x2] =	wrdreg s24  }
0xb5: {  	[dreg:$0x3] =	wrdreg s16  }
0xb6: {  	[dreg:$0x4] =	wrdreg s17  }
0xb7: {  	[dreg:$0x5] =	wrdreg $0x21800  }
0xb8: {  	[dreg:$0x6] =	wrdreg $0x9  }
0xb9: {  	_ =	task.clear_ibuf [dreg:s8], $0x7FFFF;
	_ =	strace $0x90000049  }
0xba: {  	s29 =	simm.s32 $0x9;
	_ =	strace $0x8000004B  }
0xbb: {  	_ =	swait.ge [sflag:s29], $0x1  }
0xbc: {  	[sflag:s29] =	ssyncadd.s32 $0xFFFFFFFF  }
0xbd: {  	_ =	strace $0x9000004B  }
0xbe: {  	_ =	sfence  }
0xbf: {  	s30 =	sld [smem:$0x0];
	_ =	sdelay $0x2  }
0xc0: {  	s31 =	sshll.u32 s1, $0xD;
	s1 =	sshrl.u32 s1, $0x2  }
0xc1: {  	s3 =	sand.u32 $0x4000, s31;
	s1 =	sadd.s32 s1, s30  }
0xc2: {  	s0 =	sor.u32 s3, s0;
	s1 =	sshll.u32 s1, $0x11  }
0xc3: {  	s0 =	sor.u32 s1, s0  }
0xc4: {  	s0 =	sadd.s32 $0x8F2B, s0  }
0xc5: {  	[sflag:s0] =	ssyncadd.remote.s32 $0x1  }
0xc6: {  	_ =	sfence.sel $0xFFFF  }
0xc7: {  	[dreg:$0x0] =	wrdreg $0xFFFFFFFF;
	(pc) =	sbr.abs _section_cstart, $3  }
0xc8: {  	[dreg:$0x1] =	wrdreg $0xFFFFFFFF  }
0xc9: {  	_ =	task.clear_ibuf [dreg:s8], $0x2FFFF;
	_ =	strace $0x9FFFFFFF  }
0xca: {  	(tm) =	ssettm $0x7FFFFFFF  }
0xcb: {  	_ =	shalt  }
tec
execute0_lowered:
.L_overlay_start_1:
0x0: {  	(tag) =	ssettag $0x1  }
0x1: {  	s6 =	rddreg [dreg:$0x0]  }
0x2: {  	s10 =	rddreg [dreg:$0x1]  }
0x3: {  	s2 =	rddreg [dreg:$0x2]  }
0x4: {  	s3 =	rddreg [dreg:$0x3]  }
0x5: {  	s0 =	rddreg [dreg:$0x4];
	s4 =	simm.s32 $0x0  }
0x6: {  	s1 =	stileid.u32;
	s7 =	srdreg.scid;
	s18 =	simm.s32 $0x0  }
0x7: {  	[smem:$0x7FF] =	sst s4;
	s11 =	smul.u32 $0x30E0, s1;
	s5 =	sadd.s32 $0x343400, s6  }
0x8: {  	s7 =	sand.u32 $0x1, s7;
	s8 =	smul.u32 $0x70000, s1;
	s9 =	sadd.s32 $0x1BC800, s6  }
0x9: {  	s14 =	smul.u32 $0x700, s1;
	s29 =	sshll.u32 s1, $0x6;
	_ =	strace $0x8000004A  }
0xa: {  	s26 =	ssub.s32 $0x2, s7;
	s13 =	smul.u32 $0x7000, s7;
	s12 =	sadd.s32 s11, s6  }
0xb: {  	s28 =	sshrl.u32 s26, $0x1;
	s8 =	sshrl.u32 s8, $0x2;
	s6 =	sor.u32 $0x1C02, s29  }
0xc: {  	s10 =	sadd.s32 s11, s10;
	s15 =	ssub.s32 s26, s28;
	s16 =	sadd.s32 s8, s3  }
0xd: {  	s17 =	sadd.s32 $0xE000, s13;
	s30 =	sadd.s32 s14, s13;
	s11 =	sadd.s32 $0x3000, s12  }
0xe: {  	v0 =	vmov s13;
	s13 =	simm.s32 $0x2;
	s31 =	sadd.s32 s14, s17;
	s7 =	sshll.u32 s30, $0x3  }
0xf: {  	s12 =	sshrl.u32 s16, $0x3;
	s14 =	simm.s32 $0x80;
	s16 =	simm.s32 $0x1  }
0x10: {  	v1 =	vmov s17;
	s17 =	simm.s32 $0x100;
	s8 =	sshll.u32 s31, $0x3;
	s7 =	sadd.s32 s9, s7  }
0x11: {  	v2 =	vadd.s32 $0x7000, v0;
	v3 =	vadd.s32 $0x7000, v1;
	s8 =	sadd.s32 s9, s8;
	s9 =	smax.u32 s15, $0x1;
	s15 =	simm.s32 $0x180  }
.LBB2_1:
0x12: {  	[spmem:s12], [sflag:s6] =	dma.local [hbm:s2], $0x3800  }
0x13: {  	_ =	swait.ge [sflag:s13], $0x3800  }
0x14: {  	[sflag:s13] =	ssyncset.done $0x0  }
0x15: {  	[sflag:s13] =	ssyncadd.s32 $0xFFFFC800  }
0x16: {  	s19 =	sadd.s32 $0x0, s11;
	[bflag:$0x0] =	sbarrier.arrive $0xFFFF  }
0x17: {  	[tilespmem:s4], [sflag:$0x2] =	stream.linear.gather [hbm4b:s19+s4], $0x80, $0x38;
	[tilespmem:$0x1E1A0] =	vst v63  }
0x18: {  	_ =	swait.ge [sflag:s13], $0x80  }
0x19: {  	[sflag:s13] =	ssyncset.done $0x0  }
0x1a: {  	s31 =	sadd.s32 $0x0, s10;
	[sflag:s13] =	ssyncadd.s32 $0xFFFFFF80  }
0x1b: {  	[tilespmem:s14], [sflag:$0x2] =	stream.linear.gather [hbm4b:s31+s4], $0x80, $0x38;
	[tilespmem:$0x1E1A0] =	vst v63  }
0x1c: {  	_ =	swait.ge [sflag:s13], $0x80  }
0x1d: {  	[sflag:s13] =	ssyncset.done $0x0  }
0x1e: {  	[sflag:s13] =	ssyncadd.s32 $0xFFFFFF80  }
0x1f: {  	v4 =	vld [tilespmem:$0x70]  }
0x20: {  	v5 =	vld [tilespmem:$0x60]  }
0x21: {  	v6 =	vld [tilespmem:$0x10]  }
0x22: {  	v9 =	vld [tilespmem:$0x30]  }
0x23: {  	v11 =	vld [tilespmem:$0x40]  }
0x24: {  	v7 =	vld [tilespmem:$0x0]  }
0x25: {  	vm0 =	vge.s32 v4, v0;
	vm1 =	vlt.s32 v4, v2;
	v10 =	vsub.s32 v4, v0  }
0x26: {  	v8 =	vld [tilespmem:$0x20];
	vm2 =	vge.s32 v5, v0;
	vm3 =	vlt.s32 v5, v2;
	v5 =	vsub.s32 v5, v0  }
0x27: {  	v12 =	vsub.s32 v6, v0;
	vm4 =	vlt.s32 v6, v2;
	vm5 =	vlt.s32 v9, v2  }
0x28: {  	vm6 =	vge.s32 v11, v0;
	vm7 =	vlt.s32 v11, v2;
	vm2 =	vmand vm2, vm3  }
0x29: {  	vm0 =	vmand vm0, vm1;
	vm1 =	vlt.s32 v7, v2;
	vm3 =	vge.s32 v6, v0  }
0x2a: {  	v4 =	vld [tilespmem:$0x50];
	v6 =	vsub.s32 v11, v0;
	v13 =	vnsel vm2, $0x7000, v5;
	vm2 =	vge.s32 v7, v0  }
0x2b: {  	v7 =	vsub.s32 v7, v0;
	v5 =	vsub.s32 v8, v0;
	v10 =	vnsel vm0, $0x7000, v10  }
0x2c: {  	vm0 =	vge.s32 v8, v0;
	vm1 =	vmand vm2, vm1;
	vm2 =	vmand vm3, vm4;
	[tilespmem:$0x160] =	vst v13  }
0x2d: {  	vm3 =	vge.s32 v9, v0;
	[tilespmem:$0x170] =	vst v10;
	v7 =	vnsel vm1, $0x7000, v7;
	v63 =	vnsel vm2, $0x7000, v12  }
0x2e: {  	vm2 =	vlt.s32 v8, v2;
	vm5 =	vmand vm3, vm5;
	vm3 =	vmand vm6, vm7;
	[tilespmem:$0x100] =	vst v7  }
0x2f: {  	s19 =	simm.s32 $0x10;
	vm1 =	vge.s32 v4, v0;
	v7 =	vsub.s32 v9, v0;
	vm4 =	vlt.s32 v4, v2;
	[tilespmem:$0x110] =	vst v63  }
.LBB2_2:
0x30: {  	p0 =	sne.s32 s19, $0x30D0;
	v7 =	vnsel vm5, $0x7000, v7;
	vm1 =	vmand vm1, vm4;
	v4 =	vsub.s32 v4, v0;
	s20 =	smov.u32 s19;
	s19 =	sadd.s32 $0x10, s19  }
0x31: {  	[tilespmem:$0x130] =	vst v7;
	v4 =	vnsel vm1, $0x7000, v4  }
0x32: {  	vm0 =	vmand vm0, vm2;
	v6 =	vnsel vm3, $0x7000, v6;
	[tilespmem:$0x150] =	vst v4  }
0x33: {  	v4 =	vnsel vm0, $0x7000, v5;
	[tilespmem:$0x140] =	vst v6  }
0x34: {  	[tilespmem:$0x120] =	vst v4  }
0x35: {  	[tilespmem:s15], [sflag:$0x1] =	stream.indirect.gather [hbm4b:s5+s14], $0x40, s14, s14, $0xb8;
	[tilespmem:$0x1E1A0] =	vst v63  }
0x36: {  	_ =	swait.ge [sflag:s16], $0x2000  }
0x37: {  	[sflag:s16] =	ssyncset.done $0x0  }
0x38: {  	[sflag:s16] =	ssyncadd.s32 $0xFFFFE000  }
0x39: {  	[spmem:s3] =	stream.indirect.scatter.add.f32 [tilespmem:s15], [sflag:$0x2], $0x40, s17, s14, $0xb8;
	[tilespmem:$0x1E1A0] =	vst v63  }
0x3a: {  	_ =	swait.ge [sflag:s13], $0x2000  }
0x3b: {  	[sflag:s13] =	ssyncset.done $0x0  }
0x3c: {  	s21 =	sadd.s32 s20, s11;
	[sflag:s13] =	ssyncadd.s32 $0xFFFFE000  }
0x3d: {  	[tilespmem:s4], [sflag:$0x2] =	stream.linear.gather [hbm4b:s21+s4], $0x80, $0x38;
	[tilespmem:$0x1E1A0] =	vst v63  }
0x3e: {  	_ =	swait.ge [sflag:s13], $0x80  }
0x3f: {  	[sflag:s13] =	ssyncset.done $0x0  }
0x40: {  	s20 =	sadd.s32 s20, s10;
	[sflag:s13] =	ssyncadd.s32 $0xFFFFFF80  }
0x41: {  	[tilespmem:s14], [sflag:$0x2] =	stream.linear.gather [hbm4b:s20+s4], $0x80, $0x38;
	[tilespmem:$0x1E1A0] =	vst v63  }
0x42: {  	_ =	swait.ge [sflag:s13], $0x80  }
0x43: {  	[sflag:s13] =	ssyncset.done $0x0  }
0x44: {  	[sflag:s13] =	ssyncadd.s32 $0xFFFFFF80  }
0x45: {  	v4 =	vld [tilespmem:$0x70]  }
0x46: {  	v5 =	vld [tilespmem:$0x60]  }
0x47: {  	v6 =	vld [tilespmem:$0x10]  }
0x48: {  	v7 =	vld [tilespmem:$0x0]  }
0x49: {  	v8 =	vld [tilespmem:$0x20]  }
0x4a: {  	v9 =	vld [tilespmem:$0x30];
	vm0 =	vge.s32 v4, v0;
	vm1 =	vlt.s32 v4, v2;
	v10 =	vsub.s32 v4, v0  }
0x4b: {  	v11 =	vld [tilespmem:$0x40];
	vm2 =	vge.s32 v5, v0;
	vm3 =	vlt.s32 v5, v2;
	v5 =	vsub.s32 v5, v0  }
0x4c: {  	vm0 =	vmand vm0, vm1;
	v12 =	vsub.s32 v6, v0;
	v4 =	vld [tilespmem:$0x50];
	vm2 =	vmand vm2, vm3  }
0x4d: {  	vm3 =	vge.s32 v6, v0;
	vm1 =	vlt.s32 v7, v2;
	v5 =	vnsel vm2, $0x7000, v5  }
0x4e: {  	vm4 =	vlt.s32 v6, v2;
	vm2 =	vge.s32 v7, v0;
	v7 =	vsub.s32 v7, v0;
	[tilespmem:$0x160] =	vst v5  }
0x4f: {  	v10 =	vnsel vm0, $0x7000, v10;
	vm1 =	vmand vm2, vm1;
	v5 =	vsub.s32 v8, v0  }
.Ltmp0:
0x50: {  	vm2 =	vmand vm3, vm4;
	v7 =	vnsel vm1, $0x7000, v7;
	v6 =	vsub.s32 v11, v0;
	[tilespmem:$0x170] =	vst v10;
	(pc) =	sbr.rel @p0 .LBB2_2-.Ltmp0, $4  }
0x51: {  	vm0 =	vge.s32 v8, v0;
	vm3 =	vge.s32 v9, v0;
	[tilespmem:$0x100] =	vst v7;
	vm1 =	vge.s32 v4, v0  }
0x52: {  	vm5 =	vlt.s32 v9, v2;
	vm6 =	vge.s32 v11, v0;
	v7 =	vnsel vm2, $0x7000, v12  }
0x53: {  	vm7 =	vlt.s32 v11, v2;
	vm4 =	vlt.s32 v4, v2;
	[tilespmem:$0x110] =	vst v7;
	v7 =	vsub.s32 v9, v0  }
0x54: {  	vm5 =	vmand vm3, vm5;
	vm2 =	vlt.s32 v8, v2;
	vm3 =	vmand vm6, vm7  }
0x55: {  	v7 =	vnsel vm5, $0x7000, v7  }
0x56: {  	vm1 =	vmand vm1, vm4;
	v4 =	vsub.s32 v4, v0;
	v6 =	vnsel vm3, $0x7000, v6;
	[tilespmem:$0x130] =	vst v7  }
0x57: {  	vm0 =	vmand vm0, vm2;
	v4 =	vnsel vm1, $0x7000, v4;
	[tilespmem:$0x140] =	vst v6  }
0x58: {  	[tilespmem:$0x150] =	vst v4;
	v4 =	vnsel vm0, $0x7000, v5  }
0x59: {  	[tilespmem:$0x120] =	vst v4  }
0x5a: {  	[tilespmem:s15], [sflag:$0x1] =	stream.indirect.gather [hbm4b:s5+s14], $0x40, s14, s14, $0xb8;
	[tilespmem:$0x1E1A0] =	vst v63  }
0x5b: {  	_ =	swait.ge [sflag:s16], $0x2000  }
0x5c: {  	[sflag:s16] =	ssyncset.done $0x0  }
0x5d: {  	[sflag:s16] =	ssyncadd.s32 $0xFFFFE000  }
0x5e: {  	[spmem:s3] =	stream.indirect.scatter.add.f32 [tilespmem:s15], [sflag:$0x2], $0x40, s17, s14, $0xb8;
	[tilespmem:$0x1E1A0] =	vst v63  }
0x5f: {  	_ =	swait.ge [sflag:s13], $0x2000  }
0x60: {  	[sflag:s13] =	ssyncset.done $0x0  }
0x61: {  	[sflag:s13] =	ssyncadd.s32 $0xFFFFE000  }
0x62: {  	[bflag:$0x0] =	sbarrier.arrive $0xFFFF  }
0x63: {  	[hbm:s7], [sflag:s6] =	dma.local [spmem:s12], $0x3800  }
0x64: {  	_ =	swait.ge [sflag:s13], $0x3800  }
0x65: {  	[sflag:s13] =	ssyncset.done $0x0  }
0x66: {  	[sflag:s13] =	ssyncadd.s32 $0xFFFFC800  }
0x67: {  	[bflag:$0x0] =	sbarrier.arrive $0xFFFF  }
0x68: {  	[spmem:s12], [sflag:s6] =	dma.local [hbm:s2], $0x3800  }
0x69: {  	_ =	swait.ge [sflag:s13], $0x3800  }
0x6a: {  	[sflag:s13] =	ssyncset.done $0x0  }
0x6b: {  	[sflag:s13] =	ssyncadd.s32 $0xFFFFC800  }
0x6c: {  	s19 =	sadd.s32 $0x0, s11;
	[bflag:$0x0] =	sbarrier.arrive $0xFFFF  }
0x6d: {  	[tilespmem:s4], [sflag:$0x2] =	stream.linear.gather [hbm4b:s19+s4], $0x80, $0x38;
	[tilespmem:$0x1E1A0] =	vst v63  }
0x6e: {  	_ =	swait.ge [sflag:s13], $0x80  }
0x6f: {  	[sflag:s13] =	ssyncset.done $0x0  }
0x70: {  	s31 =	sadd.s32 $0x0, s10;
	[sflag:s13] =	ssyncadd.s32 $0xFFFFFF80  }
0x71: {  	[tilespmem:s14], [sflag:$0x2] =	stream.linear.gather [hbm4b:s31+s4], $0x80, $0x38;
	[tilespmem:$0x1E1A0] =	vst v63  }
0x72: {  	_ =	swait.ge [sflag:s13], $0x80  }
0x73: {  	[sflag:s13] =	ssyncset.done $0x0  }
0x74: {  	[sflag:s13] =	ssyncadd.s32 $0xFFFFFF80  }
0x75: {  	v4 =	vld [tilespmem:$0x70]  }
0x76: {  	v5 =	vld [tilespmem:$0x60]  }
0x77: {  	v6 =	vld [tilespmem:$0x10]  }
0x78: {  	v9 =	vld [tilespmem:$0x30]  }
0x79: {  	v11 =	vld [tilespmem:$0x40]  }
0x7a: {  	v7 =	vld [tilespmem:$0x0]  }
0x7b: {  	vm0 =	vge.s32 v4, v1;
	vm1 =	vlt.s32 v4, v3;
	v10 =	vsub.s32 v4, v1  }
0x7c: {  	v8 =	vld [tilespmem:$0x20];
	vm2 =	vge.s32 v5, v1;
	vm3 =	vlt.s32 v5, v3;
	v5 =	vsub.s32 v5, v1  }
0x7d: {  	v12 =	vsub.s32 v6, v1;
	vm4 =	vlt.s32 v6, v3;
	vm5 =	vlt.s32 v9, v3  }
0x7e: {  	vm6 =	vge.s32 v11, v1;
	vm7 =	vlt.s32 v11, v3;
	vm2 =	vmand vm2, vm3  }
0x7f: {  	vm0 =	vmand vm0, vm1;
	vm1 =	vlt.s32 v7, v3;
	vm3 =	vge.s32 v6, v1  }
0x80: {  	v4 =	vld [tilespmem:$0x50];
	v6 =	vsub.s32 v11, v1;
	v13 =	vnsel vm2, $0x7000, v5;
	vm2 =	vge.s32 v7, v1  }
0x81: {  	v7 =	vsub.s32 v7, v1;
	v5 =	vsub.s32 v8, v1;
	v10 =	vnsel vm0, $0x7000, v10  }
0x82: {  	vm0 =	vge.s32 v8, v1;
	vm1 =	vmand vm2, vm1;
	vm2 =	vmand vm3, vm4;
	[tilespmem:$0x160] =	vst v13  }
0x83: {  	vm3 =	vge.s32 v9, v1;
	[tilespmem:$0x170] =	vst v10;
	v7 =	vnsel vm1, $0x7000, v7;
	v63 =	vnsel vm2, $0x7000, v12  }
0x84: {  	vm2 =	vlt.s32 v8, v3;
	vm5 =	vmand vm3, vm5;
	vm3 =	vmand vm6, vm7;
	[tilespmem:$0x100] =	vst v7  }
0x85: {  	s19 =	simm.s32 $0x10;
	vm1 =	vge.s32 v4, v1;
	v7 =	vsub.s32 v9, v1;
	vm4 =	vlt.s32 v4, v3;
	[tilespmem:$0x110] =	vst v63  }
.LBB2_4:
0x86: {  	p0 =	sne.s32 s19, $0x30D0;
	v7 =	vnsel vm5, $0x7000, v7;
	vm1 =	vmand vm1, vm4;
	v4 =	vsub.s32 v4, v1;
	s20 =	smov.u32 s19;
	s19 =	sadd.s32 $0x10, s19  }
0x87: {  	[tilespmem:$0x130] =	vst v7;
	v4 =	vnsel vm1, $0x7000, v4  }
0x88: {  	vm0 =	vmand vm0, vm2;
	v6 =	vnsel vm3, $0x7000, v6;
	[tilespmem:$0x150] =	vst v4  }
0x89: {  	v4 =	vnsel vm0, $0x7000, v5;
	[tilespmem:$0x140] =	vst v6  }
0x8a: {  	[tilespmem:$0x120] =	vst v4  }
0x8b: {  	[tilespmem:s15], [sflag:$0x1] =	stream.indirect.gather [hbm4b:s5+s14], $0x40, s14, s14, $0xb8;
	[tilespmem:$0x1E1A0] =	vst v63  }
0x8c: {  	_ =	swait.ge [sflag:s16], $0x2000  }
0x8d: {  	[sflag:s16] =	ssyncset.done $0x0  }
0x8e: {  	[sflag:s16] =	ssyncadd.s32 $0xFFFFE000  }
0x8f: {  	[spmem:s3] =	stream.indirect.scatter.add.f32 [tilespmem:s15], [sflag:$0x2], $0x40, s17, s14, $0xb8;
	[tilespmem:$0x1E1A0] =	vst v63  }
0x90: {  	_ =	swait.ge [sflag:s13], $0x2000  }
0x91: {  	[sflag:s13] =	ssyncset.done $0x0  }
0x92: {  	s21 =	sadd.s32 s20, s11;
	[sflag:s13] =	ssyncadd.s32 $0xFFFFE000  }
0x93: {  	[tilespmem:s4], [sflag:$0x2] =	stream.linear.gather [hbm4b:s21+s4], $0x80, $0x38;
	[tilespmem:$0x1E1A0] =	vst v63  }
0x94: {  	_ =	swait.ge [sflag:s13], $0x80  }
0x95: {  	[sflag:s13] =	ssyncset.done $0x0  }
0x96: {  	s20 =	sadd.s32 s20, s10;
	[sflag:s13] =	ssyncadd.s32 $0xFFFFFF80  }
0x97: {  	[tilespmem:s14], [sflag:$0x2] =	stream.linear.gather [hbm4b:s20+s4], $0x80, $0x38;
	[tilespmem:$0x1E1A0] =	vst v63  }
0x98: {  	_ =	swait.ge [sflag:s13], $0x80  }
0x99: {  	[sflag:s13] =	ssyncset.done $0x0  }
0x9a: {  	[sflag:s13] =	ssyncadd.s32 $0xFFFFFF80  }
0x9b: {  	v4 =	vld [tilespmem:$0x70]  }
0x9c: {  	v5 =	vld [tilespmem:$0x60]  }
0x9d: {  	v6 =	vld [tilespmem:$0x10]  }
0x9e: {  	v7 =	vld [tilespmem:$0x0]  }
0x9f: {  	v8 =	vld [tilespmem:$0x20]  }
0xa0: {  	v9 =	vld [tilespmem:$0x30];
	vm0 =	vge.s32 v4, v1;
	vm1 =	vlt.s32 v4, v3;
	v10 =	vsub.s32 v4, v1  }
0xa1: {  	v11 =	vld [tilespmem:$0x40];
	vm2 =	vge.s32 v5, v1;
	vm3 =	vlt.s32 v5, v3;
	v5 =	vsub.s32 v5, v1  }
0xa2: {  	vm0 =	vmand vm0, vm1;
	v12 =	vsub.s32 v6, v1;
	v4 =	vld [tilespmem:$0x50];
	vm2 =	vmand vm2, vm3  }
0xa3: {  	vm3 =	vge.s32 v6, v1;
	vm1 =	vlt.s32 v7, v3;
	v5 =	vnsel vm2, $0x7000, v5  }
0xa4: {  	vm4 =	vlt.s32 v6, v3;
	vm2 =	vge.s32 v7, v1;
	v7 =	vsub.s32 v7, v1;
	[tilespmem:$0x160] =	vst v5  }
0xa5: {  	v10 =	vnsel vm0, $0x7000, v10;
	vm1 =	vmand vm2, vm1;
	v5 =	vsub.s32 v8, v1  }
.Ltmp1:
0xa6: {  	vm2 =	vmand vm3, vm4;
	v7 =	vnsel vm1, $0x7000, v7;
	v6 =	vsub.s32 v11, v1;
	[tilespmem:$0x170] =	vst v10;
	(pc) =	sbr.rel @p0 .LBB2_4-.Ltmp1, $4  }
0xa7: {  	vm0 =	vge.s32 v8, v1;
	vm3 =	vge.s32 v9, v1;
	[tilespmem:$0x100] =	vst v7;
	vm1 =	vge.s32 v4, v1  }
0xa8: {  	vm5 =	vlt.s32 v9, v3;
	vm6 =	vge.s32 v11, v1;
	v7 =	vnsel vm2, $0x7000, v12  }
0xa9: {  	vm7 =	vlt.s32 v11, v3;
	vm4 =	vlt.s32 v4, v3;
	[tilespmem:$0x110] =	vst v7;
	v7 =	vsub.s32 v9, v1  }
0xaa: {  	vm5 =	vmand vm3, vm5;
	vm2 =	vlt.s32 v8, v3;
	vm3 =	vmand vm6, vm7  }
0xab: {  	v7 =	vnsel vm5, $0x7000, v7  }
0xac: {  	vm1 =	vmand vm1, vm4;
	v4 =	vsub.s32 v4, v1;
	v6 =	vnsel vm3, $0x7000, v6;
	[tilespmem:$0x130] =	vst v7  }
0xad: {  	vm0 =	vmand vm0, vm2;
	v4 =	vnsel vm1, $0x7000, v4;
	[tilespmem:$0x140] =	vst v6  }
0xae: {  	[tilespmem:$0x150] =	vst v4;
	v4 =	vnsel vm0, $0x7000, v5  }
0xaf: {  	[tilespmem:$0x120] =	vst v4  }
0xb0: {  	[tilespmem:s15], [sflag:$0x1] =	stream.indirect.gather [hbm4b:s5+s14], $0x40, s14, s14, $0xb8;
	[tilespmem:$0x1E1A0] =	vst v63  }
0xb1: {  	_ =	swait.ge [sflag:s16], $0x2000  }
0xb2: {  	[sflag:s16] =	ssyncset.done $0x0  }
0xb3: {  	[sflag:s16] =	ssyncadd.s32 $0xFFFFE000  }
0xb4: {  	[spmem:s3] =	stream.indirect.scatter.add.f32 [tilespmem:s15], [sflag:$0x2], $0x40, s17, s14, $0xb8;
	[tilespmem:$0x1E1A0] =	vst v63  }
0xb5: {  	_ =	swait.ge [sflag:s13], $0x2000  }
0xb6: {  	[sflag:s13] =	ssyncset.done $0x0  }
0xb7: {  	s18 =	sadd.s32 $0x1, s18;
	[sflag:s13] =	ssyncadd.s32 $0xFFFFE000  }
0xb8: {  	p0 =	sne.s32 s18, s9;
	[bflag:$0x0] =	sbarrier.arrive $0xFFFF  }
0xb9: {  	[hbm:s8], [sflag:s6] =	dma.local [spmem:s12], $0x3800  }
.Ltmp2:
0xba: {  	_ =	swait.ge [sflag:s13], $0x3800;
	(pc) =	sbr.rel @p0 .LBB2_1-.Ltmp2, $3  }
0xbb: {  	[sflag:s13] =	ssyncset.done $0x0  }
0xbc: {  	[sflag:s13] =	ssyncadd.s32 $0xFFFFC800  }
0xbd: {  	[bflag:$0x0] =	sbarrier.arrive $0xFFFF;
	_ =	sdelay $0x1  }
0xbe: {  	_ =	sfence.sel $0x180000  }
0xbf: {  	[bflag:$0x0] =	sbarrier.arrive $0xFFFF  }
0xc0: {  	p0 =	sne.s32 s1, $0x0;
	_ =	strace $0x9000004A  }
0xc1: {  	s0 =	sadd.s32 @!p0 $0x100000, s0;
	[bflag:$0x2] =	sbarrier.arrive $0xFFFF  }
0xc2: {  	[sflag:s0] =	ssyncadd.tile.s32 @!p0 $0x1;
	_ =	shalt  }
.Lfunc_end2:
_tile_overlayer_lowered:
.L_overlay_start_2:
0xc3: {  	(tag) =	ssettag $0x2  }
0xc4: {  	s0 =	rddreg [dreg:$0x0];
	s2 =	stileid.u32  }
0xc5: {  	s1 =	rddreg [dreg:$0x1];
	p0 =	sne.s32 s2, $0x0  }
0xc6: {  	s3 =	rddreg [dreg:$0x2];
	[bflag:$0x3] =	sbarrier.arrive $0xFFFF;
	s2 =	simm.s32 @!p0 $0x1C02  }
0xc7: {  	[timem:s3], [sflag:s2] =	dma.local @!p0 [hbm:s0], s1  }
0xc8: {  	s0 =	simm.s32 @!p0 $0x2  }
0xc9: {  	_ =	swait.ge @!p0 [sflag:s0], s1  }
0xca: {  	s1 =	ssub.s32 @!p0 $0x0, s1;
	[sflag:s0] =	ssyncset.done @!p0 $0x0  }
0xcb: {  	[sflag:s0] =	ssyncadd.s32 @!p0 s1  }
0xcc: {  	[bflag:$0x3] =	sbarrier.arrive $0xFFFF  }
0xcd: {  	_ =	shalt  }

</sc_bundles>
